<compile_context>
chip_gen: v7x
topology: tpu7x:2x2x1
jax: 0.10.2.dev20260603
libtpu: 0.0.44.dev20260713+nightly
codegen_flags: <defaults>
</compile_context>

<pallas_src>
import functools

import jax
import jax.numpy as jnp
from jax import lax
from jax.experimental import pallas as pl
from jax.experimental.pallas import tpu as pltpu
from jax.experimental.pallas import tpu_sc as plsc

_NC = 2
_NS = 16
_NW = _NC * _NS
_L = 16
_SL = 8
_W = 128
_CH = 64
_NB = 4


def _sc_body(rows_per_w, n_j, x_ref, y_ref, o_ref, *refs):
    wid = lax.axis_index("c") * _NS + lax.axis_index("s")
    base = wid * rows_per_w
    n_chunks = rows_per_w // _CH
    y2 = y_ref
    o2 = o_ref
    xvs, yvs, ovs = refs[0:_NB], refs[_NB:2 * _NB], refs[2 * _NB:3 * _NB]
    xss = refs[3 * _NB:4 * _NB]
    yss = refs[4 * _NB:5 * _NB]
    oss = refs[5 * _NB:6 * _NB]

    def start_in(k):
        b = k % _NB
        xsrc = x_ref.at[pl.ds((base + k * _CH) // _SL, _CH // _SL), :, pl.ds(0, _W)]
        ysrc = y2.at[pl.ds((base + k * _CH) // _SL, _CH // _SL), :, :]
        return (pltpu.async_copy(xsrc, xvs[b], xss[b]),
                pltpu.async_copy(ysrc, yvs[b], yss[b]))

    def start_out(k):
        b = k % _NB
        return pltpu.async_copy(
            ovs[b], o2.at[pl.ds((base + k * _CH) // _SL, _CH // _SL), :, :], oss[b])

    iota = lax.iota(jnp.int32, _L)
    copies = {k: start_in(k) for k in range(_NB - 1)}
    stores = {}
    l16s = [iota + t * _L for t in range(_CH // _L)]
    row_hi = [lax.shift_right_logical(l, 3) for l in l16s]
    row_lo = [lax.bitwise_and(l, jnp.int32(7)) for l in l16s]
    cols = {c: jnp.full((_L,), c, jnp.int32) for c in (0, 1, 2, 3)}

    for k in range(n_chunks):
        if k + _NB - 1 < n_chunks:
            copies[k + _NB - 1] = start_in(k + _NB - 1)
        for c in copies.pop(k):
            c.wait()
        if k >= _NB:
            stores.pop(k - _NB).wait()
        xv, yv, ov = xvs[k % _NB], yvs[k % _NB], ovs[k % _NB]
        for t in range(_CH // _L):
            for j, c in enumerate((3, 1, 2)):
                g = plsc.load_gather(xv, [row_hi[t], row_lo[t], cols[c]])
                yj = plsc.load_gather(yv, [row_hi[t], row_lo[t], cols[j]])
                plsc.store_scatter(ov, [row_hi[t], row_lo[t], cols[j]], g + yj)
        stores[k] = start_out(k)

    for k in stores:
        stores[k].wait()


def kernel(x, y):
    B, S, D = x.shape
    J = y.shape[-1]
    R = B * S
    rows_per_w = R // _NW

    x3 = x.reshape(R // _SL, _SL, D)
    y3 = y.reshape(R // _SL, _SL, J)

    mesh = plsc.VectorSubcoreMesh(core_axis_name="c", subcore_axis_name="s")
    scratch = (
        [pltpu.VMEM((_CH // _SL, _SL, _W), x.dtype)] * _NB
        + [pltpu.VMEM((_CH // _SL, _SL, J), x.dtype)] * (2 * _NB)
        + [pltpu.SemaphoreType.DMA] * (3 * _NB)
    )
    out = pl.kernel(
        functools.partial(_sc_body, rows_per_w, J),
        out_type=jax.ShapeDtypeStruct((R // _SL, _SL, J), x.dtype),
        mesh=mesh,
        compiler_params=pltpu.CompilerParams(needs_layout_passes=False),
        scratch_types=scratch,
    )(x3, y3)
    return out.reshape(B, S, J)

# --- scband reference (transcript-rebuilt; emitter-appended) ---
"""Pipeline reference for scband-simple-index-select-with-const-index-23141283791661 (READ-ONLY COPY).

The authoritative reference and input builder live on the scoring server;
editing this copy changes nothing except your own understanding.
"""

import jax, jax.numpy as jnp
import numpy as np

IDX = jnp.array([3, 1, 2], dtype=jnp.int32)

def setup_inputs(seed: int = 0) -> dict:
    key = jax.random.key(seed)
    k1, k2 = jax.random.split(key)
    x = jax.random.normal(k1, (2, 8192, 2048), dtype=jnp.float32)
    y = jax.random.normal(k2, (2, 8192, 3), dtype=jnp.float32)
    return {"x": x, "y": y}

def reference(x, y):
    # torch.index_select(x, 2, idx) + y  with constant idx = [3, 1, 2]
    gathered = jnp.take(x, IDX, axis=2)
    return gathered + y

if __name__ == "__main__":
    import jax
    _d = setup_inputs()
    print(jax.jit(kernel)(*tuple(_d.values())))

</pallas_src>

<mosaic_0001>
#map = affine_map<(d0, d1) -> (0, 0, 0)>
module attributes {stable_mosaic.version = 14 : i64} {
  func.func @_sc_body(%arg0: i32, %arg1: i32, %arg2: memref<2048x8x2048xf32, #tpu.memory_space<hbm>>, %arg3: memref<2048x8x3xf32, #tpu.memory_space<hbm>>, %arg4: memref<2048x8x3xf32, #tpu.memory_space<hbm>>, %arg5: memref<8x8x128xf32, #tpu.memory_space<vmem>>, %arg6: memref<8x8x128xf32, #tpu.memory_space<vmem>>, %arg7: memref<8x8x128xf32, #tpu.memory_space<vmem>>, %arg8: memref<8x8x128xf32, #tpu.memory_space<vmem>>, %arg9: memref<8x8x3xf32, #tpu.memory_space<vmem>>, %arg10: memref<8x8x3xf32, #tpu.memory_space<vmem>>, %arg11: memref<8x8x3xf32, #tpu.memory_space<vmem>>, %arg12: memref<8x8x3xf32, #tpu.memory_space<vmem>>, %arg13: memref<8x8x3xf32, #tpu.memory_space<vmem>>, %arg14: memref<8x8x3xf32, #tpu.memory_space<vmem>>, %arg15: memref<8x8x3xf32, #tpu.memory_space<vmem>>, %arg16: memref<8x8x3xf32, #tpu.memory_space<vmem>>, %arg17: memref<!tpu.dma_semaphore, #tpu.memory_space<semaphore_mem>>, %arg18: memref<!tpu.dma_semaphore, #tpu.memory_space<semaphore_mem>>, %arg19: memref<!tpu.dma_semaphore, #tpu.memory_space<semaphore_mem>>, %arg20: memref<!tpu.dma_semaphore, #tpu.memory_space<semaphore_mem>>, %arg21: memref<!tpu.dma_semaphore, #tpu.memory_space<semaphore_mem>>, %arg22: memref<!tpu.dma_semaphore, #tpu.memory_space<semaphore_mem>>, %arg23: memref<!tpu.dma_semaphore, #tpu.memory_space<semaphore_mem>>, %arg24: memref<!tpu.dma_semaphore, #tpu.memory_space<semaphore_mem>>, %arg25: memref<!tpu.dma_semaphore, #tpu.memory_space<semaphore_mem>>, %arg26: memref<!tpu.dma_semaphore, #tpu.memory_space<semaphore_mem>>, %arg27: memref<!tpu.dma_semaphore, #tpu.memory_space<semaphore_mem>>, %arg28: memref<!tpu.dma_semaphore, #tpu.memory_space<semaphore_mem>>) attributes {dimension_semantics = [#tpu.dimension_semantics<core_parallel>, #tpu.dimension_semantics<subcore_parallel>], iteration_bounds = array<i64: 2, 16>, scalar_prefetch = 0 : i64, scratch_operands = 24 : i64, tpu.core_type = #tpu.core_type<sc_vector_subcore>, window_params = [{transform_indices = #map}, {transform_indices = #map}, {transform_indices = #map}]} {
    %mul3A = arith.constant 16 : i32
    %mul3A_0 = arith.muli %arg0, %mul3A : i32
    %add3A = arith.addi %mul3A_0, %arg1 : i32
    %mul3A_1 = arith.constant 512 : i32
    %mul3A_2 = arith.muli %add3A, %mul3A_1 : i32
    %iota3A = tpu.iota {dimensions = array<i32: 0>} : vector<16xi32>
    %add3A_3 = arith.constant 0 : i32
    %add3A_4 = arith.addi %mul3A_2, %add3A_3 : i32
    %jit3A = arith.constant 8 : i32
    %div3A = arith.divsi %add3A_4, %jit3A : i32
    %sign3A = arith.constant 0 : i32
    %sign3A_5 = arith.cmpi sgt, %add3A_4, %sign3A : i32
    %sign3A_6 = arith.extui %sign3A_5 : i1 to i32
    %sign3A_7 = arith.constant 0 : i32
    %sign3A_8 = arith.cmpi slt, %add3A_4, %sign3A_7 : i32
    %sign3A_9 = arith.extui %sign3A_8 : i1 to i32
    %sign3A_10 = arith.subi %sign3A_6, %sign3A_9 : i32
    %sign3A_11 = arith.constant 0 : i32
    %sign3A_12 = arith.cmpi sgt, %jit3A, %sign3A_11 : i32
    %sign3A_13 = arith.extui %sign3A_12 : i1 to i32
    %sign3A_14 = arith.constant 0 : i32
    %sign3A_15 = arith.cmpi slt, %jit3A, %sign3A_14 : i32
    %sign3A_16 = arith.extui %sign3A_15 : i1 to i32
    %sign3A_17 = arith.subi %sign3A_13, %sign3A_16 : i32
    %ne3A = arith.cmpi ne, %sign3A_10, %sign3A_17 : i32
    %rem3A = arith.remsi %add3A_4, %jit3A : i32
    %ne3A_18 = arith.constant 0 : i32
    %ne3A_19 = arith.cmpi ne, %rem3A, %ne3A_18 : i32
    %and3A = arith.andi %ne3A, %ne3A_19 : i1
    %sub3A = arith.constant 1 : i32
    %sub3A_20 = arith.subi %div3A, %sub3A : i32
    %select_n3A = arith.select %and3A, %sub3A_20, %div3A : i32
    %add3A_21 = arith.constant 0 : i32
    %add3A_22 = arith.addi %mul3A_2, %add3A_21 : i32
    %jit3A_23 = arith.constant 8 : i32
    %div3A_24 = arith.divsi %add3A_22, %jit3A_23 : i32
    %sign3A_25 = arith.constant 0 : i32
    %sign3A_26 = arith.cmpi sgt, %add3A_22, %sign3A_25 : i32
    %sign3A_27 = arith.extui %sign3A_26 : i1 to i32
    %sign3A_28 = arith.constant 0 : i32
    %sign3A_29 = arith.cmpi slt, %add3A_22, %sign3A_28 : i32
    %sign3A_30 = arith.extui %sign3A_29 : i1 to i32
    %sign3A_31 = arith.subi %sign3A_27, %sign3A_30 : i32
    %sign3A_32 = arith.constant 0 : i32
    %sign3A_33 = arith.cmpi sgt, %jit3A_23, %sign3A_32 : i32
    %sign3A_34 = arith.extui %sign3A_33 : i1 to i32
    %sign3A_35 = arith.constant 0 : i32
    %sign3A_36 = arith.cmpi slt, %jit3A_23, %sign3A_35 : i32
    %sign3A_37 = arith.extui %sign3A_36 : i1 to i32
    %sign3A_38 = arith.subi %sign3A_34, %sign3A_37 : i32
    %ne3A_39 = arith.cmpi ne, %sign3A_31, %sign3A_38 : i32
    %rem3A_40 = arith.remsi %add3A_22, %jit3A_23 : i32
    %ne3A_41 = arith.constant 0 : i32
    %ne3A_42 = arith.cmpi ne, %rem3A_40, %ne3A_41 : i32
    %and3A_43 = arith.andi %ne3A_39, %ne3A_42 : i1
    %sub3A_44 = arith.constant 1 : i32
    %sub3A_45 = arith.subi %div3A_24, %sub3A_44 : i32
    %select_n3A_46 = arith.select %and3A_43, %sub3A_45, %div3A_24 : i32
    %dma_start3A = arith.constant 0 : i32
    %dma_start3A_47 = arith.constant 0 : i32
    %dma_start3A_48 = tpu.memref_slice %arg2[%select_n3A, %dma_start3A, %dma_start3A_47] : memref<2048x8x2048xf32, #tpu.memory_space<hbm>> -> memref<8x8x128xf32, #tpu.memory_space<hbm>>
    %dma_start3A_49 = arith.constant 0 : i32
    %dma_start3A_50 = arith.constant 0 : i32
    %dma_start3A_51 = tpu.memref_slice %arg2[%select_n3A, %dma_start3A_49, %dma_start3A_50] : memref<2048x8x2048xf32, #tpu.memory_space<hbm>> -> memref<8x8x128xf32, #tpu.memory_space<hbm>>
    tpu.enqueue_dma source(%dma_start3A_51 : memref<8x8x128xf32, #tpu.memory_space<hbm>>) target(%arg5 : memref<8x8x128xf32, #tpu.memory_space<vmem>>) target_semaphore(%arg17 : memref<!tpu.dma_semaphore, #tpu.memory_space<semaphore_mem>>)
    %dma_start3A_52 = arith.constant 0 : i32
    %dma_start3A_53 = arith.constant 0 : i32
    %dma_start3A_54 = tpu.memref_slice %arg3[%select_n3A_46, %dma_start3A_52, %dma_start3A_53] : memref<2048x8x3xf32, #tpu.memory_space<hbm>> -> memref<8x8x3xf32, #tpu.memory_space<hbm>>
    %dma_start3A_55 = arith.constant 0 : i32
    %dma_start3A_56 = arith.constant 0 : i32
    %dma_start3A_57 = tpu.memref_slice %arg3[%select_n3A_46, %dma_start3A_55, %dma_start3A_56] : memref<2048x8x3xf32, #tpu.memory_space<hbm>> -> memref<8x8x3xf32, #tpu.memory_space<hbm>>
    tpu.enqueue_dma source(%dma_start3A_57 : memref<8x8x3xf32, #tpu.memory_space<hbm>>) target(%arg9 : memref<8x8x3xf32, #tpu.memory_space<vmem>>) target_semaphore(%arg21 : memref<!tpu.dma_semaphore, #tpu.memory_space<semaphore_mem>>)
    %add3A_58 = arith.constant 64 : i32
    %add3A_59 = arith.addi %mul3A_2, %add3A_58 : i32
    %jit3A_60 = arith.constant 8 : i32
    %div3A_61 = arith.divsi %add3A_59, %jit3A_60 : i32
    %sign3A_62 = arith.constant 0 : i32
    %sign3A_63 = arith.cmpi sgt, %add3A_59, %sign3A_62 : i32
    %sign3A_64 = arith.extui %sign3A_63 : i1 to i32
    %sign3A_65 = arith.constant 0 : i32
    %sign3A_66 = arith.cmpi slt, %add3A_59, %sign3A_65 : i32
    %sign3A_67 = arith.extui %sign3A_66 : i1 to i32
    %sign3A_68 = arith.subi %sign3A_64, %sign3A_67 : i32
    %sign3A_69 = arith.constant 0 : i32
    %sign3A_70 = arith.cmpi sgt, %jit3A_60, %sign3A_69 : i32
    %sign3A_71 = arith.extui %sign3A_70 : i1 to i32
    %sign3A_72 = arith.constant 0 : i32
    %sign3A_73 = arith.cmpi slt, %jit3A_60, %sign3A_72 : i32
    %sign3A_74 = arith.extui %sign3A_73 : i1 to i32
    %sign3A_75 = arith.subi %sign3A_71, %sign3A_74 : i32
    %ne3A_76 = arith.cmpi ne, %sign3A_68, %sign3A_75 : i32
    %rem3A_77 = arith.remsi %add3A_59, %jit3A_60 : i32
    %ne3A_78 = arith.constant 0 : i32
    %ne3A_79 = arith.cmpi ne, %rem3A_77, %ne3A_78 : i32
    %and3A_80 = arith.andi %ne3A_76, %ne3A_79 : i1
    %sub3A_81 = arith.constant 1 : i32
    %sub3A_82 = arith.subi %div3A_61, %sub3A_81 : i32
    %select_n3A_83 = arith.select %and3A_80, %sub3A_82, %div3A_61 : i32
    %add3A_84 = arith.constant 64 : i32
    %add3A_85 = arith.addi %mul3A_2, %add3A_84 : i32
    %jit3A_86 = arith.constant 8 : i32
    %div3A_87 = arith.divsi %add3A_85, %jit3A_86 : i32
    %sign3A_88 = arith.constant 0 : i32
    %sign3A_89 = arith.cmpi sgt, %add3A_85, %sign3A_88 : i32
    %sign3A_90 = arith.extui %sign3A_89 : i1 to i32
    %sign3A_91 = arith.constant 0 : i32
    %sign3A_92 = arith.cmpi slt, %add3A_85, %sign3A_91 : i32
    %sign3A_93 = arith.extui %sign3A_92 : i1 to i32
    %sign3A_94 = arith.subi %sign3A_90, %sign3A_93 : i32
    %sign3A_95 = arith.constant 0 : i32
    %sign3A_96 = arith.cmpi sgt, %jit3A_86, %sign3A_95 : i32
    %sign3A_97 = arith.extui %sign3A_96 : i1 to i32
    %sign3A_98 = arith.constant 0 : i32
    %sign3A_99 = arith.cmpi slt, %jit3A_86, %sign3A_98 : i32
    %sign3A_100 = arith.extui %sign3A_99 : i1 to i32
    %sign3A_101 = arith.subi %sign3A_97, %sign3A_100 : i32
    %ne3A_102 = arith.cmpi ne, %sign3A_94, %sign3A_101 : i32
    %rem3A_103 = arith.remsi %add3A_85, %jit3A_86 : i32
    %ne3A_104 = arith.constant 0 : i32
    %ne3A_105 = arith.cmpi ne, %rem3A_103, %ne3A_104 : i32
    %and3A_106 = arith.andi %ne3A_102, %ne3A_105 : i1
    %sub3A_107 = arith.constant 1 : i32
    %sub3A_108 = arith.subi %div3A_87, %sub3A_107 : i32
    %select_n3A_109 = arith.select %and3A_106, %sub3A_108, %div3A_87 : i32
    %dma_start3A_110 = arith.constant 0 : i32
    %dma_start3A_111 = arith.constant 0 : i32
    %dma_start3A_112 = tpu.memref_slice %arg2[%select_n3A_83, %dma_start3A_110, %dma_start3A_111] : memref<2048x8x2048xf32, #tpu.memory_space<hbm>> -> memref<8x8x128xf32, #tpu.memory_space<hbm>>
    %dma_start3A_113 = arith.constant 0 : i32
    %dma_start3A_114 = arith.constant 0 : i32
    %dma_start3A_115 = tpu.memref_slice %arg2[%select_n3A_83, %dma_start3A_113, %dma_start3A_114] : memref<2048x8x2048xf32, #tpu.memory_space<hbm>> -> memref<8x8x128xf32, #tpu.memory_space<hbm>>
    tpu.enqueue_dma source(%dma_start3A_115 : memref<8x8x128xf32, #tpu.memory_space<hbm>>) target(%arg6 : memref<8x8x128xf32, #tpu.memory_space<vmem>>) target_semaphore(%arg18 : memref<!tpu.dma_semaphore, #tpu.memory_space<semaphore_mem>>)
    %dma_start3A_116 = arith.constant 0 : i32
    %dma_start3A_117 = arith.constant 0 : i32
    %dma_start3A_118 = tpu.memref_slice %arg3[%select_n3A_109, %dma_start3A_116, %dma_start3A_117] : memref<2048x8x3xf32, #tpu.memory_space<hbm>> -> memref<8x8x3xf32, #tpu.memory_space<hbm>>
    %dma_start3A_119 = arith.constant 0 : i32
    %dma_start3A_120 = arith.constant 0 : i32
    %dma_start3A_121 = tpu.memref_slice %arg3[%select_n3A_109, %dma_start3A_119, %dma_start3A_120] : memref<2048x8x3xf32, #tpu.memory_space<hbm>> -> memref<8x8x3xf32, #tpu.memory_space<hbm>>
    tpu.enqueue_dma source(%dma_start3A_121 : memref<8x8x3xf32, #tpu.memory_space<hbm>>) target(%arg10 : memref<8x8x3xf32, #tpu.memory_space<vmem>>) target_semaphore(%arg22 : memref<!tpu.dma_semaphore, #tpu.memory_space<semaphore_mem>>)
    %add3A_122 = arith.constant 128 : i32
    %add3A_123 = arith.addi %mul3A_2, %add3A_122 : i32
    %jit3A_124 = arith.constant 8 : i32
    %div3A_125 = arith.divsi %add3A_123, %jit3A_124 : i32
    %sign3A_126 = arith.constant 0 : i32
    %sign3A_127 = arith.cmpi sgt, %add3A_123, %sign3A_126 : i32
    %sign3A_128 = arith.extui %sign3A_127 : i1 to i32
    %sign3A_129 = arith.constant 0 : i32
    %sign3A_130 = arith.cmpi slt, %add3A_123, %sign3A_129 : i32
    %sign3A_131 = arith.extui %sign3A_130 : i1 to i32
    %sign3A_132 = arith.subi %sign3A_128, %sign3A_131 : i32
    %sign3A_133 = arith.constant 0 : i32
    %sign3A_134 = arith.cmpi sgt, %jit3A_124, %sign3A_133 : i32
    %sign3A_135 = arith.extui %sign3A_134 : i1 to i32
    %sign3A_136 = arith.constant 0 : i32
    %sign3A_137 = arith.cmpi slt, %jit3A_124, %sign3A_136 : i32
    %sign3A_138 = arith.extui %sign3A_137 : i1 to i32
    %sign3A_139 = arith.subi %sign3A_135, %sign3A_138 : i32
    %ne3A_140 = arith.cmpi ne, %sign3A_132, %sign3A_139 : i32
    %rem3A_141 = arith.remsi %add3A_123, %jit3A_124 : i32
    %ne3A_142 = arith.constant 0 : i32
    %ne3A_143 = arith.cmpi ne, %rem3A_141, %ne3A_142 : i32
    %and3A_144 = arith.andi %ne3A_140, %ne3A_143 : i1
    %sub3A_145 = arith.constant 1 : i32
    %sub3A_146 = arith.subi %div3A_125, %sub3A_145 : i32
    %select_n3A_147 = arith.select %and3A_144, %sub3A_146, %div3A_125 : i32
    %add3A_148 = arith.constant 128 : i32
    %add3A_149 = arith.addi %mul3A_2, %add3A_148 : i32
    %jit3A_150 = arith.constant 8 : i32
    %div3A_151 = arith.divsi %add3A_149, %jit3A_150 : i32
    %sign3A_152 = arith.constant 0 : i32
    %sign3A_153 = arith.cmpi sgt, %add3A_149, %sign3A_152 : i32
    %sign3A_154 = arith.extui %sign3A_153 : i1 to i32
    %sign3A_155 = arith.constant 0 : i32
    %sign3A_156 = arith.cmpi slt, %add3A_149, %sign3A_155 : i32
    %sign3A_157 = arith.extui %sign3A_156 : i1 to i32
    %sign3A_158 = arith.subi %sign3A_154, %sign3A_157 : i32
    %sign3A_159 = arith.constant 0 : i32
    %sign3A_160 = arith.cmpi sgt, %jit3A_150, %sign3A_159 : i32
    %sign3A_161 = arith.extui %sign3A_160 : i1 to i32
    %sign3A_162 = arith.constant 0 : i32
    %sign3A_163 = arith.cmpi slt, %jit3A_150, %sign3A_162 : i32
    %sign3A_164 = arith.extui %sign3A_163 : i1 to i32
    %sign3A_165 = arith.subi %sign3A_161, %sign3A_164 : i32
    %ne3A_166 = arith.cmpi ne, %sign3A_158, %sign3A_165 : i32
    %rem3A_167 = arith.remsi %add3A_149, %jit3A_150 : i32
    %ne3A_168 = arith.constant 0 : i32
    %ne3A_169 = arith.cmpi ne, %rem3A_167, %ne3A_168 : i32
    %and3A_170 = arith.andi %ne3A_166, %ne3A_169 : i1
    %sub3A_171 = arith.constant 1 : i32
    %sub3A_172 = arith.subi %div3A_151, %sub3A_171 : i32
    %select_n3A_173 = arith.select %and3A_170, %sub3A_172, %div3A_151 : i32
    %dma_start3A_174 = arith.constant 0 : i32
    %dma_start3A_175 = arith.constant 0 : i32
    %dma_start3A_176 = tpu.memref_slice %arg2[%select_n3A_147, %dma_start3A_174, %dma_start3A_175] : memref<2048x8x2048xf32, #tpu.memory_space<hbm>> -> memref<8x8x128xf32, #tpu.memory_space<hbm>>
    %dma_start3A_177 = arith.constant 0 : i32
    %dma_start3A_178 = arith.constant 0 : i32
    %dma_start3A_179 = tpu.memref_slice %arg2[%select_n3A_147, %dma_start3A_177, %dma_start3A_178] : memref<2048x8x2048xf32, #tpu.memory_space<hbm>> -> memref<8x8x128xf32, #tpu.memory_space<hbm>>
    tpu.enqueue_dma source(%dma_start3A_179 : memref<8x8x128xf32, #tpu.memory_space<hbm>>) target(%arg7 : memref<8x8x128xf32, #tpu.memory_space<vmem>>) target_semaphore(%arg19 : memref<!tpu.dma_semaphore, #tpu.memory_space<semaphore_mem>>)
    %dma_start3A_180 = arith.constant 0 : i32
    %dma_start3A_181 = arith.constant 0 : i32
    %dma_start3A_182 = tpu.memref_slice %arg3[%select_n3A_173, %dma_start3A_180, %dma_start3A_181] : memref<2048x8x3xf32, #tpu.memory_space<hbm>> -> memref<8x8x3xf32, #tpu.memory_space<hbm>>
    %dma_start3A_183 = arith.constant 0 : i32
    %dma_start3A_184 = arith.constant 0 : i32
    %dma_start3A_185 = tpu.memref_slice %arg3[%select_n3A_173, %dma_start3A_183, %dma_start3A_184] : memref<2048x8x3xf32, #tpu.memory_space<hbm>> -> memref<8x8x3xf32, #tpu.memory_space<hbm>>
    tpu.enqueue_dma source(%dma_start3A_185 : memref<8x8x3xf32, #tpu.memory_space<hbm>>) target(%arg11 : memref<8x8x3xf32, #tpu.memory_space<vmem>>) target_semaphore(%arg23 : memref<!tpu.dma_semaphore, #tpu.memory_space<semaphore_mem>>)
    %add3A_186 = arith.constant 0 : i32
    %add3A_187 = vector.broadcast %add3A_186 : i32 to vector<16xi32>
    %add3A_188 = arith.addi %iota3A, %add3A_187 : vector<16xi32>
    %add3A_189 = arith.constant 16 : i32
    %add3A_190 = vector.broadcast %add3A_189 : i32 to vector<16xi32>
    %add3A_191 = arith.addi %iota3A, %add3A_190 : vector<16xi32>
    %add3A_192 = arith.constant 32 : i32
    %add3A_193 = vector.broadcast %add3A_192 : i32 to vector<16xi32>
    %add3A_194 = arith.addi %iota3A, %add3A_193 : vector<16xi32>
    %add3A_195 = arith.constant 48 : i32
    %add3A_196 = vector.broadcast %add3A_195 : i32 to vector<16xi32>
    %add3A_197 = arith.addi %iota3A, %add3A_196 : vector<16xi32>
    %shift_right_logical3A = arith.constant 3 : i32
    %shift_right_logical3A_198 = vector.broadcast %shift_right_logical3A : i32 to vector<16xi32>
    %shift_right_logical3A_199 = arith.shrui %add3A_188, %shift_right_logical3A_198 : vector<16xi32>
    %shift_right_logical3A_200 = arith.constant 3 : i32
    %shift_right_logical3A_201 = vector.broadcast %shift_right_logical3A_200 : i32 to vector<16xi32>
    %shift_right_logical3A_202 = arith.shrui %add3A_191, %shift_right_logical3A_201 : vector<16xi32>
    %shift_right_logical3A_203 = arith.constant 3 : i32
    %shift_right_logical3A_204 = vector.broadcast %shift_right_logical3A_203 : i32 to vector<16xi32>
    %shift_right_logical3A_205 = arith.shrui %add3A_194, %shift_right_logical3A_204 : vector<16xi32>
    %shift_right_logical3A_206 = arith.constant 3 : i32
    %shift_right_logical3A_207 = vector.broadcast %shift_right_logical3A_206 : i32 to vector<16xi32>
    %shift_right_logical3A_208 = arith.shrui %add3A_197, %shift_right_logical3A_207 : vector<16xi32>
    %and3A_209 = arith.constant 7 : i32
    %and3A_210 = vector.broadcast %and3A_209 : i32 to vector<16xi32>
    %and3A_211 = arith.andi %add3A_188, %and3A_210 : vector<16xi32>
    %and3A_212 = arith.constant 7 : i32
    %and3A_213 = vector.broadcast %and3A_212 : i32 to vector<16xi32>
    %and3A_214 = arith.andi %add3A_191, %and3A_213 : vector<16xi32>
    %and3A_215 = arith.constant 7 : i32
    %and3A_216 = vector.broadcast %and3A_215 : i32 to vector<16xi32>
    %and3A_217 = arith.andi %add3A_194, %and3A_216 : vector<16xi32>
    %and3A_218 = arith.constant 7 : i32
    %and3A_219 = vector.broadcast %and3A_218 : i32 to vector<16xi32>
    %and3A_220 = arith.andi %add3A_197, %and3A_219 : vector<16xi32>
    %broadcast_in_dim3A = arith.constant 0 : i32
    %broadcast_in_dim3A_221 = vector.broadcast %broadcast_in_dim3A : i32 to vector<16xi32>
    %broadcast_in_dim3A_222 = arith.constant 1 : i32
    %broadcast_in_dim3A_223 = vector.broadcast %broadcast_in_dim3A_222 : i32 to vector<16xi32>
    %broadcast_in_dim3A_224 = arith.constant 2 : i32
    %broadcast_in_dim3A_225 = vector.broadcast %broadcast_in_dim3A_224 : i32 to vector<16xi32>
    %broadcast_in_dim3A_226 = arith.constant 3 : i32
    %broadcast_in_dim3A_227 = vector.broadcast %broadcast_in_dim3A_226 : i32 to vector<16xi32>
    %add3A_228 = arith.constant 192 : i32
    %add3A_229 = arith.addi %mul3A_2, %add3A_228 : i32
    %jit3A_230 = arith.constant 8 : i32
    %div3A_231 = arith.divsi %add3A_229, %jit3A_230 : i32
    %sign3A_232 = arith.constant 0 : i32
    %sign3A_233 = arith.cmpi sgt, %add3A_229, %sign3A_232 : i32
    %sign3A_234 = arith.extui %sign3A_233 : i1 to i32
    %sign3A_235 = arith.constant 0 : i32
    %sign3A_236 = arith.cmpi slt, %add3A_229, %sign3A_235 : i32
    %sign3A_237 = arith.extui %sign3A_236 : i1 to i32
    %sign3A_238 = arith.subi %sign3A_234, %sign3A_237 : i32
    %sign3A_239 = arith.constant 0 : i32
    %sign3A_240 = arith.cmpi sgt, %jit3A_230, %sign3A_239 : i32
    %sign3A_241 = arith.extui %sign3A_240 : i1 to i32
    %sign3A_242 = arith.constant 0 : i32
    %sign3A_243 = arith.cmpi slt, %jit3A_230, %sign3A_242 : i32
    %sign3A_244 = arith.extui %sign3A_243 : i1 to i32
    %sign3A_245 = arith.subi %sign3A_241, %sign3A_244 : i32
    %ne3A_246 = arith.cmpi ne, %sign3A_238, %sign3A_245 : i32
    %rem3A_247 = arith.remsi %add3A_229, %jit3A_230 : i32
    %ne3A_248 = arith.constant 0 : i32
    %ne3A_249 = arith.cmpi ne, %rem3A_247, %ne3A_248 : i32
    %and3A_250 = arith.andi %ne3A_246, %ne3A_249 : i1
    %sub3A_251 = arith.constant 1 : i32
    %sub3A_252 = arith.subi %div3A_231, %sub3A_251 : i32
    %select_n3A_253 = arith.select %and3A_250, %sub3A_252, %div3A_231 : i32
    %add3A_254 = arith.constant 192 : i32
    %add3A_255 = arith.addi %mul3A_2, %add3A_254 : i32
    %jit3A_256 = arith.constant 8 : i32
    %div3A_257 = arith.divsi %add3A_255, %jit3A_256 : i32
    %sign3A_258 = arith.constant 0 : i32
    %sign3A_259 = arith.cmpi sgt, %add3A_255, %sign3A_258 : i32
    %sign3A_260 = arith.extui %sign3A_259 : i1 to i32
    %sign3A_261 = arith.constant 0 : i32
    %sign3A_262 = arith.cmpi slt, %add3A_255, %sign3A_261 : i32
    %sign3A_263 = arith.extui %sign3A_262 : i1 to i32
    %sign3A_264 = arith.subi %sign3A_260, %sign3A_263 : i32
    %sign3A_265 = arith.constant 0 : i32
    %sign3A_266 = arith.cmpi sgt, %jit3A_256, %sign3A_265 : i32
    %sign3A_267 = arith.extui %sign3A_266 : i1 to i32
    %sign3A_268 = arith.constant 0 : i32
    %sign3A_269 = arith.cmpi slt, %jit3A_256, %sign3A_268 : i32
    %sign3A_270 = arith.extui %sign3A_269 : i1 to i32
    %sign3A_271 = arith.subi %sign3A_267, %sign3A_270 : i32
    %ne3A_272 = arith.cmpi ne, %sign3A_264, %sign3A_271 : i32
    %rem3A_273 = arith.remsi %add3A_255, %jit3A_256 : i32
    %ne3A_274 = arith.constant 0 : i32
    %ne3A_275 = arith.cmpi ne, %rem3A_273, %ne3A_274 : i32
    %and3A_276 = arith.andi %ne3A_272, %ne3A_275 : i1
    %sub3A_277 = arith.constant 1 : i32
    %sub3A_278 = arith.subi %div3A_257, %sub3A_277 : i32
    %select_n3A_279 = arith.select %and3A_276, %sub3A_278, %div3A_257 : i32
    %dma_start3A_280 = arith.constant 0 : i32
    %dma_start3A_281 = arith.constant 0 : i32
    %dma_start3A_282 = tpu.memref_slice %arg2[%select_n3A_253, %dma_start3A_280, %dma_start3A_281] : memref<2048x8x2048xf32, #tpu.memory_space<hbm>> -> memref<8x8x128xf32, #tpu.memory_space<hbm>>
    %dma_start3A_283 = arith.constant 0 : i32
    %dma_start3A_284 = arith.constant 0 : i32
    %dma_start3A_285 = tpu.memref_slice %arg2[%select_n3A_253, %dma_start3A_283, %dma_start3A_284] : memref<2048x8x2048xf32, #tpu.memory_space<hbm>> -> memref<8x8x128xf32, #tpu.memory_space<hbm>>
    tpu.enqueue_dma source(%dma_start3A_285 : memref<8x8x128xf32, #tpu.memory_space<hbm>>) target(%arg8 : memref<8x8x128xf32, #tpu.memory_space<vmem>>) target_semaphore(%arg20 : memref<!tpu.dma_semaphore, #tpu.memory_space<semaphore_mem>>)
    %dma_start3A_286 = arith.constant 0 : i32
    %dma_start3A_287 = arith.constant 0 : i32
    %dma_start3A_288 = tpu.memref_slice %arg3[%select_n3A_279, %dma_start3A_286, %dma_start3A_287] : memref<2048x8x3xf32, #tpu.memory_space<hbm>> -> memref<8x8x3xf32, #tpu.memory_space<hbm>>
    %dma_start3A_289 = arith.constant 0 : i32
    %dma_start3A_290 = arith.constant 0 : i32
    %dma_start3A_291 = tpu.memref_slice %arg3[%select_n3A_279, %dma_start3A_289, %dma_start3A_290] : memref<2048x8x3xf32, #tpu.memory_space<hbm>> -> memref<8x8x3xf32, #tpu.memory_space<hbm>>
    tpu.enqueue_dma source(%dma_start3A_291 : memref<8x8x3xf32, #tpu.memory_space<hbm>>) target(%arg12 : memref<8x8x3xf32, #tpu.memory_space<vmem>>) target_semaphore(%arg24 : memref<!tpu.dma_semaphore, #tpu.memory_space<semaphore_mem>>)
    %dma_wait3A = arith.constant 0 : i32
    %dma_wait3A_292 = arith.constant 0 : i32
    %dma_wait3A_293 = tpu.memref_slice %arg2[%select_n3A, %dma_wait3A, %dma_wait3A_292] : memref<2048x8x2048xf32, #tpu.memory_space<hbm>> -> memref<8x8x128xf32, #tpu.memory_space<hbm>>
    %dma_wait3A_294 = arith.constant 0 : i32
    %dma_wait3A_295 = arith.constant 0 : i32
    %dma_wait3A_296 = tpu.memref_slice %arg2[%select_n3A, %dma_wait3A_294, %dma_wait3A_295] : memref<2048x8x2048xf32, #tpu.memory_space<hbm>> -> memref<8x8x128xf32, #tpu.memory_space<hbm>>
    tpu.wait_dma2 semaphore(%arg17 : memref<!tpu.dma_semaphore, #tpu.memory_space<semaphore_mem>>) src(%dma_wait3A_296 : memref<8x8x128xf32, #tpu.memory_space<hbm>>) dst(%arg5 : memref<8x8x128xf32, #tpu.memory_space<vmem>>)
    %dma_wait3A_297 = arith.constant 0 : i32
    %dma_wait3A_298 = arith.constant 0 : i32
    %dma_wait3A_299 = tpu.memref_slice %arg3[%select_n3A_46, %dma_wait3A_297, %dma_wait3A_298] : memref<2048x8x3xf32, #tpu.memory_space<hbm>> -> memref<8x8x3xf32, #tpu.memory_space<hbm>>
    %dma_wait3A_300 = arith.constant 0 : i32
    %dma_wait3A_301 = arith.constant 0 : i32
    %dma_wait3A_302 = tpu.memref_slice %arg3[%select_n3A_46, %dma_wait3A_300, %dma_wait3A_301] : memref<2048x8x3xf32, #tpu.memory_space<hbm>> -> memref<8x8x3xf32, #tpu.memory_space<hbm>>
    tpu.wait_dma2 semaphore(%arg21 : memref<!tpu.dma_semaphore, #tpu.memory_space<semaphore_mem>>) src(%dma_wait3A_302 : memref<8x8x3xf32, #tpu.memory_space<hbm>>) dst(%arg9 : memref<8x8x3xf32, #tpu.memory_space<vmem>>)
    %gather3A = tpu.vector_load_idx %arg5[%shift_right_logical3A_199, %and3A_211, %broadcast_in_dim3A_227] : memref<8x8x128xf32, #tpu.memory_space<vmem>>[vector<16xi32>, vector<16xi32>, vector<16xi32>], vector<16xf32>,
    %gather3A_303 = tpu.vector_load_idx %arg9[%shift_right_logical3A_199, %and3A_211, %broadcast_in_dim3A_221] : memref<8x8x3xf32, #tpu.memory_space<vmem>>[vector<16xi32>, vector<16xi32>, vector<16xi32>], vector<16xf32>,
    %add3A_304 = arith.addf %gather3A, %gather3A_303 : vector<16xf32>
    tpu.vector_store_idx %arg13[%shift_right_logical3A_199, %and3A_211, %broadcast_in_dim3A_221], %add3A_304 : memref<8x8x3xf32, #tpu.memory_space<vmem>>[vector<16xi32>, vector<16xi32>, vector<16xi32>], vector<16xf32>,
    %gather3A_305 = tpu.vector_load_idx %arg5[%shift_right_logical3A_199, %and3A_211, %broadcast_in_dim3A_223] : memref<8x8x128xf32, #tpu.memory_space<vmem>>[vector<16xi32>, vector<16xi32>, vector<16xi32>], vector<16xf32>,
    %gather3A_306 = tpu.vector_load_idx %arg9[%shift_right_logical3A_199, %and3A_211, %broadcast_in_dim3A_223] : memref<8x8x3xf32, #tpu.memory_space<vmem>>[vector<16xi32>, vector<16xi32>, vector<16xi32>], vector<16xf32>,
    %add3A_307 = arith.addf %gather3A_305, %gather3A_306 : vector<16xf32>
    tpu.vector_store_idx %arg13[%shift_right_logical3A_199, %and3A_211, %broadcast_in_dim3A_223], %add3A_307 : memref<8x8x3xf32, #tpu.memory_space<vmem>>[vector<16xi32>, vector<16xi32>, vector<16xi32>], vector<16xf32>,
    %gather3A_308 = tpu.vector_load_idx %arg5[%shift_right_logical3A_199, %and3A_211, %broadcast_in_dim3A_225] : memref<8x8x128xf32, #tpu.memory_space<vmem>>[vector<16xi32>, vector<16xi32>, vector<16xi32>], vector<16xf32>,
    %gather3A_309 = tpu.vector_load_idx %arg9[%shift_right_logical3A_199, %and3A_211, %broadcast_in_dim3A_225] : memref<8x8x3xf32, #tpu.memory_space<vmem>>[vector<16xi32>, vector<16xi32>, vector<16xi32>], vector<16xf32>,
    %add3A_310 = arith.addf %gather3A_308, %gather3A_309 : vector<16xf32>
    tpu.vector_store_idx %arg13[%shift_right_logical3A_199, %and3A_211, %broadcast_in_dim3A_225], %add3A_310 : memref<8x8x3xf32, #tpu.memory_space<vmem>>[vector<16xi32>, vector<16xi32>, vector<16xi32>], vector<16xf32>,
    %gather3A_311 = tpu.vector_load_idx %arg5[%shift_right_logical3A_202, %and3A_214, %broadcast_in_dim3A_227] : memref<8x8x128xf32, #tpu.memory_space<vmem>>[vector<16xi32>, vector<16xi32>, vector<16xi32>], vector<16xf32>,
    %gather3A_312 = tpu.vector_load_idx %arg9[%shift_right_logical3A_202, %and3A_214, %broadcast_in_dim3A_221] : memref<8x8x3xf32, #tpu.memory_space<vmem>>[vector<16xi32>, vector<16xi32>, vector<16xi32>], vector<16xf32>,
    %add3A_313 = arith.addf %gather3A_311, %gather3A_312 : vector<16xf32>
    tpu.vector_store_idx %arg13[%shift_right_logical3A_202, %and3A_214, %broadcast_in_dim3A_221], %add3A_313 : memref<8x8x3xf32, #tpu.memory_space<vmem>>[vector<16xi32>, vector<16xi32>, vector<16xi32>], vector<16xf32>,
    %gather3A_314 = tpu.vector_load_idx %arg5[%shift_right_logical3A_202, %and3A_214, %broadcast_in_dim3A_223] : memref<8x8x128xf32, #tpu.memory_space<vmem>>[vector<16xi32>, vector<16xi32>, vector<16xi32>], vector<16xf32>,
    %gather3A_315 = tpu.vector_load_idx %arg9[%shift_right_logical3A_202, %and3A_214, %broadcast_in_dim3A_223] : memref<8x8x3xf32, #tpu.memory_space<vmem>>[vector<16xi32>, vector<16xi32>, vector<16xi32>], vector<16xf32>,
    %add3A_316 = arith.addf %gather3A_314, %gather3A_315 : vector<16xf32>
    tpu.vector_store_idx %arg13[%shift_right_logical3A_202, %and3A_214, %broadcast_in_dim3A_223], %add3A_316 : memref<8x8x3xf32, #tpu.memory_space<vmem>>[vector<16xi32>, vector<16xi32>, vector<16xi32>], vector<16xf32>,
    %gather3A_317 = tpu.vector_load_idx %arg5[%shift_right_logical3A_202, %and3A_214, %broadcast_in_dim3A_225] : memref<8x8x128xf32, #tpu.memory_space<vmem>>[vector<16xi32>, vector<16xi32>, vector<16xi32>], vector<16xf32>,
    %gather3A_318 = tpu.vector_load_idx %arg9[%shift_right_logical3A_202, %and3A_214, %broadcast_in_dim3A_225] : memref<8x8x3xf32, #tpu.memory_space<vmem>>[vector<16xi32>, vector<16xi32>, vector<16xi32>], vector<16xf32>,
    %add3A_319 = arith.addf %gather3A_317, %gather3A_318 : vector<16xf32>
    tpu.vector_store_idx %arg13[%shift_right_logical3A_202, %and3A_214, %broadcast_in_dim3A_225], %add3A_319 : memref<8x8x3xf32, #tpu.memory_space<vmem>>[vector<16xi32>, vector<16xi32>, vector<16xi32>], vector<16xf32>,
    %gather3A_320 = tpu.vector_load_idx %arg5[%shift_right_logical3A_205, %and3A_217, %broadcast_in_dim3A_227] : memref<8x8x128xf32, #tpu.memory_space<vmem>>[vector<16xi32>, vector<16xi32>, vector<16xi32>], vector<16xf32>,
    %gather3A_321 = tpu.vector_load_idx %arg9[%shift_right_logical3A_205, %and3A_217, %broadcast_in_dim3A_221] : memref<8x8x3xf32, #tpu.memory_space<vmem>>[vector<16xi32>, vector<16xi32>, vector<16xi32>], vector<16xf32>,
    %add3A_322 = arith.addf %gather3A_320, %gather3A_321 : vector<16xf32>
    tpu.vector_store_idx %arg13[%shift_right_logical3A_205, %and3A_217, %broadcast_in_dim3A_221], %add3A_322 : memref<8x8x3xf32, #tpu.memory_space<vmem>>[vector<16xi32>, vector<16xi32>, vector<16xi32>], vector<16xf32>,
    %gather3A_323 = tpu.vector_load_idx %arg5[%shift_right_logical3A_205, %and3A_217, %broadcast_in_dim3A_223] : memref<8x8x128xf32, #tpu.memory_space<vmem>>[vector<16xi32>, vector<16xi32>, vector<16xi32>], vector<16xf32>,
    %gather3A_324 = tpu.vector_load_idx %arg9[%shift_right_logical3A_205, %and3A_217, %broadcast_in_dim3A_223] : memref<8x8x3xf32, #tpu.memory_space<vmem>>[vector<16xi32>, vector<16xi32>, vector<16xi32>], vector<16xf32>,
    %add3A_325 = arith.addf %gather3A_323, %gather3A_324 : vector<16xf32>
    tpu.vector_store_idx %arg13[%shift_right_logical3A_205, %and3A_217, %broadcast_in_dim3A_223], %add3A_325 : memref<8x8x3xf32, #tpu.memory_space<vmem>>[vector<16xi32>, vector<16xi32>, vector<16xi32>], vector<16xf32>,
    %gather3A_326 = tpu.vector_load_idx %arg5[%shift_right_logical3A_205, %and3A_217, %broadcast_in_dim3A_225] : memref<8x8x128xf32, #tpu.memory_space<vmem>>[vector<16xi32>, vector<16xi32>, vector<16xi32>], vector<16xf32>,
    %gather3A_327 = tpu.vector_load_idx %arg9[%shift_right_logical3A_205, %and3A_217, %broadcast_in_dim3A_225] : memref<8x8x3xf32, #tpu.memory_space<vmem>>[vector<16xi32>, vector<16xi32>, vector<16xi32>], vector<16xf32>,
    %add3A_328 = arith.addf %gather3A_326, %gather3A_327 : vector<16xf32>
    tpu.vector_store_idx %arg13[%shift_right_logical3A_205, %and3A_217, %broadcast_in_dim3A_225], %add3A_328 : memref<8x8x3xf32, #tpu.memory_space<vmem>>[vector<16xi32>, vector<16xi32>, vector<16xi32>], vector<16xf32>,
    %gather3A_329 = tpu.vector_load_idx %arg5[%shift_right_logical3A_208, %and3A_220, %broadcast_in_dim3A_227] : memref<8x8x128xf32, #tpu.memory_space<vmem>>[vector<16xi32>, vector<16xi32>, vector<16xi32>], vector<16xf32>,
    %gather3A_330 = tpu.vector_load_idx %arg9[%shift_right_logical3A_208, %and3A_220, %broadcast_in_dim3A_221] : memref<8x8x3xf32, #tpu.memory_space<vmem>>[vector<16xi32>, vector<16xi32>, vector<16xi32>], vector<16xf32>,
    %add3A_331 = arith.addf %gather3A_329, %gather3A_330 : vector<16xf32>
    tpu.vector_store_idx %arg13[%shift_right_logical3A_208, %and3A_220, %broadcast_in_dim3A_221], %add3A_331 : memref<8x8x3xf32, #tpu.memory_space<vmem>>[vector<16xi32>, vector<16xi32>, vector<16xi32>], vector<16xf32>,
    %gather3A_332 = tpu.vector_load_idx %arg5[%shift_right_logical3A_208, %and3A_220, %broadcast_in_dim3A_223] : memref<8x8x128xf32, #tpu.memory_space<vmem>>[vector<16xi32>, vector<16xi32>, vector<16xi32>], vector<16xf32>,
    %gather3A_333 = tpu.vector_load_idx %arg9[%shift_right_logical3A_208, %and3A_220, %broadcast_in_dim3A_223] : memref<8x8x3xf32, #tpu.memory_space<vmem>>[vector<16xi32>, vector<16xi32>, vector<16xi32>], vector<16xf32>,
    %add3A_334 = arith.addf %gather3A_332, %gather3A_333 : vector<16xf32>
    tpu.vector_store_idx %arg13[%shift_right_logical3A_208, %and3A_220, %broadcast_in_dim3A_223], %add3A_334 : memref<8x8x3xf32, #tpu.memory_space<vmem>>[vector<16xi32>, vector<16xi32>, vector<16xi32>], vector<16xf32>,
    %gather3A_335 = tpu.vector_load_idx %arg5[%shift_right_logical3A_208, %and3A_220, %broadcast_in_dim3A_225] : memref<8x8x128xf32, #tpu.memory_space<vmem>>[vector<16xi32>, vector<16xi32>, vector<16xi32>], vector<16xf32>,
    %gather3A_336 = tpu.vector_load_idx %arg9[%shift_right_logical3A_208, %and3A_220, %broadcast_in_dim3A_225] : memref<8x8x3xf32, #tpu.memory_space<vmem>>[vector<16xi32>, vector<16xi32>, vector<16xi32>], vector<16xf32>,
    %add3A_337 = arith.addf %gather3A_335, %gather3A_336 : vector<16xf32>
    tpu.vector_store_idx %arg13[%shift_right_logical3A_208, %and3A_220, %broadcast_in_dim3A_225], %add3A_337 : memref<8x8x3xf32, #tpu.memory_space<vmem>>[vector<16xi32>, vector<16xi32>, vector<16xi32>], vector<16xf32>,
    %add3A_338 = arith.constant 0 : i32
    %add3A_339 = arith.addi %mul3A_2, %add3A_338 : i32
    %jit3A_340 = arith.constant 8 : i32
    %div3A_341 = arith.divsi %add3A_339, %jit3A_340 : i32
    %sign3A_342 = arith.constant 0 : i32
    %sign3A_343 = arith.cmpi sgt, %add3A_339, %sign3A_342 : i32
    %sign3A_344 = arith.extui %sign3A_343 : i1 to i32
    %sign3A_345 = arith.constant 0 : i32
    %sign3A_346 = arith.cmpi slt, %add3A_339, %sign3A_345 : i32
    %sign3A_347 = arith.extui %sign3A_346 : i1 to i32
    %sign3A_348 = arith.subi %sign3A_344, %sign3A_347 : i32
    %sign3A_349 = arith.constant 0 : i32
    %sign3A_350 = arith.cmpi sgt, %jit3A_340, %sign3A_349 : i32
    %sign3A_351 = arith.extui %sign3A_350 : i1 to i32
    %sign3A_352 = arith.constant 0 : i32
    %sign3A_353 = arith.cmpi slt, %jit3A_340, %sign3A_352 : i32
    %sign3A_354 = arith.extui %sign3A_353 : i1 to i32
    %sign3A_355 = arith.subi %sign3A_351, %sign3A_354 : i32
    %ne3A_356 = arith.cmpi ne, %sign3A_348, %sign3A_355 : i32
    %rem3A_357 = arith.remsi %add3A_339, %jit3A_340 : i32
    %ne3A_358 = arith.constant 0 : i32
    %ne3A_359 = arith.cmpi ne, %rem3A_357, %ne3A_358 : i32
    %and3A_360 = arith.andi %ne3A_356, %ne3A_359 : i1
    %sub3A_361 = arith.constant 1 : i32
    %sub3A_362 = arith.subi %div3A_341, %sub3A_361 : i32
    %select_n3A_363 = arith.select %and3A_360, %sub3A_362, %div3A_341 : i32
    %dma_start3A_364 = arith.constant 0 : i32
    %dma_start3A_365 = arith.constant 0 : i32
    %dma_start3A_366 = tpu.memref_slice %arg4[%select_n3A_363, %dma_start3A_364, %dma_start3A_365] : memref<2048x8x3xf32, #tpu.memory_space<hbm>> -> memref<8x8x3xf32, #tpu.memory_space<hbm>>
    %dma_start3A_367 = arith.constant 0 : i32
    %dma_start3A_368 = arith.constant 0 : i32
    %dma_start3A_369 = tpu.memref_slice %arg4[%select_n3A_363, %dma_start3A_367, %dma_start3A_368] : memref<2048x8x3xf32, #tpu.memory_space<hbm>> -> memref<8x8x3xf32, #tpu.memory_space<hbm>>
    tpu.enqueue_dma source(%arg13 : memref<8x8x3xf32, #tpu.memory_space<vmem>>) target(%dma_start3A_369 : memref<8x8x3xf32, #tpu.memory_space<hbm>>) target_semaphore(%arg25 : memref<!tpu.dma_semaphore, #tpu.memory_space<semaphore_mem>>)
    %add3A_370 = arith.constant 256 : i32
    %add3A_371 = arith.addi %mul3A_2, %add3A_370 : i32
    %jit3A_372 = arith.constant 8 : i32
    %div3A_373 = arith.divsi %add3A_371, %jit3A_372 : i32
    %sign3A_374 = arith.constant 0 : i32
    %sign3A_375 = arith.cmpi sgt, %add3A_371, %sign3A_374 : i32
    %sign3A_376 = arith.extui %sign3A_375 : i1 to i32
    %sign3A_377 = arith.constant 0 : i32
    %sign3A_378 = arith.cmpi slt, %add3A_371, %sign3A_377 : i32
    %sign3A_379 = arith.extui %sign3A_378 : i1 to i32
    %sign3A_380 = arith.subi %sign3A_376, %sign3A_379 : i32
    %sign3A_381 = arith.constant 0 : i32
    %sign3A_382 = arith.cmpi sgt, %jit3A_372, %sign3A_381 : i32
    %sign3A_383 = arith.extui %sign3A_382 : i1 to i32
    %sign3A_384 = arith.constant 0 : i32
    %sign3A_385 = arith.cmpi slt, %jit3A_372, %sign3A_384 : i32
    %sign3A_386 = arith.extui %sign3A_385 : i1 to i32
    %sign3A_387 = arith.subi %sign3A_383, %sign3A_386 : i32
    %ne3A_388 = arith.cmpi ne, %sign3A_380, %sign3A_387 : i32
    %rem3A_389 = arith.remsi %add3A_371, %jit3A_372 : i32
    %ne3A_390 = arith.constant 0 : i32
    %ne3A_391 = arith.cmpi ne, %rem3A_389, %ne3A_390 : i32
    %and3A_392 = arith.andi %ne3A_388, %ne3A_391 : i1
    %sub3A_393 = arith.constant 1 : i32
    %sub3A_394 = arith.subi %div3A_373, %sub3A_393 : i32
    %select_n3A_395 = arith.select %and3A_392, %sub3A_394, %div3A_373 : i32
    %add3A_396 = arith.constant 256 : i32
    %add3A_397 = arith.addi %mul3A_2, %add3A_396 : i32
    %jit3A_398 = arith.constant 8 : i32
    %div3A_399 = arith.divsi %add3A_397, %jit3A_398 : i32
    %sign3A_400 = arith.constant 0 : i32
    %sign3A_401 = arith.cmpi sgt, %add3A_397, %sign3A_400 : i32
    %sign3A_402 = arith.extui %sign3A_401 : i1 to i32
    %sign3A_403 = arith.constant 0 : i32
    %sign3A_404 = arith.cmpi slt, %add3A_397, %sign3A_403 : i32
    %sign3A_405 = arith.extui %sign3A_404 : i1 to i32
    %sign3A_406 = arith.subi %sign3A_402, %sign3A_405 : i32
    %sign3A_407 = arith.constant 0 : i32
    %sign3A_408 = arith.cmpi sgt, %jit3A_398, %sign3A_407 : i32
    %sign3A_409 = arith.extui %sign3A_408 : i1 to i32
    %sign3A_410 = arith.constant 0 : i32
    %sign3A_411 = arith.cmpi slt, %jit3A_398, %sign3A_410 : i32
    %sign3A_412 = arith.extui %sign3A_411 : i1 to i32
    %sign3A_413 = arith.subi %sign3A_409, %sign3A_412 : i32
    %ne3A_414 = arith.cmpi ne, %sign3A_406, %sign3A_413 : i32
    %rem3A_415 = arith.remsi %add3A_397, %jit3A_398 : i32
    %ne3A_416 = arith.constant 0 : i32
    %ne3A_417 = arith.cmpi ne, %rem3A_415, %ne3A_416 : i32
    %and3A_418 = arith.andi %ne3A_414, %ne3A_417 : i1
    %sub3A_419 = arith.constant 1 : i32
    %sub3A_420 = arith.subi %div3A_399, %sub3A_419 : i32
    %select_n3A_421 = arith.select %and3A_418, %sub3A_420, %div3A_399 : i32
    %dma_start3A_422 = arith.constant 0 : i32
    %dma_start3A_423 = arith.constant 0 : i32
    %dma_start3A_424 = tpu.memref_slice %arg2[%select_n3A_395, %dma_start3A_422, %dma_start3A_423] : memref<2048x8x2048xf32, #tpu.memory_space<hbm>> -> memref<8x8x128xf32, #tpu.memory_space<hbm>>
    %dma_start3A_425 = arith.constant 0 : i32
    %dma_start3A_426 = arith.constant 0 : i32
    %dma_start3A_427 = tpu.memref_slice %arg2[%select_n3A_395, %dma_start3A_425, %dma_start3A_426] : memref<2048x8x2048xf32, #tpu.memory_space<hbm>> -> memref<8x8x128xf32, #tpu.memory_space<hbm>>
    tpu.enqueue_dma source(%dma_start3A_427 : memref<8x8x128xf32, #tpu.memory_space<hbm>>) target(%arg5 : memref<8x8x128xf32, #tpu.memory_space<vmem>>) target_semaphore(%arg17 : memref<!tpu.dma_semaphore, #tpu.memory_space<semaphore_mem>>)
    %dma_start3A_428 = arith.constant 0 : i32
    %dma_start3A_429 = arith.constant 0 : i32
    %dma_start3A_430 = tpu.memref_slice %arg3[%select_n3A_421, %dma_start3A_428, %dma_start3A_429] : memref<2048x8x3xf32, #tpu.memory_space<hbm>> -> memref<8x8x3xf32, #tpu.memory_space<hbm>>
    %dma_start3A_431 = arith.constant 0 : i32
    %dma_start3A_432 = arith.constant 0 : i32
    %dma_start3A_433 = tpu.memref_slice %arg3[%select_n3A_421, %dma_start3A_431, %dma_start3A_432] : memref<2048x8x3xf32, #tpu.memory_space<hbm>> -> memref<8x8x3xf32, #tpu.memory_space<hbm>>
    tpu.enqueue_dma source(%dma_start3A_433 : memref<8x8x3xf32, #tpu.memory_space<hbm>>) target(%arg9 : memref<8x8x3xf32, #tpu.memory_space<vmem>>) target_semaphore(%arg21 : memref<!tpu.dma_semaphore, #tpu.memory_space<semaphore_mem>>)
    %dma_wait3A_434 = arith.constant 0 : i32
    %dma_wait3A_435 = arith.constant 0 : i32
    %dma_wait3A_436 = tpu.memref_slice %arg2[%select_n3A_83, %dma_wait3A_434, %dma_wait3A_435] : memref<2048x8x2048xf32, #tpu.memory_space<hbm>> -> memref<8x8x128xf32, #tpu.memory_space<hbm>>
    %dma_wait3A_437 = arith.constant 0 : i32
    %dma_wait3A_438 = arith.constant 0 : i32
    %dma_wait3A_439 = tpu.memref_slice %arg2[%select_n3A_83, %dma_wait3A_437, %dma_wait3A_438] : memref<2048x8x2048xf32, #tpu.memory_space<hbm>> -> memref<8x8x128xf32, #tpu.memory_space<hbm>>
    tpu.wait_dma2 semaphore(%arg18 : memref<!tpu.dma_semaphore, #tpu.memory_space<semaphore_mem>>) src(%dma_wait3A_439 : memref<8x8x128xf32, #tpu.memory_space<hbm>>) dst(%arg6 : memref<8x8x128xf32, #tpu.memory_space<vmem>>)
    %dma_wait3A_440 = arith.constant 0 : i32
    %dma_wait3A_441 = arith.constant 0 : i32
    %dma_wait3A_442 = tpu.memref_slice %arg3[%select_n3A_109, %dma_wait3A_440, %dma_wait3A_441] : memref<2048x8x3xf32, #tpu.memory_space<hbm>> -> memref<8x8x3xf32, #tpu.memory_space<hbm>>
    %dma_wait3A_443 = arith.constant 0 : i32
    %dma_wait3A_444 = arith.constant 0 : i32
    %dma_wait3A_445 = tpu.memref_slice %arg3[%select_n3A_109, %dma_wait3A_443, %dma_wait3A_444] : memref<2048x8x3xf32, #tpu.memory_space<hbm>> -> memref<8x8x3xf32, #tpu.memory_space<hbm>>
    tpu.wait_dma2 semaphore(%arg22 : memref<!tpu.dma_semaphore, #tpu.memory_space<semaphore_mem>>) src(%dma_wait3A_445 : memref<8x8x3xf32, #tpu.memory_space<hbm>>) dst(%arg10 : memref<8x8x3xf32, #tpu.memory_space<vmem>>)
    %gather3A_446 = tpu.vector_load_idx %arg6[%shift_right_logical3A_199, %and3A_211, %broadcast_in_dim3A_227] : memref<8x8x128xf32, #tpu.memory_space<vmem>>[vector<16xi32>, vector<16xi32>, vector<16xi32>], vector<16xf32>,
    %gather3A_447 = tpu.vector_load_idx %arg10[%shift_right_logical3A_199, %and3A_211, %broadcast_in_dim3A_221] : memref<8x8x3xf32, #tpu.memory_space<vmem>>[vector<16xi32>, vector<16xi32>, vector<16xi32>], vector<16xf32>,
    %add3A_448 = arith.addf %gather3A_446, %gather3A_447 : vector<16xf32>
    tpu.vector_store_idx %arg14[%shift_right_logical3A_199, %and3A_211, %broadcast_in_dim3A_221], %add3A_448 : memref<8x8x3xf32, #tpu.memory_space<vmem>>[vector<16xi32>, vector<16xi32>, vector<16xi32>], vector<16xf32>,
    %gather3A_449 = tpu.vector_load_idx %arg6[%shift_right_logical3A_199, %and3A_211, %broadcast_in_dim3A_223] : memref<8x8x128xf32, #tpu.memory_space<vmem>>[vector<16xi32>, vector<16xi32>, vector<16xi32>], vector<16xf32>,
    %gather3A_450 = tpu.vector_load_idx %arg10[%shift_right_logical3A_199, %and3A_211, %broadcast_in_dim3A_223] : memref<8x8x3xf32, #tpu.memory_space<vmem>>[vector<16xi32>, vector<16xi32>, vector<16xi32>], vector<16xf32>,
    %add3A_451 = arith.addf %gather3A_449, %gather3A_450 : vector<16xf32>
    tpu.vector_store_idx %arg14[%shift_right_logical3A_199, %and3A_211, %broadcast_in_dim3A_223], %add3A_451 : memref<8x8x3xf32, #tpu.memory_space<vmem>>[vector<16xi32>, vector<16xi32>, vector<16xi32>], vector<16xf32>,
    %gather3A_452 = tpu.vector_load_idx %arg6[%shift_right_logical3A_199, %and3A_211, %broadcast_in_dim3A_225] : memref<8x8x128xf32, #tpu.memory_space<vmem>>[vector<16xi32>, vector<16xi32>, vector<16xi32>], vector<16xf32>,
    %gather3A_453 = tpu.vector_load_idx %arg10[%shift_right_logical3A_199, %and3A_211, %broadcast_in_dim3A_225] : memref<8x8x3xf32, #tpu.memory_space<vmem>>[vector<16xi32>, vector<16xi32>, vector<16xi32>], vector<16xf32>,
    %add3A_454 = arith.addf %gather3A_452, %gather3A_453 : vector<16xf32>
    tpu.vector_store_idx %arg14[%shift_right_logical3A_199, %and3A_211, %broadcast_in_dim3A_225], %add3A_454 : memref<8x8x3xf32, #tpu.memory_space<vmem>>[vector<16xi32>, vector<16xi32>, vector<16xi32>], vector<16xf32>,
    %gather3A_455 = tpu.vector_load_idx %arg6[%shift_right_logical3A_202, %and3A_214, %broadcast_in_dim3A_227] : memref<8x8x128xf32, #tpu.memory_space<vmem>>[vector<16xi32>, vector<16xi32>, vector<16xi32>], vector<16xf32>,
    %gather3A_456 = tpu.vector_load_idx %arg10[%shift_right_logical3A_202, %and3A_214, %broadcast_in_dim3A_221] : memref<8x8x3xf32, #tpu.memory_space<vmem>>[vector<16xi32>, vector<16xi32>, vector<16xi32>], vector<16xf32>,
    %add3A_457 = arith.addf %gather3A_455, %gather3A_456 : vector<16xf32>
    tpu.vector_store_idx %arg14[%shift_right_logical3A_202, %and3A_214, %broadcast_in_dim3A_221], %add3A_457 : memref<8x8x3xf32, #tpu.memory_space<vmem>>[vector<16xi32>, vector<16xi32>, vector<16xi32>], vector<16xf32>,
    %gather3A_458 = tpu.vector_load_idx %arg6[%shift_right_logical3A_202, %and3A_214, %broadcast_in_dim3A_223] : memref<8x8x128xf32, #tpu.memory_space<vmem>>[vector<16xi32>, vector<16xi32>, vector<16xi32>], vector<16xf32>,
    %gather3A_459 = tpu.vector_load_idx %arg10[%shift_right_logical3A_202, %and3A_214, %broadcast_in_dim3A_223] : memref<8x8x3xf32, #tpu.memory_space<vmem>>[vector<16xi32>, vector<16xi32>, vector<16xi32>], vector<16xf32>,
    %add3A_460 = arith.addf %gather3A_458, %gather3A_459 : vector<16xf32>
    tpu.vector_store_idx %arg14[%shift_right_logical3A_202, %and3A_214, %broadcast_in_dim3A_223], %add3A_460 : memref<8x8x3xf32, #tpu.memory_space<vmem>>[vector<16xi32>, vector<16xi32>, vector<16xi32>], vector<16xf32>,
    %gather3A_461 = tpu.vector_load_idx %arg6[%shift_right_logical3A_202, %and3A_214, %broadcast_in_dim3A_225] : memref<8x8x128xf32, #tpu.memory_space<vmem>>[vector<16xi32>, vector<16xi32>, vector<16xi32>], vector<16xf32>,
    %gather3A_462 = tpu.vector_load_idx %arg10[%shift_right_logical3A_202, %and3A_214, %broadcast_in_dim3A_225] : memref<8x8x3xf32, #tpu.memory_space<vmem>>[vector<16xi32>, vector<16xi32>, vector<16xi32>], vector<16xf32>,
    %add3A_463 = arith.addf %gather3A_461, %gather3A_462 : vector<16xf32>
    tpu.vector_store_idx %arg14[%shift_right_logical3A_202, %and3A_214, %broadcast_in_dim3A_225], %add3A_463 : memref<8x8x3xf32, #tpu.memory_space<vmem>>[vector<16xi32>, vector<16xi32>, vector<16xi32>], vector<16xf32>,
    %gather3A_464 = tpu.vector_load_idx %arg6[%shift_right_logical3A_205, %and3A_217, %broadcast_in_dim3A_227] : memref<8x8x128xf32, #tpu.memory_space<vmem>>[vector<16xi32>, vector<16xi32>, vector<16xi32>], vector<16xf32>,
    %gather3A_465 = tpu.vector_load_idx %arg10[%shift_right_logical3A_205, %and3A_217, %broadcast_in_dim3A_221] : memref<8x8x3xf32, #tpu.memory_space<vmem>>[vector<16xi32>, vector<16xi32>, vector<16xi32>], vector<16xf32>,
    %add3A_466 = arith.addf %gather3A_464, %gather3A_465 : vector<16xf32>
    tpu.vector_store_idx %arg14[%shift_right_logical3A_205, %and3A_217, %broadcast_in_dim3A_221], %add3A_466 : memref<8x8x3xf32, #tpu.memory_space<vmem>>[vector<16xi32>, vector<16xi32>, vector<16xi32>], vector<16xf32>,
    %gather3A_467 = tpu.vector_load_idx %arg6[%shift_right_logical3A_205, %and3A_217, %broadcast_in_dim3A_223] : memref<8x8x128xf32, #tpu.memory_space<vmem>>[vector<16xi32>, vector<16xi32>, vector<16xi32>], vector<16xf32>,
    %gather3A_468 = tpu.vector_load_idx %arg10[%shift_right_logical3A_205, %and3A_217, %broadcast_in_dim3A_223] : memref<8x8x3xf32, #tpu.memory_space<vmem>>[vector<16xi32>, vector<16xi32>, vector<16xi32>], vector<16xf32>,
    %add3A_469 = arith.addf %gather3A_467, %gather3A_468 : vector<16xf32>
    tpu.vector_store_idx %arg14[%shift_right_logical3A_205, %and3A_217, %broadcast_in_dim3A_223], %add3A_469 : memref<8x8x3xf32, #tpu.memory_space<vmem>>[vector<16xi32>, vector<16xi32>, vector<16xi32>], vector<16xf32>,
    %gather3A_470 = tpu.vector_load_idx %arg6[%shift_right_logical3A_205, %and3A_217, %broadcast_in_dim3A_225] : memref<8x8x128xf32, #tpu.memory_space<vmem>>[vector<16xi32>, vector<16xi32>, vector<16xi32>], vector<16xf32>,
    %gather3A_471 = tpu.vector_load_idx %arg10[%shift_right_logical3A_205, %and3A_217, %broadcast_in_dim3A_225] : memref<8x8x3xf32, #tpu.memory_space<vmem>>[vector<16xi32>, vector<16xi32>, vector<16xi32>], vector<16xf32>,
    %add3A_472 = arith.addf %gather3A_470, %gather3A_471 : vector<16xf32>
    tpu.vector_store_idx %arg14[%shift_right_logical3A_205, %and3A_217, %broadcast_in_dim3A_225], %add3A_472 : memref<8x8x3xf32, #tpu.memory_space<vmem>>[vector<16xi32>, vector<16xi32>, vector<16xi32>], vector<16xf32>,
    %gather3A_473 = tpu.vector_load_idx %arg6[%shift_right_logical3A_208, %and3A_220, %broadcast_in_dim3A_227] : memref<8x8x128xf32, #tpu.memory_space<vmem>>[vector<16xi32>, vector<16xi32>, vector<16xi32>], vector<16xf32>,
    %gather3A_474 = tpu.vector_load_idx %arg10[%shift_right_logical3A_208, %and3A_220, %broadcast_in_dim3A_221] : memref<8x8x3xf32, #tpu.memory_space<vmem>>[vector<16xi32>, vector<16xi32>, vector<16xi32>], vector<16xf32>,
    %add3A_475 = arith.addf %gather3A_473, %gather3A_474 : vector<16xf32>
    tpu.vector_store_idx %arg14[%shift_right_logical3A_208, %and3A_220, %broadcast_in_dim3A_221], %add3A_475 : memref<8x8x3xf32, #tpu.memory_space<vmem>>[vector<16xi32>, vector<16xi32>, vector<16xi32>], vector<16xf32>,
    %gather3A_476 = tpu.vector_load_idx %arg6[%shift_right_logical3A_208, %and3A_220, %broadcast_in_dim3A_223] : memref<8x8x128xf32, #tpu.memory_space<vmem>>[vector<16xi32>, vector<16xi32>, vector<16xi32>], vector<16xf32>,
    %gather3A_477 = tpu.vector_load_idx %arg10[%shift_right_logical3A_208, %and3A_220, %broadcast_in_dim3A_223] : memref<8x8x3xf32, #tpu.memory_space<vmem>>[vector<16xi32>, vector<16xi32>, vector<16xi32>], vector<16xf32>,
    %add3A_478 = arith.addf %gather3A_476, %gather3A_477 : vector<16xf32>
    tpu.vector_store_idx %arg14[%shift_right_logical3A_208, %and3A_220, %broadcast_in_dim3A_223], %add3A_478 : memref<8x8x3xf32, #tpu.memory_space<vmem>>[vector<16xi32>, vector<16xi32>, vector<16xi32>], vector<16xf32>,
    %gather3A_479 = tpu.vector_load_idx %arg6[%shift_right_logical3A_208, %and3A_220, %broadcast_in_dim3A_225] : memref<8x8x128xf32, #tpu.memory_space<vmem>>[vector<16xi32>, vector<16xi32>, vector<16xi32>], vector<16xf32>,
    %gather3A_480 = tpu.vector_load_idx %arg10[%shift_right_logical3A_208, %and3A_220, %broadcast_in_dim3A_225] : memref<8x8x3xf32, #tpu.memory_space<vmem>>[vector<16xi32>, vector<16xi32>, vector<16xi32>], vector<16xf32>,
    %add3A_481 = arith.addf %gather3A_479, %gather3A_480 : vector<16xf32>
    tpu.vector_store_idx %arg14[%shift_right_logical3A_208, %and3A_220, %broadcast_in_dim3A_225], %add3A_481 : memref<8x8x3xf32, #tpu.memory_space<vmem>>[vector<16xi32>, vector<16xi32>, vector<16xi32>], vector<16xf32>,
    %add3A_482 = arith.constant 64 : i32
    %add3A_483 = arith.addi %mul3A_2, %add3A_482 : i32
    %jit3A_484 = arith.constant 8 : i32
    %div3A_485 = arith.divsi %add3A_483, %jit3A_484 : i32
    %sign3A_486 = arith.constant 0 : i32
    %sign3A_487 = arith.cmpi sgt, %add3A_483, %sign3A_486 : i32
    %sign3A_488 = arith.extui %sign3A_487 : i1 to i32
    %sign3A_489 = arith.constant 0 : i32
    %sign3A_490 = arith.cmpi slt, %add3A_483, %sign3A_489 : i32
    %sign3A_491 = arith.extui %sign3A_490 : i1 to i32
    %sign3A_492 = arith.subi %sign3A_488, %sign3A_491 : i32
    %sign3A_493 = arith.constant 0 : i32
    %sign3A_494 = arith.cmpi sgt, %jit3A_484, %sign3A_493 : i32
    %sign3A_495 = arith.extui %sign3A_494 : i1 to i32
    %sign3A_496 = arith.constant 0 : i32
    %sign3A_497 = arith.cmpi slt, %jit3A_484, %sign3A_496 : i32
    %sign3A_498 = arith.extui %sign3A_497 : i1 to i32
    %sign3A_499 = arith.subi %sign3A_495, %sign3A_498 : i32
    %ne3A_500 = arith.cmpi ne, %sign3A_492, %sign3A_499 : i32
    %rem3A_501 = arith.remsi %add3A_483, %jit3A_484 : i32
    %ne3A_502 = arith.constant 0 : i32
    %ne3A_503 = arith.cmpi ne, %rem3A_501, %ne3A_502 : i32
    %and3A_504 = arith.andi %ne3A_500, %ne3A_503 : i1
    %sub3A_505 = arith.constant 1 : i32
    %sub3A_506 = arith.subi %div3A_485, %sub3A_505 : i32
    %select_n3A_507 = arith.select %and3A_504, %sub3A_506, %div3A_485 : i32
    %dma_start3A_508 = arith.constant 0 : i32
    %dma_start3A_509 = arith.constant 0 : i32
    %dma_start3A_510 = tpu.memref_slice %arg4[%select_n3A_507, %dma_start3A_508, %dma_start3A_509] : memref<2048x8x3xf32, #tpu.memory_space<hbm>> -> memref<8x8x3xf32, #tpu.memory_space<hbm>>
    %dma_start3A_511 = arith.constant 0 : i32
    %dma_start3A_512 = arith.constant 0 : i32
    %dma_start3A_513 = tpu.memref_slice %arg4[%select_n3A_507, %dma_start3A_511, %dma_start3A_512] : memref<2048x8x3xf32, #tpu.memory_space<hbm>> -> memref<8x8x3xf32, #tpu.memory_space<hbm>>
    tpu.enqueue_dma source(%arg14 : memref<8x8x3xf32, #tpu.memory_space<vmem>>) target(%dma_start3A_513 : memref<8x8x3xf32, #tpu.memory_space<hbm>>) target_semaphore(%arg26 : memref<!tpu.dma_semaphore, #tpu.memory_space<semaphore_mem>>)
    %add3A_514 = arith.constant 320 : i32
    %add3A_515 = arith.addi %mul3A_2, %add3A_514 : i32
    %jit3A_516 = arith.constant 8 : i32
    %div3A_517 = arith.divsi %add3A_515, %jit3A_516 : i32
    %sign3A_518 = arith.constant 0 : i32
    %sign3A_519 = arith.cmpi sgt, %add3A_515, %sign3A_518 : i32
    %sign3A_520 = arith.extui %sign3A_519 : i1 to i32
    %sign3A_521 = arith.constant 0 : i32
    %sign3A_522 = arith.cmpi slt, %add3A_515, %sign3A_521 : i32
    %sign3A_523 = arith.extui %sign3A_522 : i1 to i32
    %sign3A_524 = arith.subi %sign3A_520, %sign3A_523 : i32
    %sign3A_525 = arith.constant 0 : i32
    %sign3A_526 = arith.cmpi sgt, %jit3A_516, %sign3A_525 : i32
    %sign3A_527 = arith.extui %sign3A_526 : i1 to i32
    %sign3A_528 = arith.constant 0 : i32
    %sign3A_529 = arith.cmpi slt, %jit3A_516, %sign3A_528 : i32
    %sign3A_530 = arith.extui %sign3A_529 : i1 to i32
    %sign3A_531 = arith.subi %sign3A_527, %sign3A_530 : i32
    %ne3A_532 = arith.cmpi ne, %sign3A_524, %sign3A_531 : i32
    %rem3A_533 = arith.remsi %add3A_515, %jit3A_516 : i32
    %ne3A_534 = arith.constant 0 : i32
    %ne3A_535 = arith.cmpi ne, %rem3A_533, %ne3A_534 : i32
    %and3A_536 = arith.andi %ne3A_532, %ne3A_535 : i1
    %sub3A_537 = arith.constant 1 : i32
    %sub3A_538 = arith.subi %div3A_517, %sub3A_537 : i32
    %select_n3A_539 = arith.select %and3A_536, %sub3A_538, %div3A_517 : i32
    %add3A_540 = arith.constant 320 : i32
    %add3A_541 = arith.addi %mul3A_2, %add3A_540 : i32
    %jit3A_542 = arith.constant 8 : i32
    %div3A_543 = arith.divsi %add3A_541, %jit3A_542 : i32
    %sign3A_544 = arith.constant 0 : i32
    %sign3A_545 = arith.cmpi sgt, %add3A_541, %sign3A_544 : i32
    %sign3A_546 = arith.extui %sign3A_545 : i1 to i32
    %sign3A_547 = arith.constant 0 : i32
    %sign3A_548 = arith.cmpi slt, %add3A_541, %sign3A_547 : i32
    %sign3A_549 = arith.extui %sign3A_548 : i1 to i32
    %sign3A_550 = arith.subi %sign3A_546, %sign3A_549 : i32
    %sign3A_551 = arith.constant 0 : i32
    %sign3A_552 = arith.cmpi sgt, %jit3A_542, %sign3A_551 : i32
    %sign3A_553 = arith.extui %sign3A_552 : i1 to i32
    %sign3A_554 = arith.constant 0 : i32
    %sign3A_555 = arith.cmpi slt, %jit3A_542, %sign3A_554 : i32
    %sign3A_556 = arith.extui %sign3A_555 : i1 to i32
    %sign3A_557 = arith.subi %sign3A_553, %sign3A_556 : i32
    %ne3A_558 = arith.cmpi ne, %sign3A_550, %sign3A_557 : i32
    %rem3A_559 = arith.remsi %add3A_541, %jit3A_542 : i32
    %ne3A_560 = arith.constant 0 : i32
    %ne3A_561 = arith.cmpi ne, %rem3A_559, %ne3A_560 : i32
    %and3A_562 = arith.andi %ne3A_558, %ne3A_561 : i1
    %sub3A_563 = arith.constant 1 : i32
    %sub3A_564 = arith.subi %div3A_543, %sub3A_563 : i32
    %select_n3A_565 = arith.select %and3A_562, %sub3A_564, %div3A_543 : i32
    %dma_start3A_566 = arith.constant 0 : i32
    %dma_start3A_567 = arith.constant 0 : i32
    %dma_start3A_568 = tpu.memref_slice %arg2[%select_n3A_539, %dma_start3A_566, %dma_start3A_567] : memref<2048x8x2048xf32, #tpu.memory_space<hbm>> -> memref<8x8x128xf32, #tpu.memory_space<hbm>>
    %dma_start3A_569 = arith.constant 0 : i32
    %dma_start3A_570 = arith.constant 0 : i32
    %dma_start3A_571 = tpu.memref_slice %arg2[%select_n3A_539, %dma_start3A_569, %dma_start3A_570] : memref<2048x8x2048xf32, #tpu.memory_space<hbm>> -> memref<8x8x128xf32, #tpu.memory_space<hbm>>
    tpu.enqueue_dma source(%dma_start3A_571 : memref<8x8x128xf32, #tpu.memory_space<hbm>>) target(%arg6 : memref<8x8x128xf32, #tpu.memory_space<vmem>>) target_semaphore(%arg18 : memref<!tpu.dma_semaphore, #tpu.memory_space<semaphore_mem>>)
    %dma_start3A_572 = arith.constant 0 : i32
    %dma_start3A_573 = arith.constant 0 : i32
    %dma_start3A_574 = tpu.memref_slice %arg3[%select_n3A_565, %dma_start3A_572, %dma_start3A_573] : memref<2048x8x3xf32, #tpu.memory_space<hbm>> -> memref<8x8x3xf32, #tpu.memory_space<hbm>>
    %dma_start3A_575 = arith.constant 0 : i32
    %dma_start3A_576 = arith.constant 0 : i32
    %dma_start3A_577 = tpu.memref_slice %arg3[%select_n3A_565, %dma_start3A_575, %dma_start3A_576] : memref<2048x8x3xf32, #tpu.memory_space<hbm>> -> memref<8x8x3xf32, #tpu.memory_space<hbm>>
    tpu.enqueue_dma source(%dma_start3A_577 : memref<8x8x3xf32, #tpu.memory_space<hbm>>) target(%arg10 : memref<8x8x3xf32, #tpu.memory_space<vmem>>) target_semaphore(%arg22 : memref<!tpu.dma_semaphore, #tpu.memory_space<semaphore_mem>>)
    %dma_wait3A_578 = arith.constant 0 : i32
    %dma_wait3A_579 = arith.constant 0 : i32
    %dma_wait3A_580 = tpu.memref_slice %arg2[%select_n3A_147, %dma_wait3A_578, %dma_wait3A_579] : memref<2048x8x2048xf32, #tpu.memory_space<hbm>> -> memref<8x8x128xf32, #tpu.memory_space<hbm>>
    %dma_wait3A_581 = arith.constant 0 : i32
    %dma_wait3A_582 = arith.constant 0 : i32
    %dma_wait3A_583 = tpu.memref_slice %arg2[%select_n3A_147, %dma_wait3A_581, %dma_wait3A_582] : memref<2048x8x2048xf32, #tpu.memory_space<hbm>> -> memref<8x8x128xf32, #tpu.memory_space<hbm>>
    tpu.wait_dma2 semaphore(%arg19 : memref<!tpu.dma_semaphore, #tpu.memory_space<semaphore_mem>>) src(%dma_wait3A_583 : memref<8x8x128xf32, #tpu.memory_space<hbm>>) dst(%arg7 : memref<8x8x128xf32, #tpu.memory_space<vmem>>)
    %dma_wait3A_584 = arith.constant 0 : i32
    %dma_wait3A_585 = arith.constant 0 : i32
    %dma_wait3A_586 = tpu.memref_slice %arg3[%select_n3A_173, %dma_wait3A_584, %dma_wait3A_585] : memref<2048x8x3xf32, #tpu.memory_space<hbm>> -> memref<8x8x3xf32, #tpu.memory_space<hbm>>
    %dma_wait3A_587 = arith.constant 0 : i32
    %dma_wait3A_588 = arith.constant 0 : i32
    %dma_wait3A_589 = tpu.memref_slice %arg3[%select_n3A_173, %dma_wait3A_587, %dma_wait3A_588] : memref<2048x8x3xf32, #tpu.memory_space<hbm>> -> memref<8x8x3xf32, #tpu.memory_space<hbm>>
    tpu.wait_dma2 semaphore(%arg23 : memref<!tpu.dma_semaphore, #tpu.memory_space<semaphore_mem>>) src(%dma_wait3A_589 : memref<8x8x3xf32, #tpu.memory_space<hbm>>) dst(%arg11 : memref<8x8x3xf32, #tpu.memory_space<vmem>>)
    %gather3A_590 = tpu.vector_load_idx %arg7[%shift_right_logical3A_199, %and3A_211, %broadcast_in_dim3A_227] : memref<8x8x128xf32, #tpu.memory_space<vmem>>[vector<16xi32>, vector<16xi32>, vector<16xi32>], vector<16xf32>,
    %gather3A_591 = tpu.vector_load_idx %arg11[%shift_right_logical3A_199, %and3A_211, %broadcast_in_dim3A_221] : memref<8x8x3xf32, #tpu.memory_space<vmem>>[vector<16xi32>, vector<16xi32>, vector<16xi32>], vector<16xf32>,
    %add3A_592 = arith.addf %gather3A_590, %gather3A_591 : vector<16xf32>
    tpu.vector_store_idx %arg15[%shift_right_logical3A_199, %and3A_211, %broadcast_in_dim3A_221], %add3A_592 : memref<8x8x3xf32, #tpu.memory_space<vmem>>[vector<16xi32>, vector<16xi32>, vector<16xi32>], vector<16xf32>,
    %gather3A_593 = tpu.vector_load_idx %arg7[%shift_right_logical3A_199, %and3A_211, %broadcast_in_dim3A_223] : memref<8x8x128xf32, #tpu.memory_space<vmem>>[vector<16xi32>, vector<16xi32>, vector<16xi32>], vector<16xf32>,
    %gather3A_594 = tpu.vector_load_idx %arg11[%shift_right_logical3A_199, %and3A_211, %broadcast_in_dim3A_223] : memref<8x8x3xf32, #tpu.memory_space<vmem>>[vector<16xi32>, vector<16xi32>, vector<16xi32>], vector<16xf32>,
    %add3A_595 = arith.addf %gather3A_593, %gather3A_594 : vector<16xf32>
    tpu.vector_store_idx %arg15[%shift_right_logical3A_199, %and3A_211, %broadcast_in_dim3A_223], %add3A_595 : memref<8x8x3xf32, #tpu.memory_space<vmem>>[vector<16xi32>, vector<16xi32>, vector<16xi32>], vector<16xf32>,
    %gather3A_596 = tpu.vector_load_idx %arg7[%shift_right_logical3A_199, %and3A_211, %broadcast_in_dim3A_225] : memref<8x8x128xf32, #tpu.memory_space<vmem>>[vector<16xi32>, vector<16xi32>, vector<16xi32>], vector<16xf32>,
    %gather3A_597 = tpu.vector_load_idx %arg11[%shift_right_logical3A_199, %and3A_211, %broadcast_in_dim3A_225] : memref<8x8x3xf32, #tpu.memory_space<vmem>>[vector<16xi32>, vector<16xi32>, vector<16xi32>], vector<16xf32>,
    %add3A_598 = arith.addf %gather3A_596, %gather3A_597 : vector<16xf32>
    tpu.vector_store_idx %arg15[%shift_right_logical3A_199, %and3A_211, %broadcast_in_dim3A_225], %add3A_598 : memref<8x8x3xf32, #tpu.memory_space<vmem>>[vector<16xi32>, vector<16xi32>, vector<16xi32>], vector<16xf32>,
    %gather3A_599 = tpu.vector_load_idx %arg7[%shift_right_logical3A_202, %and3A_214, %broadcast_in_dim3A_227] : memref<8x8x128xf32, #tpu.memory_space<vmem>>[vector<16xi32>, vector<16xi32>, vector<16xi32>], vector<16xf32>,
    %gather3A_600 = tpu.vector_load_idx %arg11[%shift_right_logical3A_202, %and3A_214, %broadcast_in_dim3A_221] : memref<8x8x3xf32, #tpu.memory_space<vmem>>[vector<16xi32>, vector<16xi32>, vector<16xi32>], vector<16xf32>,
    %add3A_601 = arith.addf %gather3A_599, %gather3A_600 : vector<16xf32>
    tpu.vector_store_idx %arg15[%shift_right_logical3A_202, %and3A_214, %broadcast_in_dim3A_221], %add3A_601 : memref<8x8x3xf32, #tpu.memory_space<vmem>>[vector<16xi32>, vector<16xi32>, vector<16xi32>], vector<16xf32>,
    %gather3A_602 = tpu.vector_load_idx %arg7[%shift_right_logical3A_202, %and3A_214, %broadcast_in_dim3A_223] : memref<8x8x128xf32, #tpu.memory_space<vmem>>[vector<16xi32>, vector<16xi32>, vector<16xi32>], vector<16xf32>,
    %gather3A_603 = tpu.vector_load_idx %arg11[%shift_right_logical3A_202, %and3A_214, %broadcast_in_dim3A_223] : memref<8x8x3xf32, #tpu.memory_space<vmem>>[vector<16xi32>, vector<16xi32>, vector<16xi32>], vector<16xf32>,
    %add3A_604 = arith.addf %gather3A_602, %gather3A_603 : vector<16xf32>
    tpu.vector_store_idx %arg15[%shift_right_logical3A_202, %and3A_214, %broadcast_in_dim3A_223], %add3A_604 : memref<8x8x3xf32, #tpu.memory_space<vmem>>[vector<16xi32>, vector<16xi32>, vector<16xi32>], vector<16xf32>,
    %gather3A_605 = tpu.vector_load_idx %arg7[%shift_right_logical3A_202, %and3A_214, %broadcast_in_dim3A_225] : memref<8x8x128xf32, #tpu.memory_space<vmem>>[vector<16xi32>, vector<16xi32>, vector<16xi32>], vector<16xf32>,
    %gather3A_606 = tpu.vector_load_idx %arg11[%shift_right_logical3A_202, %and3A_214, %broadcast_in_dim3A_225] : memref<8x8x3xf32, #tpu.memory_space<vmem>>[vector<16xi32>, vector<16xi32>, vector<16xi32>], vector<16xf32>,
    %add3A_607 = arith.addf %gather3A_605, %gather3A_606 : vector<16xf32>
    tpu.vector_store_idx %arg15[%shift_right_logical3A_202, %and3A_214, %broadcast_in_dim3A_225], %add3A_607 : memref<8x8x3xf32, #tpu.memory_space<vmem>>[vector<16xi32>, vector<16xi32>, vector<16xi32>], vector<16xf32>,
    %gather3A_608 = tpu.vector_load_idx %arg7[%shift_right_logical3A_205, %and3A_217, %broadcast_in_dim3A_227] : memref<8x8x128xf32, #tpu.memory_space<vmem>>[vector<16xi32>, vector<16xi32>, vector<16xi32>], vector<16xf32>,
    %gather3A_609 = tpu.vector_load_idx %arg11[%shift_right_logical3A_205, %and3A_217, %broadcast_in_dim3A_221] : memref<8x8x3xf32, #tpu.memory_space<vmem>>[vector<16xi32>, vector<16xi32>, vector<16xi32>], vector<16xf32>,
    %add3A_610 = arith.addf %gather3A_608, %gather3A_609 : vector<16xf32>
    tpu.vector_store_idx %arg15[%shift_right_logical3A_205, %and3A_217, %broadcast_in_dim3A_221], %add3A_610 : memref<8x8x3xf32, #tpu.memory_space<vmem>>[vector<16xi32>, vector<16xi32>, vector<16xi32>], vector<16xf32>,
    %gather3A_611 = tpu.vector_load_idx %arg7[%shift_right_logical3A_205, %and3A_217, %broadcast_in_dim3A_223] : memref<8x8x128xf32, #tpu.memory_space<vmem>>[vector<16xi32>, vector<16xi32>, vector<16xi32>], vector<16xf32>,
    %gather3A_612 = tpu.vector_load_idx %arg11[%shift_right_logical3A_205, %and3A_217, %broadcast_in_dim3A_223] : memref<8x8x3xf32, #tpu.memory_space<vmem>>[vector<16xi32>, vector<16xi32>, vector<16xi32>], vector<16xf32>,
    %add3A_613 = arith.addf %gather3A_611, %gather3A_612 : vector<16xf32>
    tpu.vector_store_idx %arg15[%shift_right_logical3A_205, %and3A_217, %broadcast_in_dim3A_223], %add3A_613 : memref<8x8x3xf32, #tpu.memory_space<vmem>>[vector<16xi32>, vector<16xi32>, vector<16xi32>], vector<16xf32>,
    %gather3A_614 = tpu.vector_load_idx %arg7[%shift_right_logical3A_205, %and3A_217, %broadcast_in_dim3A_225] : memref<8x8x128xf32, #tpu.memory_space<vmem>>[vector<16xi32>, vector<16xi32>, vector<16xi32>], vector<16xf32>,
    %gather3A_615 = tpu.vector_load_idx %arg11[%shift_right_logical3A_205, %and3A_217, %broadcast_in_dim3A_225] : memref<8x8x3xf32, #tpu.memory_space<vmem>>[vector<16xi32>, vector<16xi32>, vector<16xi32>], vector<16xf32>,
    %add3A_616 = arith.addf %gather3A_614, %gather3A_615 : vector<16xf32>
    tpu.vector_store_idx %arg15[%shift_right_logical3A_205, %and3A_217, %broadcast_in_dim3A_225], %add3A_616 : memref<8x8x3xf32, #tpu.memory_space<vmem>>[vector<16xi32>, vector<16xi32>, vector<16xi32>], vector<16xf32>,
    %gather3A_617 = tpu.vector_load_idx %arg7[%shift_right_logical3A_208, %and3A_220, %broadcast_in_dim3A_227] : memref<8x8x128xf32, #tpu.memory_space<vmem>>[vector<16xi32>, vector<16xi32>, vector<16xi32>], vector<16xf32>,
    %gather3A_618 = tpu.vector_load_idx %arg11[%shift_right_logical3A_208, %and3A_220, %broadcast_in_dim3A_221] : memref<8x8x3xf32, #tpu.memory_space<vmem>>[vector<16xi32>, vector<16xi32>, vector<16xi32>], vector<16xf32>,
    %add3A_619 = arith.addf %gather3A_617, %gather3A_618 : vector<16xf32>
    tpu.vector_store_idx %arg15[%shift_right_logical3A_208, %and3A_220, %broadcast_in_dim3A_221], %add3A_619 : memref<8x8x3xf32, #tpu.memory_space<vmem>>[vector<16xi32>, vector<16xi32>, vector<16xi32>], vector<16xf32>,
    %gather3A_620 = tpu.vector_load_idx %arg7[%shift_right_logical3A_208, %and3A_220, %broadcast_in_dim3A_223] : memref<8x8x128xf32, #tpu.memory_space<vmem>>[vector<16xi32>, vector<16xi32>, vector<16xi32>], vector<16xf32>,
    %gather3A_621 = tpu.vector_load_idx %arg11[%shift_right_logical3A_208, %and3A_220, %broadcast_in_dim3A_223] : memref<8x8x3xf32, #tpu.memory_space<vmem>>[vector<16xi32>, vector<16xi32>, vector<16xi32>], vector<16xf32>,
    %add3A_622 = arith.addf %gather3A_620, %gather3A_621 : vector<16xf32>
    tpu.vector_store_idx %arg15[%shift_right_logical3A_208, %and3A_220, %broadcast_in_dim3A_223], %add3A_622 : memref<8x8x3xf32, #tpu.memory_space<vmem>>[vector<16xi32>, vector<16xi32>, vector<16xi32>], vector<16xf32>,
    %gather3A_623 = tpu.vector_load_idx %arg7[%shift_right_logical3A_208, %and3A_220, %broadcast_in_dim3A_225] : memref<8x8x128xf32, #tpu.memory_space<vmem>>[vector<16xi32>, vector<16xi32>, vector<16xi32>], vector<16xf32>,
    %gather3A_624 = tpu.vector_load_idx %arg11[%shift_right_logical3A_208, %and3A_220, %broadcast_in_dim3A_225] : memref<8x8x3xf32, #tpu.memory_space<vmem>>[vector<16xi32>, vector<16xi32>, vector<16xi32>], vector<16xf32>,
    %add3A_625 = arith.addf %gather3A_623, %gather3A_624 : vector<16xf32>
    tpu.vector_store_idx %arg15[%shift_right_logical3A_208, %and3A_220, %broadcast_in_dim3A_225], %add3A_625 : memref<8x8x3xf32, #tpu.memory_space<vmem>>[vector<16xi32>, vector<16xi32>, vector<16xi32>], vector<16xf32>,
    %add3A_626 = arith.constant 128 : i32
    %add3A_627 = arith.addi %mul3A_2, %add3A_626 : i32
    %jit3A_628 = arith.constant 8 : i32
    %div3A_629 = arith.divsi %add3A_627, %jit3A_628 : i32
    %sign3A_630 = arith.constant 0 : i32
    %sign3A_631 = arith.cmpi sgt, %add3A_627, %sign3A_630 : i32
    %sign3A_632 = arith.extui %sign3A_631 : i1 to i32
    %sign3A_633 = arith.constant 0 : i32
    %sign3A_634 = arith.cmpi slt, %add3A_627, %sign3A_633 : i32
    %sign3A_635 = arith.extui %sign3A_634 : i1 to i32
    %sign3A_636 = arith.subi %sign3A_632, %sign3A_635 : i32
    %sign3A_637 = arith.constant 0 : i32
    %sign3A_638 = arith.cmpi sgt, %jit3A_628, %sign3A_637 : i32
    %sign3A_639 = arith.extui %sign3A_638 : i1 to i32
    %sign3A_640 = arith.constant 0 : i32
    %sign3A_641 = arith.cmpi slt, %jit3A_628, %sign3A_640 : i32
    %sign3A_642 = arith.extui %sign3A_641 : i1 to i32
    %sign3A_643 = arith.subi %sign3A_639, %sign3A_642 : i32
    %ne3A_644 = arith.cmpi ne, %sign3A_636, %sign3A_643 : i32
    %rem3A_645 = arith.remsi %add3A_627, %jit3A_628 : i32
    %ne3A_646 = arith.constant 0 : i32
    %ne3A_647 = arith.cmpi ne, %rem3A_645, %ne3A_646 : i32
    %and3A_648 = arith.andi %ne3A_644, %ne3A_647 : i1
    %sub3A_649 = arith.constant 1 : i32
    %sub3A_650 = arith.subi %div3A_629, %sub3A_649 : i32
    %select_n3A_651 = arith.select %and3A_648, %sub3A_650, %div3A_629 : i32
    %dma_start3A_652 = arith.constant 0 : i32
    %dma_start3A_653 = arith.constant 0 : i32
    %dma_start3A_654 = tpu.memref_slice %arg4[%select_n3A_651, %dma_start3A_652, %dma_start3A_653] : memref<2048x8x3xf32, #tpu.memory_space<hbm>> -> memref<8x8x3xf32, #tpu.memory_space<hbm>>
    %dma_start3A_655 = arith.constant 0 : i32
    %dma_start3A_656 = arith.constant 0 : i32
    %dma_start3A_657 = tpu.memref_slice %arg4[%select_n3A_651, %dma_start3A_655, %dma_start3A_656] : memref<2048x8x3xf32, #tpu.memory_space<hbm>> -> memref<8x8x3xf32, #tpu.memory_space<hbm>>
    tpu.enqueue_dma source(%arg15 : memref<8x8x3xf32, #tpu.memory_space<vmem>>) target(%dma_start3A_657 : memref<8x8x3xf32, #tpu.memory_space<hbm>>) target_semaphore(%arg27 : memref<!tpu.dma_semaphore, #tpu.memory_space<semaphore_mem>>)
    %add3A_658 = arith.constant 384 : i32
    %add3A_659 = arith.addi %mul3A_2, %add3A_658 : i32
    %jit3A_660 = arith.constant 8 : i32
    %div3A_661 = arith.divsi %add3A_659, %jit3A_660 : i32
    %sign3A_662 = arith.constant 0 : i32
    %sign3A_663 = arith.cmpi sgt, %add3A_659, %sign3A_662 : i32
    %sign3A_664 = arith.extui %sign3A_663 : i1 to i32
    %sign3A_665 = arith.constant 0 : i32
    %sign3A_666 = arith.cmpi slt, %add3A_659, %sign3A_665 : i32
    %sign3A_667 = arith.extui %sign3A_666 : i1 to i32
    %sign3A_668 = arith.subi %sign3A_664, %sign3A_667 : i32
    %sign3A_669 = arith.constant 0 : i32
    %sign3A_670 = arith.cmpi sgt, %jit3A_660, %sign3A_669 : i32
    %sign3A_671 = arith.extui %sign3A_670 : i1 to i32
    %sign3A_672 = arith.constant 0 : i32
    %sign3A_673 = arith.cmpi slt, %jit3A_660, %sign3A_672 : i32
    %sign3A_674 = arith.extui %sign3A_673 : i1 to i32
    %sign3A_675 = arith.subi %sign3A_671, %sign3A_674 : i32
    %ne3A_676 = arith.cmpi ne, %sign3A_668, %sign3A_675 : i32
    %rem3A_677 = arith.remsi %add3A_659, %jit3A_660 : i32
    %ne3A_678 = arith.constant 0 : i32
    %ne3A_679 = arith.cmpi ne, %rem3A_677, %ne3A_678 : i32
    %and3A_680 = arith.andi %ne3A_676, %ne3A_679 : i1
    %sub3A_681 = arith.constant 1 : i32
    %sub3A_682 = arith.subi %div3A_661, %sub3A_681 : i32
    %select_n3A_683 = arith.select %and3A_680, %sub3A_682, %div3A_661 : i32
    %add3A_684 = arith.constant 384 : i32
    %add3A_685 = arith.addi %mul3A_2, %add3A_684 : i32
    %jit3A_686 = arith.constant 8 : i32
    %div3A_687 = arith.divsi %add3A_685, %jit3A_686 : i32
    %sign3A_688 = arith.constant 0 : i32
    %sign3A_689 = arith.cmpi sgt, %add3A_685, %sign3A_688 : i32
    %sign3A_690 = arith.extui %sign3A_689 : i1 to i32
    %sign3A_691 = arith.constant 0 : i32
    %sign3A_692 = arith.cmpi slt, %add3A_685, %sign3A_691 : i32
    %sign3A_693 = arith.extui %sign3A_692 : i1 to i32
    %sign3A_694 = arith.subi %sign3A_690, %sign3A_693 : i32
    %sign3A_695 = arith.constant 0 : i32
    %sign3A_696 = arith.cmpi sgt, %jit3A_686, %sign3A_695 : i32
    %sign3A_697 = arith.extui %sign3A_696 : i1 to i32
    %sign3A_698 = arith.constant 0 : i32
    %sign3A_699 = arith.cmpi slt, %jit3A_686, %sign3A_698 : i32
    %sign3A_700 = arith.extui %sign3A_699 : i1 to i32
    %sign3A_701 = arith.subi %sign3A_697, %sign3A_700 : i32
    %ne3A_702 = arith.cmpi ne, %sign3A_694, %sign3A_701 : i32
    %rem3A_703 = arith.remsi %add3A_685, %jit3A_686 : i32
    %ne3A_704 = arith.constant 0 : i32
    %ne3A_705 = arith.cmpi ne, %rem3A_703, %ne3A_704 : i32
    %and3A_706 = arith.andi %ne3A_702, %ne3A_705 : i1
    %sub3A_707 = arith.constant 1 : i32
    %sub3A_708 = arith.subi %div3A_687, %sub3A_707 : i32
    %select_n3A_709 = arith.select %and3A_706, %sub3A_708, %div3A_687 : i32
    %dma_start3A_710 = arith.constant 0 : i32
    %dma_start3A_711 = arith.constant 0 : i32
    %dma_start3A_712 = tpu.memref_slice %arg2[%select_n3A_683, %dma_start3A_710, %dma_start3A_711] : memref<2048x8x2048xf32, #tpu.memory_space<hbm>> -> memref<8x8x128xf32, #tpu.memory_space<hbm>>
    %dma_start3A_713 = arith.constant 0 : i32
    %dma_start3A_714 = arith.constant 0 : i32
    %dma_start3A_715 = tpu.memref_slice %arg2[%select_n3A_683, %dma_start3A_713, %dma_start3A_714] : memref<2048x8x2048xf32, #tpu.memory_space<hbm>> -> memref<8x8x128xf32, #tpu.memory_space<hbm>>
    tpu.enqueue_dma source(%dma_start3A_715 : memref<8x8x128xf32, #tpu.memory_space<hbm>>) target(%arg7 : memref<8x8x128xf32, #tpu.memory_space<vmem>>) target_semaphore(%arg19 : memref<!tpu.dma_semaphore, #tpu.memory_space<semaphore_mem>>)
    %dma_start3A_716 = arith.constant 0 : i32
    %dma_start3A_717 = arith.constant 0 : i32
    %dma_start3A_718 = tpu.memref_slice %arg3[%select_n3A_709, %dma_start3A_716, %dma_start3A_717] : memref<2048x8x3xf32, #tpu.memory_space<hbm>> -> memref<8x8x3xf32, #tpu.memory_space<hbm>>
    %dma_start3A_719 = arith.constant 0 : i32
    %dma_start3A_720 = arith.constant 0 : i32
    %dma_start3A_721 = tpu.memref_slice %arg3[%select_n3A_709, %dma_start3A_719, %dma_start3A_720] : memref<2048x8x3xf32, #tpu.memory_space<hbm>> -> memref<8x8x3xf32, #tpu.memory_space<hbm>>
    tpu.enqueue_dma source(%dma_start3A_721 : memref<8x8x3xf32, #tpu.memory_space<hbm>>) target(%arg11 : memref<8x8x3xf32, #tpu.memory_space<vmem>>) target_semaphore(%arg23 : memref<!tpu.dma_semaphore, #tpu.memory_space<semaphore_mem>>)
    %dma_wait3A_722 = arith.constant 0 : i32
    %dma_wait3A_723 = arith.constant 0 : i32
    %dma_wait3A_724 = tpu.memref_slice %arg2[%select_n3A_253, %dma_wait3A_722, %dma_wait3A_723] : memref<2048x8x2048xf32, #tpu.memory_space<hbm>> -> memref<8x8x128xf32, #tpu.memory_space<hbm>>
    %dma_wait3A_725 = arith.constant 0 : i32
    %dma_wait3A_726 = arith.constant 0 : i32
    %dma_wait3A_727 = tpu.memref_slice %arg2[%select_n3A_253, %dma_wait3A_725, %dma_wait3A_726] : memref<2048x8x2048xf32, #tpu.memory_space<hbm>> -> memref<8x8x128xf32, #tpu.memory_space<hbm>>
    tpu.wait_dma2 semaphore(%arg20 : memref<!tpu.dma_semaphore, #tpu.memory_space<semaphore_mem>>) src(%dma_wait3A_727 : memref<8x8x128xf32, #tpu.memory_space<hbm>>) dst(%arg8 : memref<8x8x128xf32, #tpu.memory_space<vmem>>)
    %dma_wait3A_728 = arith.constant 0 : i32
    %dma_wait3A_729 = arith.constant 0 : i32
    %dma_wait3A_730 = tpu.memref_slice %arg3[%select_n3A_279, %dma_wait3A_728, %dma_wait3A_729] : memref<2048x8x3xf32, #tpu.memory_space<hbm>> -> memref<8x8x3xf32, #tpu.memory_space<hbm>>
    %dma_wait3A_731 = arith.constant 0 : i32
    %dma_wait3A_732 = arith.constant 0 : i32
    %dma_wait3A_733 = tpu.memref_slice %arg3[%select_n3A_279, %dma_wait3A_731, %dma_wait3A_732] : memref<2048x8x3xf32, #tpu.memory_space<hbm>> -> memref<8x8x3xf32, #tpu.memory_space<hbm>>
    tpu.wait_dma2 semaphore(%arg24 : memref<!tpu.dma_semaphore, #tpu.memory_space<semaphore_mem>>) src(%dma_wait3A_733 : memref<8x8x3xf32, #tpu.memory_space<hbm>>) dst(%arg12 : memref<8x8x3xf32, #tpu.memory_space<vmem>>)
    %gather3A_734 = tpu.vector_load_idx %arg8[%shift_right_logical3A_199, %and3A_211, %broadcast_in_dim3A_227] : memref<8x8x128xf32, #tpu.memory_space<vmem>>[vector<16xi32>, vector<16xi32>, vector<16xi32>], vector<16xf32>,
    %gather3A_735 = tpu.vector_load_idx %arg12[%shift_right_logical3A_199, %and3A_211, %broadcast_in_dim3A_221] : memref<8x8x3xf32, #tpu.memory_space<vmem>>[vector<16xi32>, vector<16xi32>, vector<16xi32>], vector<16xf32>,
    %add3A_736 = arith.addf %gather3A_734, %gather3A_735 : vector<16xf32>
    tpu.vector_store_idx %arg16[%shift_right_logical3A_199, %and3A_211, %broadcast_in_dim3A_221], %add3A_736 : memref<8x8x3xf32, #tpu.memory_space<vmem>>[vector<16xi32>, vector<16xi32>, vector<16xi32>], vector<16xf32>,
    %gather3A_737 = tpu.vector_load_idx %arg8[%shift_right_logical3A_199, %and3A_211, %broadcast_in_dim3A_223] : memref<8x8x128xf32, #tpu.memory_space<vmem>>[vector<16xi32>, vector<16xi32>, vector<16xi32>], vector<16xf32>,
    %gather3A_738 = tpu.vector_load_idx %arg12[%shift_right_logical3A_199, %and3A_211, %broadcast_in_dim3A_223] : memref<8x8x3xf32, #tpu.memory_space<vmem>>[vector<16xi32>, vector<16xi32>, vector<16xi32>], vector<16xf32>,
    %add3A_739 = arith.addf %gather3A_737, %gather3A_738 : vector<16xf32>
    tpu.vector_store_idx %arg16[%shift_right_logical3A_199, %and3A_211, %broadcast_in_dim3A_223], %add3A_739 : memref<8x8x3xf32, #tpu.memory_space<vmem>>[vector<16xi32>, vector<16xi32>, vector<16xi32>], vector<16xf32>,
    %gather3A_740 = tpu.vector_load_idx %arg8[%shift_right_logical3A_199, %and3A_211, %broadcast_in_dim3A_225] : memref<8x8x128xf32, #tpu.memory_space<vmem>>[vector<16xi32>, vector<16xi32>, vector<16xi32>], vector<16xf32>,
    %gather3A_741 = tpu.vector_load_idx %arg12[%shift_right_logical3A_199, %and3A_211, %broadcast_in_dim3A_225] : memref<8x8x3xf32, #tpu.memory_space<vmem>>[vector<16xi32>, vector<16xi32>, vector<16xi32>], vector<16xf32>,
    %add3A_742 = arith.addf %gather3A_740, %gather3A_741 : vector<16xf32>
    tpu.vector_store_idx %arg16[%shift_right_logical3A_199, %and3A_211, %broadcast_in_dim3A_225], %add3A_742 : memref<8x8x3xf32, #tpu.memory_space<vmem>>[vector<16xi32>, vector<16xi32>, vector<16xi32>], vector<16xf32>,
    %gather3A_743 = tpu.vector_load_idx %arg8[%shift_right_logical3A_202, %and3A_214, %broadcast_in_dim3A_227] : memref<8x8x128xf32, #tpu.memory_space<vmem>>[vector<16xi32>, vector<16xi32>, vector<16xi32>], vector<16xf32>,
    %gather3A_744 = tpu.vector_load_idx %arg12[%shift_right_logical3A_202, %and3A_214, %broadcast_in_dim3A_221] : memref<8x8x3xf32, #tpu.memory_space<vmem>>[vector<16xi32>, vector<16xi32>, vector<16xi32>], vector<16xf32>,
    %add3A_745 = arith.addf %gather3A_743, %gather3A_744 : vector<16xf32>
    tpu.vector_store_idx %arg16[%shift_right_logical3A_202, %and3A_214, %broadcast_in_dim3A_221], %add3A_745 : memref<8x8x3xf32, #tpu.memory_space<vmem>>[vector<16xi32>, vector<16xi32>, vector<16xi32>], vector<16xf32>,
    %gather3A_746 = tpu.vector_load_idx %arg8[%shift_right_logical3A_202, %and3A_214, %broadcast_in_dim3A_223] : memref<8x8x128xf32, #tpu.memory_space<vmem>>[vector<16xi32>, vector<16xi32>, vector<16xi32>], vector<16xf32>,
    %gather3A_747 = tpu.vector_load_idx %arg12[%shift_right_logical3A_202, %and3A_214, %broadcast_in_dim3A_223] : memref<8x8x3xf32, #tpu.memory_space<vmem>>[vector<16xi32>, vector<16xi32>, vector<16xi32>], vector<16xf32>,
    %add3A_748 = arith.addf %gather3A_746, %gather3A_747 : vector<16xf32>
    tpu.vector_store_idx %arg16[%shift_right_logical3A_202, %and3A_214, %broadcast_in_dim3A_223], %add3A_748 : memref<8x8x3xf32, #tpu.memory_space<vmem>>[vector<16xi32>, vector<16xi32>, vector<16xi32>], vector<16xf32>,
    %gather3A_749 = tpu.vector_load_idx %arg8[%shift_right_logical3A_202, %and3A_214, %broadcast_in_dim3A_225] : memref<8x8x128xf32, #tpu.memory_space<vmem>>[vector<16xi32>, vector<16xi32>, vector<16xi32>], vector<16xf32>,
    %gather3A_750 = tpu.vector_load_idx %arg12[%shift_right_logical3A_202, %and3A_214, %broadcast_in_dim3A_225] : memref<8x8x3xf32, #tpu.memory_space<vmem>>[vector<16xi32>, vector<16xi32>, vector<16xi32>], vector<16xf32>,
    %add3A_751 = arith.addf %gather3A_749, %gather3A_750 : vector<16xf32>
    tpu.vector_store_idx %arg16[%shift_right_logical3A_202, %and3A_214, %broadcast_in_dim3A_225], %add3A_751 : memref<8x8x3xf32, #tpu.memory_space<vmem>>[vector<16xi32>, vector<16xi32>, vector<16xi32>], vector<16xf32>,
    %gather3A_752 = tpu.vector_load_idx %arg8[%shift_right_logical3A_205, %and3A_217, %broadcast_in_dim3A_227] : memref<8x8x128xf32, #tpu.memory_space<vmem>>[vector<16xi32>, vector<16xi32>, vector<16xi32>], vector<16xf32>,
    %gather3A_753 = tpu.vector_load_idx %arg12[%shift_right_logical3A_205, %and3A_217, %broadcast_in_dim3A_221] : memref<8x8x3xf32, #tpu.memory_space<vmem>>[vector<16xi32>, vector<16xi32>, vector<16xi32>], vector<16xf32>,
    %add3A_754 = arith.addf %gather3A_752, %gather3A_753 : vector<16xf32>
    tpu.vector_store_idx %arg16[%shift_right_logical3A_205, %and3A_217, %broadcast_in_dim3A_221], %add3A_754 : memref<8x8x3xf32, #tpu.memory_space<vmem>>[vector<16xi32>, vector<16xi32>, vector<16xi32>], vector<16xf32>,
    %gather3A_755 = tpu.vector_load_idx %arg8[%shift_right_logical3A_205, %and3A_217, %broadcast_in_dim3A_223] : memref<8x8x128xf32, #tpu.memory_space<vmem>>[vector<16xi32>, vector<16xi32>, vector<16xi32>], vector<16xf32>,
    %gather3A_756 = tpu.vector_load_idx %arg12[%shift_right_logical3A_205, %and3A_217, %broadcast_in_dim3A_223] : memref<8x8x3xf32, #tpu.memory_space<vmem>>[vector<16xi32>, vector<16xi32>, vector<16xi32>], vector<16xf32>,
    %add3A_757 = arith.addf %gather3A_755, %gather3A_756 : vector<16xf32>
    tpu.vector_store_idx %arg16[%shift_right_logical3A_205, %and3A_217, %broadcast_in_dim3A_223], %add3A_757 : memref<8x8x3xf32, #tpu.memory_space<vmem>>[vector<16xi32>, vector<16xi32>, vector<16xi32>], vector<16xf32>,
    %gather3A_758 = tpu.vector_load_idx %arg8[%shift_right_logical3A_205, %and3A_217, %broadcast_in_dim3A_225] : memref<8x8x128xf32, #tpu.memory_space<vmem>>[vector<16xi32>, vector<16xi32>, vector<16xi32>], vector<16xf32>,
    %gather3A_759 = tpu.vector_load_idx %arg12[%shift_right_logical3A_205, %and3A_217, %broadcast_in_dim3A_225] : memref<8x8x3xf32, #tpu.memory_space<vmem>>[vector<16xi32>, vector<16xi32>, vector<16xi32>], vector<16xf32>,
    %add3A_760 = arith.addf %gather3A_758, %gather3A_759 : vector<16xf32>
    tpu.vector_store_idx %arg16[%shift_right_logical3A_205, %and3A_217, %broadcast_in_dim3A_225], %add3A_760 : memref<8x8x3xf32, #tpu.memory_space<vmem>>[vector<16xi32>, vector<16xi32>, vector<16xi32>], vector<16xf32>,
    %gather3A_761 = tpu.vector_load_idx %arg8[%shift_right_logical3A_208, %and3A_220, %broadcast_in_dim3A_227] : memref<8x8x128xf32, #tpu.memory_space<vmem>>[vector<16xi32>, vector<16xi32>, vector<16xi32>], vector<16xf32>,
    %gather3A_762 = tpu.vector_load_idx %arg12[%shift_right_logical3A_208, %and3A_220, %broadcast_in_dim3A_221] : memref<8x8x3xf32, #tpu.memory_space<vmem>>[vector<16xi32>, vector<16xi32>, vector<16xi32>], vector<16xf32>,
    %add3A_763 = arith.addf %gather3A_761, %gather3A_762 : vector<16xf32>
    tpu.vector_store_idx %arg16[%shift_right_logical3A_208, %and3A_220, %broadcast_in_dim3A_221], %add3A_763 : memref<8x8x3xf32, #tpu.memory_space<vmem>>[vector<16xi32>, vector<16xi32>, vector<16xi32>], vector<16xf32>,
    %gather3A_764 = tpu.vector_load_idx %arg8[%shift_right_logical3A_208, %and3A_220, %broadcast_in_dim3A_223] : memref<8x8x128xf32, #tpu.memory_space<vmem>>[vector<16xi32>, vector<16xi32>, vector<16xi32>], vector<16xf32>,
    %gather3A_765 = tpu.vector_load_idx %arg12[%shift_right_logical3A_208, %and3A_220, %broadcast_in_dim3A_223] : memref<8x8x3xf32, #tpu.memory_space<vmem>>[vector<16xi32>, vector<16xi32>, vector<16xi32>], vector<16xf32>,
    %add3A_766 = arith.addf %gather3A_764, %gather3A_765 : vector<16xf32>
    tpu.vector_store_idx %arg16[%shift_right_logical3A_208, %and3A_220, %broadcast_in_dim3A_223], %add3A_766 : memref<8x8x3xf32, #tpu.memory_space<vmem>>[vector<16xi32>, vector<16xi32>, vector<16xi32>], vector<16xf32>,
    %gather3A_767 = tpu.vector_load_idx %arg8[%shift_right_logical3A_208, %and3A_220, %broadcast_in_dim3A_225] : memref<8x8x128xf32, #tpu.memory_space<vmem>>[vector<16xi32>, vector<16xi32>, vector<16xi32>], vector<16xf32>,
    %gather3A_768 = tpu.vector_load_idx %arg12[%shift_right_logical3A_208, %and3A_220, %broadcast_in_dim3A_225] : memref<8x8x3xf32, #tpu.memory_space<vmem>>[vector<16xi32>, vector<16xi32>, vector<16xi32>], vector<16xf32>,
    %add3A_769 = arith.addf %gather3A_767, %gather3A_768 : vector<16xf32>
    tpu.vector_store_idx %arg16[%shift_right_logical3A_208, %and3A_220, %broadcast_in_dim3A_225], %add3A_769 : memref<8x8x3xf32, #tpu.memory_space<vmem>>[vector<16xi32>, vector<16xi32>, vector<16xi32>], vector<16xf32>,
    %add3A_770 = arith.constant 192 : i32
    %add3A_771 = arith.addi %mul3A_2, %add3A_770 : i32
    %jit3A_772 = arith.constant 8 : i32
    %div3A_773 = arith.divsi %add3A_771, %jit3A_772 : i32
    %sign3A_774 = arith.constant 0 : i32
    %sign3A_775 = arith.cmpi sgt, %add3A_771, %sign3A_774 : i32
    %sign3A_776 = arith.extui %sign3A_775 : i1 to i32
    %sign3A_777 = arith.constant 0 : i32
    %sign3A_778 = arith.cmpi slt, %add3A_771, %sign3A_777 : i32
    %sign3A_779 = arith.extui %sign3A_778 : i1 to i32
    %sign3A_780 = arith.subi %sign3A_776, %sign3A_779 : i32
    %sign3A_781 = arith.constant 0 : i32
    %sign3A_782 = arith.cmpi sgt, %jit3A_772, %sign3A_781 : i32
    %sign3A_783 = arith.extui %sign3A_782 : i1 to i32
    %sign3A_784 = arith.constant 0 : i32
    %sign3A_785 = arith.cmpi slt, %jit3A_772, %sign3A_784 : i32
    %sign3A_786 = arith.extui %sign3A_785 : i1 to i32
    %sign3A_787 = arith.subi %sign3A_783, %sign3A_786 : i32
    %ne3A_788 = arith.cmpi ne, %sign3A_780, %sign3A_787 : i32
    %rem3A_789 = arith.remsi %add3A_771, %jit3A_772 : i32
    %ne3A_790 = arith.constant 0 : i32
    %ne3A_791 = arith.cmpi ne, %rem3A_789, %ne3A_790 : i32
    %and3A_792 = arith.andi %ne3A_788, %ne3A_791 : i1
    %sub3A_793 = arith.constant 1 : i32
    %sub3A_794 = arith.subi %div3A_773, %sub3A_793 : i32
    %select_n3A_795 = arith.select %and3A_792, %sub3A_794, %div3A_773 : i32
    %dma_start3A_796 = arith.constant 0 : i32
    %dma_start3A_797 = arith.constant 0 : i32
    %dma_start3A_798 = tpu.memref_slice %arg4[%select_n3A_795, %dma_start3A_796, %dma_start3A_797] : memref<2048x8x3xf32, #tpu.memory_space<hbm>> -> memref<8x8x3xf32, #tpu.memory_space<hbm>>
    %dma_start3A_799 = arith.constant 0 : i32
    %dma_start3A_800 = arith.constant 0 : i32
    %dma_start3A_801 = tpu.memref_slice %arg4[%select_n3A_795, %dma_start3A_799, %dma_start3A_800] : memref<2048x8x3xf32, #tpu.memory_space<hbm>> -> memref<8x8x3xf32, #tpu.memory_space<hbm>>
    tpu.enqueue_dma source(%arg16 : memref<8x8x3xf32, #tpu.memory_space<vmem>>) target(%dma_start3A_801 : memref<8x8x3xf32, #tpu.memory_space<hbm>>) target_semaphore(%arg28 : memref<!tpu.dma_semaphore, #tpu.memory_space<semaphore_mem>>)
    %add3A_802 = arith.constant 448 : i32
    %add3A_803 = arith.addi %mul3A_2, %add3A_802 : i32
    %jit3A_804 = arith.constant 8 : i32
    %div3A_805 = arith.divsi %add3A_803, %jit3A_804 : i32
    %sign3A_806 = arith.constant 0 : i32
    %sign3A_807 = arith.cmpi sgt, %add3A_803, %sign3A_806 : i32
    %sign3A_808 = arith.extui %sign3A_807 : i1 to i32
    %sign3A_809 = arith.constant 0 : i32
    %sign3A_810 = arith.cmpi slt, %add3A_803, %sign3A_809 : i32
    %sign3A_811 = arith.extui %sign3A_810 : i1 to i32
    %sign3A_812 = arith.subi %sign3A_808, %sign3A_811 : i32
    %sign3A_813 = arith.constant 0 : i32
    %sign3A_814 = arith.cmpi sgt, %jit3A_804, %sign3A_813 : i32
    %sign3A_815 = arith.extui %sign3A_814 : i1 to i32
    %sign3A_816 = arith.constant 0 : i32
    %sign3A_817 = arith.cmpi slt, %jit3A_804, %sign3A_816 : i32
    %sign3A_818 = arith.extui %sign3A_817 : i1 to i32
    %sign3A_819 = arith.subi %sign3A_815, %sign3A_818 : i32
    %ne3A_820 = arith.cmpi ne, %sign3A_812, %sign3A_819 : i32
    %rem3A_821 = arith.remsi %add3A_803, %jit3A_804 : i32
    %ne3A_822 = arith.constant 0 : i32
    %ne3A_823 = arith.cmpi ne, %rem3A_821, %ne3A_822 : i32
    %and3A_824 = arith.andi %ne3A_820, %ne3A_823 : i1
    %sub3A_825 = arith.constant 1 : i32
    %sub3A_826 = arith.subi %div3A_805, %sub3A_825 : i32
    %select_n3A_827 = arith.select %and3A_824, %sub3A_826, %div3A_805 : i32
    %add3A_828 = arith.constant 448 : i32
    %add3A_829 = arith.addi %mul3A_2, %add3A_828 : i32
    %jit3A_830 = arith.constant 8 : i32
    %div3A_831 = arith.divsi %add3A_829, %jit3A_830 : i32
    %sign3A_832 = arith.constant 0 : i32
    %sign3A_833 = arith.cmpi sgt, %add3A_829, %sign3A_832 : i32
    %sign3A_834 = arith.extui %sign3A_833 : i1 to i32
    %sign3A_835 = arith.constant 0 : i32
    %sign3A_836 = arith.cmpi slt, %add3A_829, %sign3A_835 : i32
    %sign3A_837 = arith.extui %sign3A_836 : i1 to i32
    %sign3A_838 = arith.subi %sign3A_834, %sign3A_837 : i32
    %sign3A_839 = arith.constant 0 : i32
    %sign3A_840 = arith.cmpi sgt, %jit3A_830, %sign3A_839 : i32
    %sign3A_841 = arith.extui %sign3A_840 : i1 to i32
    %sign3A_842 = arith.constant 0 : i32
    %sign3A_843 = arith.cmpi slt, %jit3A_830, %sign3A_842 : i32
    %sign3A_844 = arith.extui %sign3A_843 : i1 to i32
    %sign3A_845 = arith.subi %sign3A_841, %sign3A_844 : i32
    %ne3A_846 = arith.cmpi ne, %sign3A_838, %sign3A_845 : i32
    %rem3A_847 = arith.remsi %add3A_829, %jit3A_830 : i32
    %ne3A_848 = arith.constant 0 : i32
    %ne3A_849 = arith.cmpi ne, %rem3A_847, %ne3A_848 : i32
    %and3A_850 = arith.andi %ne3A_846, %ne3A_849 : i1
    %sub3A_851 = arith.constant 1 : i32
    %sub3A_852 = arith.subi %div3A_831, %sub3A_851 : i32
    %select_n3A_853 = arith.select %and3A_850, %sub3A_852, %div3A_831 : i32
    %dma_start3A_854 = arith.constant 0 : i32
    %dma_start3A_855 = arith.constant 0 : i32
    %dma_start3A_856 = tpu.memref_slice %arg2[%select_n3A_827, %dma_start3A_854, %dma_start3A_855] : memref<2048x8x2048xf32, #tpu.memory_space<hbm>> -> memref<8x8x128xf32, #tpu.memory_space<hbm>>
    %dma_start3A_857 = arith.constant 0 : i32
    %dma_start3A_858 = arith.constant 0 : i32
    %dma_start3A_859 = tpu.memref_slice %arg2[%select_n3A_827, %dma_start3A_857, %dma_start3A_858] : memref<2048x8x2048xf32, #tpu.memory_space<hbm>> -> memref<8x8x128xf32, #tpu.memory_space<hbm>>
    tpu.enqueue_dma source(%dma_start3A_859 : memref<8x8x128xf32, #tpu.memory_space<hbm>>) target(%arg8 : memref<8x8x128xf32, #tpu.memory_space<vmem>>) target_semaphore(%arg20 : memref<!tpu.dma_semaphore, #tpu.memory_space<semaphore_mem>>)
    %dma_start3A_860 = arith.constant 0 : i32
    %dma_start3A_861 = arith.constant 0 : i32
    %dma_start3A_862 = tpu.memref_slice %arg3[%select_n3A_853, %dma_start3A_860, %dma_start3A_861] : memref<2048x8x3xf32, #tpu.memory_space<hbm>> -> memref<8x8x3xf32, #tpu.memory_space<hbm>>
    %dma_start3A_863 = arith.constant 0 : i32
    %dma_start3A_864 = arith.constant 0 : i32
    %dma_start3A_865 = tpu.memref_slice %arg3[%select_n3A_853, %dma_start3A_863, %dma_start3A_864] : memref<2048x8x3xf32, #tpu.memory_space<hbm>> -> memref<8x8x3xf32, #tpu.memory_space<hbm>>
    tpu.enqueue_dma source(%dma_start3A_865 : memref<8x8x3xf32, #tpu.memory_space<hbm>>) target(%arg12 : memref<8x8x3xf32, #tpu.memory_space<vmem>>) target_semaphore(%arg24 : memref<!tpu.dma_semaphore, #tpu.memory_space<semaphore_mem>>)
    %dma_wait3A_866 = arith.constant 0 : i32
    %dma_wait3A_867 = arith.constant 0 : i32
    %dma_wait3A_868 = tpu.memref_slice %arg2[%select_n3A_395, %dma_wait3A_866, %dma_wait3A_867] : memref<2048x8x2048xf32, #tpu.memory_space<hbm>> -> memref<8x8x128xf32, #tpu.memory_space<hbm>>
    %dma_wait3A_869 = arith.constant 0 : i32
    %dma_wait3A_870 = arith.constant 0 : i32
    %dma_wait3A_871 = tpu.memref_slice %arg2[%select_n3A_395, %dma_wait3A_869, %dma_wait3A_870] : memref<2048x8x2048xf32, #tpu.memory_space<hbm>> -> memref<8x8x128xf32, #tpu.memory_space<hbm>>
    tpu.wait_dma2 semaphore(%arg17 : memref<!tpu.dma_semaphore, #tpu.memory_space<semaphore_mem>>) src(%dma_wait3A_871 : memref<8x8x128xf32, #tpu.memory_space<hbm>>) dst(%arg5 : memref<8x8x128xf32, #tpu.memory_space<vmem>>)
    %dma_wait3A_872 = arith.constant 0 : i32
    %dma_wait3A_873 = arith.constant 0 : i32
    %dma_wait3A_874 = tpu.memref_slice %arg3[%select_n3A_421, %dma_wait3A_872, %dma_wait3A_873] : memref<2048x8x3xf32, #tpu.memory_space<hbm>> -> memref<8x8x3xf32, #tpu.memory_space<hbm>>
    %dma_wait3A_875 = arith.constant 0 : i32
    %dma_wait3A_876 = arith.constant 0 : i32
    %dma_wait3A_877 = tpu.memref_slice %arg3[%select_n3A_421, %dma_wait3A_875, %dma_wait3A_876] : memref<2048x8x3xf32, #tpu.memory_space<hbm>> -> memref<8x8x3xf32, #tpu.memory_space<hbm>>
    tpu.wait_dma2 semaphore(%arg21 : memref<!tpu.dma_semaphore, #tpu.memory_space<semaphore_mem>>) src(%dma_wait3A_877 : memref<8x8x3xf32, #tpu.memory_space<hbm>>) dst(%arg9 : memref<8x8x3xf32, #tpu.memory_space<vmem>>)
    %dma_wait3A_878 = arith.constant 0 : i32
    %dma_wait3A_879 = arith.constant 0 : i32
    %dma_wait3A_880 = tpu.memref_slice %arg4[%select_n3A_363, %dma_wait3A_878, %dma_wait3A_879] : memref<2048x8x3xf32, #tpu.memory_space<hbm>> -> memref<8x8x3xf32, #tpu.memory_space<hbm>>
    %dma_wait3A_881 = arith.constant 0 : i32
    %dma_wait3A_882 = arith.constant 0 : i32
    %dma_wait3A_883 = tpu.memref_slice %arg4[%select_n3A_363, %dma_wait3A_881, %dma_wait3A_882] : memref<2048x8x3xf32, #tpu.memory_space<hbm>> -> memref<8x8x3xf32, #tpu.memory_space<hbm>>
    tpu.wait_dma2 semaphore(%arg25 : memref<!tpu.dma_semaphore, #tpu.memory_space<semaphore_mem>>) src(%arg13 : memref<8x8x3xf32, #tpu.memory_space<vmem>>) dst(%dma_wait3A_883 : memref<8x8x3xf32, #tpu.memory_space<hbm>>)
    %gather3A_884 = tpu.vector_load_idx %arg5[%shift_right_logical3A_199, %and3A_211, %broadcast_in_dim3A_227] : memref<8x8x128xf32, #tpu.memory_space<vmem>>[vector<16xi32>, vector<16xi32>, vector<16xi32>], vector<16xf32>,
    %gather3A_885 = tpu.vector_load_idx %arg9[%shift_right_logical3A_199, %and3A_211, %broadcast_in_dim3A_221] : memref<8x8x3xf32, #tpu.memory_space<vmem>>[vector<16xi32>, vector<16xi32>, vector<16xi32>], vector<16xf32>,
    %add3A_886 = arith.addf %gather3A_884, %gather3A_885 : vector<16xf32>
    tpu.vector_store_idx %arg13[%shift_right_logical3A_199, %and3A_211, %broadcast_in_dim3A_221], %add3A_886 : memref<8x8x3xf32, #tpu.memory_space<vmem>>[vector<16xi32>, vector<16xi32>, vector<16xi32>], vector<16xf32>,
    %gather3A_887 = tpu.vector_load_idx %arg5[%shift_right_logical3A_199, %and3A_211, %broadcast_in_dim3A_223] : memref<8x8x128xf32, #tpu.memory_space<vmem>>[vector<16xi32>, vector<16xi32>, vector<16xi32>], vector<16xf32>,
    %gather3A_888 = tpu.vector_load_idx %arg9[%shift_right_logical3A_199, %and3A_211, %broadcast_in_dim3A_223] : memref<8x8x3xf32, #tpu.memory_space<vmem>>[vector<16xi32>, vector<16xi32>, vector<16xi32>], vector<16xf32>,
    %add3A_889 = arith.addf %gather3A_887, %gather3A_888 : vector<16xf32>
    tpu.vector_store_idx %arg13[%shift_right_logical3A_199, %and3A_211, %broadcast_in_dim3A_223], %add3A_889 : memref<8x8x3xf32, #tpu.memory_space<vmem>>[vector<16xi32>, vector<16xi32>, vector<16xi32>], vector<16xf32>,
    %gather3A_890 = tpu.vector_load_idx %arg5[%shift_right_logical3A_199, %and3A_211, %broadcast_in_dim3A_225] : memref<8x8x128xf32, #tpu.memory_space<vmem>>[vector<16xi32>, vector<16xi32>, vector<16xi32>], vector<16xf32>,
    %gather3A_891 = tpu.vector_load_idx %arg9[%shift_right_logical3A_199, %and3A_211, %broadcast_in_dim3A_225] : memref<8x8x3xf32, #tpu.memory_space<vmem>>[vector<16xi32>, vector<16xi32>, vector<16xi32>], vector<16xf32>,
    %add3A_892 = arith.addf %gather3A_890, %gather3A_891 : vector<16xf32>
    tpu.vector_store_idx %arg13[%shift_right_logical3A_199, %and3A_211, %broadcast_in_dim3A_225], %add3A_892 : memref<8x8x3xf32, #tpu.memory_space<vmem>>[vector<16xi32>, vector<16xi32>, vector<16xi32>], vector<16xf32>,
    %gather3A_893 = tpu.vector_load_idx %arg5[%shift_right_logical3A_202, %and3A_214, %broadcast_in_dim3A_227] : memref<8x8x128xf32, #tpu.memory_space<vmem>>[vector<16xi32>, vector<16xi32>, vector<16xi32>], vector<16xf32>,
    %gather3A_894 = tpu.vector_load_idx %arg9[%shift_right_logical3A_202, %and3A_214, %broadcast_in_dim3A_221] : memref<8x8x3xf32, #tpu.memory_space<vmem>>[vector<16xi32>, vector<16xi32>, vector<16xi32>], vector<16xf32>,
    %add3A_895 = arith.addf %gather3A_893, %gather3A_894 : vector<16xf32>
    tpu.vector_store_idx %arg13[%shift_right_logical3A_202, %and3A_214, %broadcast_in_dim3A_221], %add3A_895 : memref<8x8x3xf32, #tpu.memory_space<vmem>>[vector<16xi32>, vector<16xi32>, vector<16xi32>], vector<16xf32>,
    %gather3A_896 = tpu.vector_load_idx %arg5[%shift_right_logical3A_202, %and3A_214, %broadcast_in_dim3A_223] : memref<8x8x128xf32, #tpu.memory_space<vmem>>[vector<16xi32>, vector<16xi32>, vector<16xi32>], vector<16xf32>,
    %gather3A_897 = tpu.vector_load_idx %arg9[%shift_right_logical3A_202, %and3A_214, %broadcast_in_dim3A_223] : memref<8x8x3xf32, #tpu.memory_space<vmem>>[vector<16xi32>, vector<16xi32>, vector<16xi32>], vector<16xf32>,
    %add3A_898 = arith.addf %gather3A_896, %gather3A_897 : vector<16xf32>
    tpu.vector_store_idx %arg13[%shift_right_logical3A_202, %and3A_214, %broadcast_in_dim3A_223], %add3A_898 : memref<8x8x3xf32, #tpu.memory_space<vmem>>[vector<16xi32>, vector<16xi32>, vector<16xi32>], vector<16xf32>,
    %gather3A_899 = tpu.vector_load_idx %arg5[%shift_right_logical3A_202, %and3A_214, %broadcast_in_dim3A_225] : memref<8x8x128xf32, #tpu.memory_space<vmem>>[vector<16xi32>, vector<16xi32>, vector<16xi32>], vector<16xf32>,
    %gather3A_900 = tpu.vector_load_idx %arg9[%shift_right_logical3A_202, %and3A_214, %broadcast_in_dim3A_225] : memref<8x8x3xf32, #tpu.memory_space<vmem>>[vector<16xi32>, vector<16xi32>, vector<16xi32>], vector<16xf32>,
    %add3A_901 = arith.addf %gather3A_899, %gather3A_900 : vector<16xf32>
    tpu.vector_store_idx %arg13[%shift_right_logical3A_202, %and3A_214, %broadcast_in_dim3A_225], %add3A_901 : memref<8x8x3xf32, #tpu.memory_space<vmem>>[vector<16xi32>, vector<16xi32>, vector<16xi32>], vector<16xf32>,
    %gather3A_902 = tpu.vector_load_idx %arg5[%shift_right_logical3A_205, %and3A_217, %broadcast_in_dim3A_227] : memref<8x8x128xf32, #tpu.memory_space<vmem>>[vector<16xi32>, vector<16xi32>, vector<16xi32>], vector<16xf32>,
    %gather3A_903 = tpu.vector_load_idx %arg9[%shift_right_logical3A_205, %and3A_217, %broadcast_in_dim3A_221] : memref<8x8x3xf32, #tpu.memory_space<vmem>>[vector<16xi32>, vector<16xi32>, vector<16xi32>], vector<16xf32>,
    %add3A_904 = arith.addf %gather3A_902, %gather3A_903 : vector<16xf32>
    tpu.vector_store_idx %arg13[%shift_right_logical3A_205, %and3A_217, %broadcast_in_dim3A_221], %add3A_904 : memref<8x8x3xf32, #tpu.memory_space<vmem>>[vector<16xi32>, vector<16xi32>, vector<16xi32>], vector<16xf32>,
    %gather3A_905 = tpu.vector_load_idx %arg5[%shift_right_logical3A_205, %and3A_217, %broadcast_in_dim3A_223] : memref<8x8x128xf32, #tpu.memory_space<vmem>>[vector<16xi32>, vector<16xi32>, vector<16xi32>], vector<16xf32>,
    %gather3A_906 = tpu.vector_load_idx %arg9[%shift_right_logical3A_205, %and3A_217, %broadcast_in_dim3A_223] : memref<8x8x3xf32, #tpu.memory_space<vmem>>[vector<16xi32>, vector<16xi32>, vector<16xi32>], vector<16xf32>,
    %add3A_907 = arith.addf %gather3A_905, %gather3A_906 : vector<16xf32>
    tpu.vector_store_idx %arg13[%shift_right_logical3A_205, %and3A_217, %broadcast_in_dim3A_223], %add3A_907 : memref<8x8x3xf32, #tpu.memory_space<vmem>>[vector<16xi32>, vector<16xi32>, vector<16xi32>], vector<16xf32>,
    %gather3A_908 = tpu.vector_load_idx %arg5[%shift_right_logical3A_205, %and3A_217, %broadcast_in_dim3A_225] : memref<8x8x128xf32, #tpu.memory_space<vmem>>[vector<16xi32>, vector<16xi32>, vector<16xi32>], vector<16xf32>,
    %gather3A_909 = tpu.vector_load_idx %arg9[%shift_right_logical3A_205, %and3A_217, %broadcast_in_dim3A_225] : memref<8x8x3xf32, #tpu.memory_space<vmem>>[vector<16xi32>, vector<16xi32>, vector<16xi32>], vector<16xf32>,
    %add3A_910 = arith.addf %gather3A_908, %gather3A_909 : vector<16xf32>
    tpu.vector_store_idx %arg13[%shift_right_logical3A_205, %and3A_217, %broadcast_in_dim3A_225], %add3A_910 : memref<8x8x3xf32, #tpu.memory_space<vmem>>[vector<16xi32>, vector<16xi32>, vector<16xi32>], vector<16xf32>,
    %gather3A_911 = tpu.vector_load_idx %arg5[%shift_right_logical3A_208, %and3A_220, %broadcast_in_dim3A_227] : memref<8x8x128xf32, #tpu.memory_space<vmem>>[vector<16xi32>, vector<16xi32>, vector<16xi32>], vector<16xf32>,
    %gather3A_912 = tpu.vector_load_idx %arg9[%shift_right_logical3A_208, %and3A_220, %broadcast_in_dim3A_221] : memref<8x8x3xf32, #tpu.memory_space<vmem>>[vector<16xi32>, vector<16xi32>, vector<16xi32>], vector<16xf32>,
    %add3A_913 = arith.addf %gather3A_911, %gather3A_912 : vector<16xf32>
    tpu.vector_store_idx %arg13[%shift_right_logical3A_208, %and3A_220, %broadcast_in_dim3A_221], %add3A_913 : memref<8x8x3xf32, #tpu.memory_space<vmem>>[vector<16xi32>, vector<16xi32>, vector<16xi32>], vector<16xf32>,
    %gather3A_914 = tpu.vector_load_idx %arg5[%shift_right_logical3A_208, %and3A_220, %broadcast_in_dim3A_223] : memref<8x8x128xf32, #tpu.memory_space<vmem>>[vector<16xi32>, vector<16xi32>, vector<16xi32>], vector<16xf32>,
    %gather3A_915 = tpu.vector_load_idx %arg9[%shift_right_logical3A_208, %and3A_220, %broadcast_in_dim3A_223] : memref<8x8x3xf32, #tpu.memory_space<vmem>>[vector<16xi32>, vector<16xi32>, vector<16xi32>], vector<16xf32>,
    %add3A_916 = arith.addf %gather3A_914, %gather3A_915 : vector<16xf32>
    tpu.vector_store_idx %arg13[%shift_right_logical3A_208, %and3A_220, %broadcast_in_dim3A_223], %add3A_916 : memref<8x8x3xf32, #tpu.memory_space<vmem>>[vector<16xi32>, vector<16xi32>, vector<16xi32>], vector<16xf32>,
    %gather3A_917 = tpu.vector_load_idx %arg5[%shift_right_logical3A_208, %and3A_220, %broadcast_in_dim3A_225] : memref<8x8x128xf32, #tpu.memory_space<vmem>>[vector<16xi32>, vector<16xi32>, vector<16xi32>], vector<16xf32>,
    %gather3A_918 = tpu.vector_load_idx %arg9[%shift_right_logical3A_208, %and3A_220, %broadcast_in_dim3A_225] : memref<8x8x3xf32, #tpu.memory_space<vmem>>[vector<16xi32>, vector<16xi32>, vector<16xi32>], vector<16xf32>,
    %add3A_919 = arith.addf %gather3A_917, %gather3A_918 : vector<16xf32>
    tpu.vector_store_idx %arg13[%shift_right_logical3A_208, %and3A_220, %broadcast_in_dim3A_225], %add3A_919 : memref<8x8x3xf32, #tpu.memory_space<vmem>>[vector<16xi32>, vector<16xi32>, vector<16xi32>], vector<16xf32>,
    %add3A_920 = arith.constant 256 : i32
    %add3A_921 = arith.addi %mul3A_2, %add3A_920 : i32
    %jit3A_922 = arith.constant 8 : i32
    %div3A_923 = arith.divsi %add3A_921, %jit3A_922 : i32
    %sign3A_924 = arith.constant 0 : i32
    %sign3A_925 = arith.cmpi sgt, %add3A_921, %sign3A_924 : i32
    %sign3A_926 = arith.extui %sign3A_925 : i1 to i32
    %sign3A_927 = arith.constant 0 : i32
    %sign3A_928 = arith.cmpi slt, %add3A_921, %sign3A_927 : i32
    %sign3A_929 = arith.extui %sign3A_928 : i1 to i32
    %sign3A_930 = arith.subi %sign3A_926, %sign3A_929 : i32
    %sign3A_931 = arith.constant 0 : i32
    %sign3A_932 = arith.cmpi sgt, %jit3A_922, %sign3A_931 : i32
    %sign3A_933 = arith.extui %sign3A_932 : i1 to i32
    %sign3A_934 = arith.constant 0 : i32
    %sign3A_935 = arith.cmpi slt, %jit3A_922, %sign3A_934 : i32
    %sign3A_936 = arith.extui %sign3A_935 : i1 to i32
    %sign3A_937 = arith.subi %sign3A_933, %sign3A_936 : i32
    %ne3A_938 = arith.cmpi ne, %sign3A_930, %sign3A_937 : i32
    %rem3A_939 = arith.remsi %add3A_921, %jit3A_922 : i32
    %ne3A_940 = arith.constant 0 : i32
    %ne3A_941 = arith.cmpi ne, %rem3A_939, %ne3A_940 : i32
    %and3A_942 = arith.andi %ne3A_938, %ne3A_941 : i1
    %sub3A_943 = arith.constant 1 : i32
    %sub3A_944 = arith.subi %div3A_923, %sub3A_943 : i32
    %select_n3A_945 = arith.select %and3A_942, %sub3A_944, %div3A_923 : i32
    %dma_start3A_946 = arith.constant 0 : i32
    %dma_start3A_947 = arith.constant 0 : i32
    %dma_start3A_948 = tpu.memref_slice %arg4[%select_n3A_945, %dma_start3A_946, %dma_start3A_947] : memref<2048x8x3xf32, #tpu.memory_space<hbm>> -> memref<8x8x3xf32, #tpu.memory_space<hbm>>
    %dma_start3A_949 = arith.constant 0 : i32
    %dma_start3A_950 = arith.constant 0 : i32
    %dma_start3A_951 = tpu.memref_slice %arg4[%select_n3A_945, %dma_start3A_949, %dma_start3A_950] : memref<2048x8x3xf32, #tpu.memory_space<hbm>> -> memref<8x8x3xf32, #tpu.memory_space<hbm>>
    tpu.enqueue_dma source(%arg13 : memref<8x8x3xf32, #tpu.memory_space<vmem>>) target(%dma_start3A_951 : memref<8x8x3xf32, #tpu.memory_space<hbm>>) target_semaphore(%arg25 : memref<!tpu.dma_semaphore, #tpu.memory_space<semaphore_mem>>)
    %dma_wait3A_952 = arith.constant 0 : i32
    %dma_wait3A_953 = arith.constant 0 : i32
    %dma_wait3A_954 = tpu.memref_slice %arg2[%select_n3A_539, %dma_wait3A_952, %dma_wait3A_953] : memref<2048x8x2048xf32, #tpu.memory_space<hbm>> -> memref<8x8x128xf32, #tpu.memory_space<hbm>>
    %dma_wait3A_955 = arith.constant 0 : i32
    %dma_wait3A_956 = arith.constant 0 : i32
    %dma_wait3A_957 = tpu.memref_slice %arg2[%select_n3A_539, %dma_wait3A_955, %dma_wait3A_956] : memref<2048x8x2048xf32, #tpu.memory_space<hbm>> -> memref<8x8x128xf32, #tpu.memory_space<hbm>>
    tpu.wait_dma2 semaphore(%arg18 : memref<!tpu.dma_semaphore, #tpu.memory_space<semaphore_mem>>) src(%dma_wait3A_957 : memref<8x8x128xf32, #tpu.memory_space<hbm>>) dst(%arg6 : memref<8x8x128xf32, #tpu.memory_space<vmem>>)
    %dma_wait3A_958 = arith.constant 0 : i32
    %dma_wait3A_959 = arith.constant 0 : i32
    %dma_wait3A_960 = tpu.memref_slice %arg3[%select_n3A_565, %dma_wait3A_958, %dma_wait3A_959] : memref<2048x8x3xf32, #tpu.memory_space<hbm>> -> memref<8x8x3xf32, #tpu.memory_space<hbm>>
    %dma_wait3A_961 = arith.constant 0 : i32
    %dma_wait3A_962 = arith.constant 0 : i32
    %dma_wait3A_963 = tpu.memref_slice %arg3[%select_n3A_565, %dma_wait3A_961, %dma_wait3A_962] : memref<2048x8x3xf32, #tpu.memory_space<hbm>> -> memref<8x8x3xf32, #tpu.memory_space<hbm>>
    tpu.wait_dma2 semaphore(%arg22 : memref<!tpu.dma_semaphore, #tpu.memory_space<semaphore_mem>>) src(%dma_wait3A_963 : memref<8x8x3xf32, #tpu.memory_space<hbm>>) dst(%arg10 : memref<8x8x3xf32, #tpu.memory_space<vmem>>)
    %dma_wait3A_964 = arith.constant 0 : i32
    %dma_wait3A_965 = arith.constant 0 : i32
    %dma_wait3A_966 = tpu.memref_slice %arg4[%select_n3A_507, %dma_wait3A_964, %dma_wait3A_965] : memref<2048x8x3xf32, #tpu.memory_space<hbm>> -> memref<8x8x3xf32, #tpu.memory_space<hbm>>
    %dma_wait3A_967 = arith.constant 0 : i32
    %dma_wait3A_968 = arith.constant 0 : i32
    %dma_wait3A_969 = tpu.memref_slice %arg4[%select_n3A_507, %dma_wait3A_967, %dma_wait3A_968] : memref<2048x8x3xf32, #tpu.memory_space<hbm>> -> memref<8x8x3xf32, #tpu.memory_space<hbm>>
    tpu.wait_dma2 semaphore(%arg26 : memref<!tpu.dma_semaphore, #tpu.memory_space<semaphore_mem>>) src(%arg14 : memref<8x8x3xf32, #tpu.memory_space<vmem>>) dst(%dma_wait3A_969 : memref<8x8x3xf32, #tpu.memory_space<hbm>>)
    %gather3A_970 = tpu.vector_load_idx %arg6[%shift_right_logical3A_199, %and3A_211, %broadcast_in_dim3A_227] : memref<8x8x128xf32, #tpu.memory_space<vmem>>[vector<16xi32>, vector<16xi32>, vector<16xi32>], vector<16xf32>,
    %gather3A_971 = tpu.vector_load_idx %arg10[%shift_right_logical3A_199, %and3A_211, %broadcast_in_dim3A_221] : memref<8x8x3xf32, #tpu.memory_space<vmem>>[vector<16xi32>, vector<16xi32>, vector<16xi32>], vector<16xf32>,
    %add3A_972 = arith.addf %gather3A_970, %gather3A_971 : vector<16xf32>
    tpu.vector_store_idx %arg14[%shift_right_logical3A_199, %and3A_211, %broadcast_in_dim3A_221], %add3A_972 : memref<8x8x3xf32, #tpu.memory_space<vmem>>[vector<16xi32>, vector<16xi32>, vector<16xi32>], vector<16xf32>,
    %gather3A_973 = tpu.vector_load_idx %arg6[%shift_right_logical3A_199, %and3A_211, %broadcast_in_dim3A_223] : memref<8x8x128xf32, #tpu.memory_space<vmem>>[vector<16xi32>, vector<16xi32>, vector<16xi32>], vector<16xf32>,
    %gather3A_974 = tpu.vector_load_idx %arg10[%shift_right_logical3A_199, %and3A_211, %broadcast_in_dim3A_223] : memref<8x8x3xf32, #tpu.memory_space<vmem>>[vector<16xi32>, vector<16xi32>, vector<16xi32>], vector<16xf32>,
    %add3A_975 = arith.addf %gather3A_973, %gather3A_974 : vector<16xf32>
    tpu.vector_store_idx %arg14[%shift_right_logical3A_199, %and3A_211, %broadcast_in_dim3A_223], %add3A_975 : memref<8x8x3xf32, #tpu.memory_space<vmem>>[vector<16xi32>, vector<16xi32>, vector<16xi32>], vector<16xf32>,
    %gather3A_976 = tpu.vector_load_idx %arg6[%shift_right_logical3A_199, %and3A_211, %broadcast_in_dim3A_225] : memref<8x8x128xf32, #tpu.memory_space<vmem>>[vector<16xi32>, vector<16xi32>, vector<16xi32>], vector<16xf32>,
    %gather3A_977 = tpu.vector_load_idx %arg10[%shift_right_logical3A_199, %and3A_211, %broadcast_in_dim3A_225] : memref<8x8x3xf32, #tpu.memory_space<vmem>>[vector<16xi32>, vector<16xi32>, vector<16xi32>], vector<16xf32>,
    %add3A_978 = arith.addf %gather3A_976, %gather3A_977 : vector<16xf32>
    tpu.vector_store_idx %arg14[%shift_right_logical3A_199, %and3A_211, %broadcast_in_dim3A_225], %add3A_978 : memref<8x8x3xf32, #tpu.memory_space<vmem>>[vector<16xi32>, vector<16xi32>, vector<16xi32>], vector<16xf32>,
    %gather3A_979 = tpu.vector_load_idx %arg6[%shift_right_logical3A_202, %and3A_214, %broadcast_in_dim3A_227] : memref<8x8x128xf32, #tpu.memory_space<vmem>>[vector<16xi32>, vector<16xi32>, vector<16xi32>], vector<16xf32>,
    %gather3A_980 = tpu.vector_load_idx %arg10[%shift_right_logical3A_202, %and3A_214, %broadcast_in_dim3A_221] : memref<8x8x3xf32, #tpu.memory_space<vmem>>[vector<16xi32>, vector<16xi32>, vector<16xi32>], vector<16xf32>,
    %add3A_981 = arith.addf %gather3A_979, %gather3A_980 : vector<16xf32>
    tpu.vector_store_idx %arg14[%shift_right_logical3A_202, %and3A_214, %broadcast_in_dim3A_221], %add3A_981 : memref<8x8x3xf32, #tpu.memory_space<vmem>>[vector<16xi32>, vector<16xi32>, vector<16xi32>], vector<16xf32>,
    %gather3A_982 = tpu.vector_load_idx %arg6[%shift_right_logical3A_202, %and3A_214, %broadcast_in_dim3A_223] : memref<8x8x128xf32, #tpu.memory_space<vmem>>[vector<16xi32>, vector<16xi32>, vector<16xi32>], vector<16xf32>,
    %gather3A_983 = tpu.vector_load_idx %arg10[%shift_right_logical3A_202, %and3A_214, %broadcast_in_dim3A_223] : memref<8x8x3xf32, #tpu.memory_space<vmem>>[vector<16xi32>, vector<16xi32>, vector<16xi32>], vector<16xf32>,
    %add3A_984 = arith.addf %gather3A_982, %gather3A_983 : vector<16xf32>
    tpu.vector_store_idx %arg14[%shift_right_logical3A_202, %and3A_214, %broadcast_in_dim3A_223], %add3A_984 : memref<8x8x3xf32, #tpu.memory_space<vmem>>[vector<16xi32>, vector<16xi32>, vector<16xi32>], vector<16xf32>,
    %gather3A_985 = tpu.vector_load_idx %arg6[%shift_right_logical3A_202, %and3A_214, %broadcast_in_dim3A_225] : memref<8x8x128xf32, #tpu.memory_space<vmem>>[vector<16xi32>, vector<16xi32>, vector<16xi32>], vector<16xf32>,
    %gather3A_986 = tpu.vector_load_idx %arg10[%shift_right_logical3A_202, %and3A_214, %broadcast_in_dim3A_225] : memref<8x8x3xf32, #tpu.memory_space<vmem>>[vector<16xi32>, vector<16xi32>, vector<16xi32>], vector<16xf32>,
    %add3A_987 = arith.addf %gather3A_985, %gather3A_986 : vector<16xf32>
    tpu.vector_store_idx %arg14[%shift_right_logical3A_202, %and3A_214, %broadcast_in_dim3A_225], %add3A_987 : memref<8x8x3xf32, #tpu.memory_space<vmem>>[vector<16xi32>, vector<16xi32>, vector<16xi32>], vector<16xf32>,
    %gather3A_988 = tpu.vector_load_idx %arg6[%shift_right_logical3A_205, %and3A_217, %broadcast_in_dim3A_227] : memref<8x8x128xf32, #tpu.memory_space<vmem>>[vector<16xi32>, vector<16xi32>, vector<16xi32>], vector<16xf32>,
    %gather3A_989 = tpu.vector_load_idx %arg10[%shift_right_logical3A_205, %and3A_217, %broadcast_in_dim3A_221] : memref<8x8x3xf32, #tpu.memory_space<vmem>>[vector<16xi32>, vector<16xi32>, vector<16xi32>], vector<16xf32>,
    %add3A_990 = arith.addf %gather3A_988, %gather3A_989 : vector<16xf32>
    tpu.vector_store_idx %arg14[%shift_right_logical3A_205, %and3A_217, %broadcast_in_dim3A_221], %add3A_990 : memref<8x8x3xf32, #tpu.memory_space<vmem>>[vector<16xi32>, vector<16xi32>, vector<16xi32>], vector<16xf32>,
    %gather3A_991 = tpu.vector_load_idx %arg6[%shift_right_logical3A_205, %and3A_217, %broadcast_in_dim3A_223] : memref<8x8x128xf32, #tpu.memory_space<vmem>>[vector<16xi32>, vector<16xi32>, vector<16xi32>], vector<16xf32>,
    %gather3A_992 = tpu.vector_load_idx %arg10[%shift_right_logical3A_205, %and3A_217, %broadcast_in_dim3A_223] : memref<8x8x3xf32, #tpu.memory_space<vmem>>[vector<16xi32>, vector<16xi32>, vector<16xi32>], vector<16xf32>,
    %add3A_993 = arith.addf %gather3A_991, %gather3A_992 : vector<16xf32>
    tpu.vector_store_idx %arg14[%shift_right_logical3A_205, %and3A_217, %broadcast_in_dim3A_223], %add3A_993 : memref<8x8x3xf32, #tpu.memory_space<vmem>>[vector<16xi32>, vector<16xi32>, vector<16xi32>], vector<16xf32>,
    %gather3A_994 = tpu.vector_load_idx %arg6[%shift_right_logical3A_205, %and3A_217, %broadcast_in_dim3A_225] : memref<8x8x128xf32, #tpu.memory_space<vmem>>[vector<16xi32>, vector<16xi32>, vector<16xi32>], vector<16xf32>,
    %gather3A_995 = tpu.vector_load_idx %arg10[%shift_right_logical3A_205, %and3A_217, %broadcast_in_dim3A_225] : memref<8x8x3xf32, #tpu.memory_space<vmem>>[vector<16xi32>, vector<16xi32>, vector<16xi32>], vector<16xf32>,
    %add3A_996 = arith.addf %gather3A_994, %gather3A_995 : vector<16xf32>
    tpu.vector_store_idx %arg14[%shift_right_logical3A_205, %and3A_217, %broadcast_in_dim3A_225], %add3A_996 : memref<8x8x3xf32, #tpu.memory_space<vmem>>[vector<16xi32>, vector<16xi32>, vector<16xi32>], vector<16xf32>,
    %gather3A_997 = tpu.vector_load_idx %arg6[%shift_right_logical3A_208, %and3A_220, %broadcast_in_dim3A_227] : memref<8x8x128xf32, #tpu.memory_space<vmem>>[vector<16xi32>, vector<16xi32>, vector<16xi32>], vector<16xf32>,
    %gather3A_998 = tpu.vector_load_idx %arg10[%shift_right_logical3A_208, %and3A_220, %broadcast_in_dim3A_221] : memref<8x8x3xf32, #tpu.memory_space<vmem>>[vector<16xi32>, vector<16xi32>, vector<16xi32>], vector<16xf32>,
    %add3A_999 = arith.addf %gather3A_997, %gather3A_998 : vector<16xf32>
    tpu.vector_store_idx %arg14[%shift_right_logical3A_208, %and3A_220, %broadcast_in_dim3A_221], %add3A_999 : memref<8x8x3xf32, #tpu.memory_space<vmem>>[vector<16xi32>, vector<16xi32>, vector<16xi32>], vector<16xf32>,
    %gather3A_1000 = tpu.vector_load_idx %arg6[%shift_right_logical3A_208, %and3A_220, %broadcast_in_dim3A_223] : memref<8x8x128xf32, #tpu.memory_space<vmem>>[vector<16xi32>, vector<16xi32>, vector<16xi32>], vector<16xf32>,
    %gather3A_1001 = tpu.vector_load_idx %arg10[%shift_right_logical3A_208, %and3A_220, %broadcast_in_dim3A_223] : memref<8x8x3xf32, #tpu.memory_space<vmem>>[vector<16xi32>, vector<16xi32>, vector<16xi32>], vector<16xf32>,
    %add3A_1002 = arith.addf %gather3A_1000, %gather3A_1001 : vector<16xf32>
    tpu.vector_store_idx %arg14[%shift_right_logical3A_208, %and3A_220, %broadcast_in_dim3A_223], %add3A_1002 : memref<8x8x3xf32, #tpu.memory_space<vmem>>[vector<16xi32>, vector<16xi32>, vector<16xi32>], vector<16xf32>,
    %gather3A_1003 = tpu.vector_load_idx %arg6[%shift_right_logical3A_208, %and3A_220, %broadcast_in_dim3A_225] : memref<8x8x128xf32, #tpu.memory_space<vmem>>[vector<16xi32>, vector<16xi32>, vector<16xi32>], vector<16xf32>,
    %gather3A_1004 = tpu.vector_load_idx %arg10[%shift_right_logical3A_208, %and3A_220, %broadcast_in_dim3A_225] : memref<8x8x3xf32, #tpu.memory_space<vmem>>[vector<16xi32>, vector<16xi32>, vector<16xi32>], vector<16xf32>,
    %add3A_1005 = arith.addf %gather3A_1003, %gather3A_1004 : vector<16xf32>
    tpu.vector_store_idx %arg14[%shift_right_logical3A_208, %and3A_220, %broadcast_in_dim3A_225], %add3A_1005 : memref<8x8x3xf32, #tpu.memory_space<vmem>>[vector<16xi32>, vector<16xi32>, vector<16xi32>], vector<16xf32>,
    %add3A_1006 = arith.constant 320 : i32
    %add3A_1007 = arith.addi %mul3A_2, %add3A_1006 : i32
    %jit3A_1008 = arith.constant 8 : i32
    %div3A_1009 = arith.divsi %add3A_1007, %jit3A_1008 : i32
    %sign3A_1010 = arith.constant 0 : i32
    %sign3A_1011 = arith.cmpi sgt, %add3A_1007, %sign3A_1010 : i32
    %sign3A_1012 = arith.extui %sign3A_1011 : i1 to i32
    %sign3A_1013 = arith.constant 0 : i32
    %sign3A_1014 = arith.cmpi slt, %add3A_1007, %sign3A_1013 : i32
    %sign3A_1015 = arith.extui %sign3A_1014 : i1 to i32
    %sign3A_1016 = arith.subi %sign3A_1012, %sign3A_1015 : i32
    %sign3A_1017 = arith.constant 0 : i32
    %sign3A_1018 = arith.cmpi sgt, %jit3A_1008, %sign3A_1017 : i32
    %sign3A_1019 = arith.extui %sign3A_1018 : i1 to i32
    %sign3A_1020 = arith.constant 0 : i32
    %sign3A_1021 = arith.cmpi slt, %jit3A_1008, %sign3A_1020 : i32
    %sign3A_1022 = arith.extui %sign3A_1021 : i1 to i32
    %sign3A_1023 = arith.subi %sign3A_1019, %sign3A_1022 : i32
    %ne3A_1024 = arith.cmpi ne, %sign3A_1016, %sign3A_1023 : i32
    %rem3A_1025 = arith.remsi %add3A_1007, %jit3A_1008 : i32
    %ne3A_1026 = arith.constant 0 : i32
    %ne3A_1027 = arith.cmpi ne, %rem3A_1025, %ne3A_1026 : i32
    %and3A_1028 = arith.andi %ne3A_1024, %ne3A_1027 : i1
    %sub3A_1029 = arith.constant 1 : i32
    %sub3A_1030 = arith.subi %div3A_1009, %sub3A_1029 : i32
    %select_n3A_1031 = arith.select %and3A_1028, %sub3A_1030, %div3A_1009 : i32
    %dma_start3A_1032 = arith.constant 0 : i32
    %dma_start3A_1033 = arith.constant 0 : i32
    %dma_start3A_1034 = tpu.memref_slice %arg4[%select_n3A_1031, %dma_start3A_1032, %dma_start3A_1033] : memref<2048x8x3xf32, #tpu.memory_space<hbm>> -> memref<8x8x3xf32, #tpu.memory_space<hbm>>
    %dma_start3A_1035 = arith.constant 0 : i32
    %dma_start3A_1036 = arith.constant 0 : i32
    %dma_start3A_1037 = tpu.memref_slice %arg4[%select_n3A_1031, %dma_start3A_1035, %dma_start3A_1036] : memref<2048x8x3xf32, #tpu.memory_space<hbm>> -> memref<8x8x3xf32, #tpu.memory_space<hbm>>
    tpu.enqueue_dma source(%arg14 : memref<8x8x3xf32, #tpu.memory_space<vmem>>) target(%dma_start3A_1037 : memref<8x8x3xf32, #tpu.memory_space<hbm>>) target_semaphore(%arg26 : memref<!tpu.dma_semaphore, #tpu.memory_space<semaphore_mem>>)
    %dma_wait3A_1038 = arith.constant 0 : i32
    %dma_wait3A_1039 = arith.constant 0 : i32
    %dma_wait3A_1040 = tpu.memref_slice %arg2[%select_n3A_683, %dma_wait3A_1038, %dma_wait3A_1039] : memref<2048x8x2048xf32, #tpu.memory_space<hbm>> -> memref<8x8x128xf32, #tpu.memory_space<hbm>>
    %dma_wait3A_1041 = arith.constant 0 : i32
    %dma_wait3A_1042 = arith.constant 0 : i32
    %dma_wait3A_1043 = tpu.memref_slice %arg2[%select_n3A_683, %dma_wait3A_1041, %dma_wait3A_1042] : memref<2048x8x2048xf32, #tpu.memory_space<hbm>> -> memref<8x8x128xf32, #tpu.memory_space<hbm>>
    tpu.wait_dma2 semaphore(%arg19 : memref<!tpu.dma_semaphore, #tpu.memory_space<semaphore_mem>>) src(%dma_wait3A_1043 : memref<8x8x128xf32, #tpu.memory_space<hbm>>) dst(%arg7 : memref<8x8x128xf32, #tpu.memory_space<vmem>>)
    %dma_wait3A_1044 = arith.constant 0 : i32
    %dma_wait3A_1045 = arith.constant 0 : i32
    %dma_wait3A_1046 = tpu.memref_slice %arg3[%select_n3A_709, %dma_wait3A_1044, %dma_wait3A_1045] : memref<2048x8x3xf32, #tpu.memory_space<hbm>> -> memref<8x8x3xf32, #tpu.memory_space<hbm>>
    %dma_wait3A_1047 = arith.constant 0 : i32
    %dma_wait3A_1048 = arith.constant 0 : i32
    %dma_wait3A_1049 = tpu.memref_slice %arg3[%select_n3A_709, %dma_wait3A_1047, %dma_wait3A_1048] : memref<2048x8x3xf32, #tpu.memory_space<hbm>> -> memref<8x8x3xf32, #tpu.memory_space<hbm>>
    tpu.wait_dma2 semaphore(%arg23 : memref<!tpu.dma_semaphore, #tpu.memory_space<semaphore_mem>>) src(%dma_wait3A_1049 : memref<8x8x3xf32, #tpu.memory_space<hbm>>) dst(%arg11 : memref<8x8x3xf32, #tpu.memory_space<vmem>>)
    %dma_wait3A_1050 = arith.constant 0 : i32
    %dma_wait3A_1051 = arith.constant 0 : i32
    %dma_wait3A_1052 = tpu.memref_slice %arg4[%select_n3A_651, %dma_wait3A_1050, %dma_wait3A_1051] : memref<2048x8x3xf32, #tpu.memory_space<hbm>> -> memref<8x8x3xf32, #tpu.memory_space<hbm>>
    %dma_wait3A_1053 = arith.constant 0 : i32
    %dma_wait3A_1054 = arith.constant 0 : i32
    %dma_wait3A_1055 = tpu.memref_slice %arg4[%select_n3A_651, %dma_wait3A_1053, %dma_wait3A_1054] : memref<2048x8x3xf32, #tpu.memory_space<hbm>> -> memref<8x8x3xf32, #tpu.memory_space<hbm>>
    tpu.wait_dma2 semaphore(%arg27 : memref<!tpu.dma_semaphore, #tpu.memory_space<semaphore_mem>>) src(%arg15 : memref<8x8x3xf32, #tpu.memory_space<vmem>>) dst(%dma_wait3A_1055 : memref<8x8x3xf32, #tpu.memory_space<hbm>>)
    %gather3A_1056 = tpu.vector_load_idx %arg7[%shift_right_logical3A_199, %and3A_211, %broadcast_in_dim3A_227] : memref<8x8x128xf32, #tpu.memory_space<vmem>>[vector<16xi32>, vector<16xi32>, vector<16xi32>], vector<16xf32>,
    %gather3A_1057 = tpu.vector_load_idx %arg11[%shift_right_logical3A_199, %and3A_211, %broadcast_in_dim3A_221] : memref<8x8x3xf32, #tpu.memory_space<vmem>>[vector<16xi32>, vector<16xi32>, vector<16xi32>], vector<16xf32>,
    %add3A_1058 = arith.addf %gather3A_1056, %gather3A_1057 : vector<16xf32>
    tpu.vector_store_idx %arg15[%shift_right_logical3A_199, %and3A_211, %broadcast_in_dim3A_221], %add3A_1058 : memref<8x8x3xf32, #tpu.memory_space<vmem>>[vector<16xi32>, vector<16xi32>, vector<16xi32>], vector<16xf32>,
    %gather3A_1059 = tpu.vector_load_idx %arg7[%shift_right_logical3A_199, %and3A_211, %broadcast_in_dim3A_223] : memref<8x8x128xf32, #tpu.memory_space<vmem>>[vector<16xi32>, vector<16xi32>, vector<16xi32>], vector<16xf32>,
    %gather3A_1060 = tpu.vector_load_idx %arg11[%shift_right_logical3A_199, %and3A_211, %broadcast_in_dim3A_223] : memref<8x8x3xf32, #tpu.memory_space<vmem>>[vector<16xi32>, vector<16xi32>, vector<16xi32>], vector<16xf32>,
    %add3A_1061 = arith.addf %gather3A_1059, %gather3A_1060 : vector<16xf32>
    tpu.vector_store_idx %arg15[%shift_right_logical3A_199, %and3A_211, %broadcast_in_dim3A_223], %add3A_1061 : memref<8x8x3xf32, #tpu.memory_space<vmem>>[vector<16xi32>, vector<16xi32>, vector<16xi32>], vector<16xf32>,
    %gather3A_1062 = tpu.vector_load_idx %arg7[%shift_right_logical3A_199, %and3A_211, %broadcast_in_dim3A_225] : memref<8x8x128xf32, #tpu.memory_space<vmem>>[vector<16xi32>, vector<16xi32>, vector<16xi32>], vector<16xf32>,
    %gather3A_1063 = tpu.vector_load_idx %arg11[%shift_right_logical3A_199, %and3A_211, %broadcast_in_dim3A_225] : memref<8x8x3xf32, #tpu.memory_space<vmem>>[vector<16xi32>, vector<16xi32>, vector<16xi32>], vector<16xf32>,
    %add3A_1064 = arith.addf %gather3A_1062, %gather3A_1063 : vector<16xf32>
    tpu.vector_store_idx %arg15[%shift_right_logical3A_199, %and3A_211, %broadcast_in_dim3A_225], %add3A_1064 : memref<8x8x3xf32, #tpu.memory_space<vmem>>[vector<16xi32>, vector<16xi32>, vector<16xi32>], vector<16xf32>,
    %gather3A_1065 = tpu.vector_load_idx %arg7[%shift_right_logical3A_202, %and3A_214, %broadcast_in_dim3A_227] : memref<8x8x128xf32, #tpu.memory_space<vmem>>[vector<16xi32>, vector<16xi32>, vector<16xi32>], vector<16xf32>,
    %gather3A_1066 = tpu.vector_load_idx %arg11[%shift_right_logical3A_202, %and3A_214, %broadcast_in_dim3A_221] : memref<8x8x3xf32, #tpu.memory_space<vmem>>[vector<16xi32>, vector<16xi32>, vector<16xi32>], vector<16xf32>,
    %add3A_1067 = arith.addf %gather3A_1065, %gather3A_1066 : vector<16xf32>
    tpu.vector_store_idx %arg15[%shift_right_logical3A_202, %and3A_214, %broadcast_in_dim3A_221], %add3A_1067 : memref<8x8x3xf32, #tpu.memory_space<vmem>>[vector<16xi32>, vector<16xi32>, vector<16xi32>], vector<16xf32>,
    %gather3A_1068 = tpu.vector_load_idx %arg7[%shift_right_logical3A_202, %and3A_214, %broadcast_in_dim3A_223] : memref<8x8x128xf32, #tpu.memory_space<vmem>>[vector<16xi32>, vector<16xi32>, vector<16xi32>], vector<16xf32>,
    %gather3A_1069 = tpu.vector_load_idx %arg11[%shift_right_logical3A_202, %and3A_214, %broadcast_in_dim3A_223] : memref<8x8x3xf32, #tpu.memory_space<vmem>>[vector<16xi32>, vector<16xi32>, vector<16xi32>], vector<16xf32>,
    %add3A_1070 = arith.addf %gather3A_1068, %gather3A_1069 : vector<16xf32>
    tpu.vector_store_idx %arg15[%shift_right_logical3A_202, %and3A_214, %broadcast_in_dim3A_223], %add3A_1070 : memref<8x8x3xf32, #tpu.memory_space<vmem>>[vector<16xi32>, vector<16xi32>, vector<16xi32>], vector<16xf32>,
    %gather3A_1071 = tpu.vector_load_idx %arg7[%shift_right_logical3A_202, %and3A_214, %broadcast_in_dim3A_225] : memref<8x8x128xf32, #tpu.memory_space<vmem>>[vector<16xi32>, vector<16xi32>, vector<16xi32>], vector<16xf32>,
    %gather3A_1072 = tpu.vector_load_idx %arg11[%shift_right_logical3A_202, %and3A_214, %broadcast_in_dim3A_225] : memref<8x8x3xf32, #tpu.memory_space<vmem>>[vector<16xi32>, vector<16xi32>, vector<16xi32>], vector<16xf32>,
    %add3A_1073 = arith.addf %gather3A_1071, %gather3A_1072 : vector<16xf32>
    tpu.vector_store_idx %arg15[%shift_right_logical3A_202, %and3A_214, %broadcast_in_dim3A_225], %add3A_1073 : memref<8x8x3xf32, #tpu.memory_space<vmem>>[vector<16xi32>, vector<16xi32>, vector<16xi32>], vector<16xf32>,
    %gather3A_1074 = tpu.vector_load_idx %arg7[%shift_right_logical3A_205, %and3A_217, %broadcast_in_dim3A_227] : memref<8x8x128xf32, #tpu.memory_space<vmem>>[vector<16xi32>, vector<16xi32>, vector<16xi32>], vector<16xf32>,
    %gather3A_1075 = tpu.vector_load_idx %arg11[%shift_right_logical3A_205, %and3A_217, %broadcast_in_dim3A_221] : memref<8x8x3xf32, #tpu.memory_space<vmem>>[vector<16xi32>, vector<16xi32>, vector<16xi32>], vector<16xf32>,
    %add3A_1076 = arith.addf %gather3A_1074, %gather3A_1075 : vector<16xf32>
    tpu.vector_store_idx %arg15[%shift_right_logical3A_205, %and3A_217, %broadcast_in_dim3A_221], %add3A_1076 : memref<8x8x3xf32, #tpu.memory_space<vmem>>[vector<16xi32>, vector<16xi32>, vector<16xi32>], vector<16xf32>,
    %gather3A_1077 = tpu.vector_load_idx %arg7[%shift_right_logical3A_205, %and3A_217, %broadcast_in_dim3A_223] : memref<8x8x128xf32, #tpu.memory_space<vmem>>[vector<16xi32>, vector<16xi32>, vector<16xi32>], vector<16xf32>,
    %gather3A_1078 = tpu.vector_load_idx %arg11[%shift_right_logical3A_205, %and3A_217, %broadcast_in_dim3A_223] : memref<8x8x3xf32, #tpu.memory_space<vmem>>[vector<16xi32>, vector<16xi32>, vector<16xi32>], vector<16xf32>,
    %add3A_1079 = arith.addf %gather3A_1077, %gather3A_1078 : vector<16xf32>
    tpu.vector_store_idx %arg15[%shift_right_logical3A_205, %and3A_217, %broadcast_in_dim3A_223], %add3A_1079 : memref<8x8x3xf32, #tpu.memory_space<vmem>>[vector<16xi32>, vector<16xi32>, vector<16xi32>], vector<16xf32>,
    %gather3A_1080 = tpu.vector_load_idx %arg7[%shift_right_logical3A_205, %and3A_217, %broadcast_in_dim3A_225] : memref<8x8x128xf32, #tpu.memory_space<vmem>>[vector<16xi32>, vector<16xi32>, vector<16xi32>], vector<16xf32>,
    %gather3A_1081 = tpu.vector_load_idx %arg11[%shift_right_logical3A_205, %and3A_217, %broadcast_in_dim3A_225] : memref<8x8x3xf32, #tpu.memory_space<vmem>>[vector<16xi32>, vector<16xi32>, vector<16xi32>], vector<16xf32>,
    %add3A_1082 = arith.addf %gather3A_1080, %gather3A_1081 : vector<16xf32>
    tpu.vector_store_idx %arg15[%shift_right_logical3A_205, %and3A_217, %broadcast_in_dim3A_225], %add3A_1082 : memref<8x8x3xf32, #tpu.memory_space<vmem>>[vector<16xi32>, vector<16xi32>, vector<16xi32>], vector<16xf32>,
    %gather3A_1083 = tpu.vector_load_idx %arg7[%shift_right_logical3A_208, %and3A_220, %broadcast_in_dim3A_227] : memref<8x8x128xf32, #tpu.memory_space<vmem>>[vector<16xi32>, vector<16xi32>, vector<16xi32>], vector<16xf32>,
    %gather3A_1084 = tpu.vector_load_idx %arg11[%shift_right_logical3A_208, %and3A_220, %broadcast_in_dim3A_221] : memref<8x8x3xf32, #tpu.memory_space<vmem>>[vector<16xi32>, vector<16xi32>, vector<16xi32>], vector<16xf32>,
    %add3A_1085 = arith.addf %gather3A_1083, %gather3A_1084 : vector<16xf32>
    tpu.vector_store_idx %arg15[%shift_right_logical3A_208, %and3A_220, %broadcast_in_dim3A_221], %add3A_1085 : memref<8x8x3xf32, #tpu.memory_space<vmem>>[vector<16xi32>, vector<16xi32>, vector<16xi32>], vector<16xf32>,
    %gather3A_1086 = tpu.vector_load_idx %arg7[%shift_right_logical3A_208, %and3A_220, %broadcast_in_dim3A_223] : memref<8x8x128xf32, #tpu.memory_space<vmem>>[vector<16xi32>, vector<16xi32>, vector<16xi32>], vector<16xf32>,
    %gather3A_1087 = tpu.vector_load_idx %arg11[%shift_right_logical3A_208, %and3A_220, %broadcast_in_dim3A_223] : memref<8x8x3xf32, #tpu.memory_space<vmem>>[vector<16xi32>, vector<16xi32>, vector<16xi32>], vector<16xf32>,
    %add3A_1088 = arith.addf %gather3A_1086, %gather3A_1087 : vector<16xf32>
    tpu.vector_store_idx %arg15[%shift_right_logical3A_208, %and3A_220, %broadcast_in_dim3A_223], %add3A_1088 : memref<8x8x3xf32, #tpu.memory_space<vmem>>[vector<16xi32>, vector<16xi32>, vector<16xi32>], vector<16xf32>,
    %gather3A_1089 = tpu.vector_load_idx %arg7[%shift_right_logical3A_208, %and3A_220, %broadcast_in_dim3A_225] : memref<8x8x128xf32, #tpu.memory_space<vmem>>[vector<16xi32>, vector<16xi32>, vector<16xi32>], vector<16xf32>,
    %gather3A_1090 = tpu.vector_load_idx %arg11[%shift_right_logical3A_208, %and3A_220, %broadcast_in_dim3A_225] : memref<8x8x3xf32, #tpu.memory_space<vmem>>[vector<16xi32>, vector<16xi32>, vector<16xi32>], vector<16xf32>,
    %add3A_1091 = arith.addf %gather3A_1089, %gather3A_1090 : vector<16xf32>
    tpu.vector_store_idx %arg15[%shift_right_logical3A_208, %and3A_220, %broadcast_in_dim3A_225], %add3A_1091 : memref<8x8x3xf32, #tpu.memory_space<vmem>>[vector<16xi32>, vector<16xi32>, vector<16xi32>], vector<16xf32>,
    %add3A_1092 = arith.constant 384 : i32
    %add3A_1093 = arith.addi %mul3A_2, %add3A_1092 : i32
    %jit3A_1094 = arith.constant 8 : i32
    %div3A_1095 = arith.divsi %add3A_1093, %jit3A_1094 : i32
    %sign3A_1096 = arith.constant 0 : i32
    %sign3A_1097 = arith.cmpi sgt, %add3A_1093, %sign3A_1096 : i32
    %sign3A_1098 = arith.extui %sign3A_1097 : i1 to i32
    %sign3A_1099 = arith.constant 0 : i32
    %sign3A_1100 = arith.cmpi slt, %add3A_1093, %sign3A_1099 : i32
    %sign3A_1101 = arith.extui %sign3A_1100 : i1 to i32
    %sign3A_1102 = arith.subi %sign3A_1098, %sign3A_1101 : i32
    %sign3A_1103 = arith.constant 0 : i32
    %sign3A_1104 = arith.cmpi sgt, %jit3A_1094, %sign3A_1103 : i32
    %sign3A_1105 = arith.extui %sign3A_1104 : i1 to i32
    %sign3A_1106 = arith.constant 0 : i32
    %sign3A_1107 = arith.cmpi slt, %jit3A_1094, %sign3A_1106 : i32
    %sign3A_1108 = arith.extui %sign3A_1107 : i1 to i32
    %sign3A_1109 = arith.subi %sign3A_1105, %sign3A_1108 : i32
    %ne3A_1110 = arith.cmpi ne, %sign3A_1102, %sign3A_1109 : i32
    %rem3A_1111 = arith.remsi %add3A_1093, %jit3A_1094 : i32
    %ne3A_1112 = arith.constant 0 : i32
    %ne3A_1113 = arith.cmpi ne, %rem3A_1111, %ne3A_1112 : i32
    %and3A_1114 = arith.andi %ne3A_1110, %ne3A_1113 : i1
    %sub3A_1115 = arith.constant 1 : i32
    %sub3A_1116 = arith.subi %div3A_1095, %sub3A_1115 : i32
    %select_n3A_1117 = arith.select %and3A_1114, %sub3A_1116, %div3A_1095 : i32
    %dma_start3A_1118 = arith.constant 0 : i32
    %dma_start3A_1119 = arith.constant 0 : i32
    %dma_start3A_1120 = tpu.memref_slice %arg4[%select_n3A_1117, %dma_start3A_1118, %dma_start3A_1119] : memref<2048x8x3xf32, #tpu.memory_space<hbm>> -> memref<8x8x3xf32, #tpu.memory_space<hbm>>
    %dma_start3A_1121 = arith.constant 0 : i32
    %dma_start3A_1122 = arith.constant 0 : i32
    %dma_start3A_1123 = tpu.memref_slice %arg4[%select_n3A_1117, %dma_start3A_1121, %dma_start3A_1122] : memref<2048x8x3xf32, #tpu.memory_space<hbm>> -> memref<8x8x3xf32, #tpu.memory_space<hbm>>
    tpu.enqueue_dma source(%arg15 : memref<8x8x3xf32, #tpu.memory_space<vmem>>) target(%dma_start3A_1123 : memref<8x8x3xf32, #tpu.memory_space<hbm>>) target_semaphore(%arg27 : memref<!tpu.dma_semaphore, #tpu.memory_space<semaphore_mem>>)
    %dma_wait3A_1124 = arith.constant 0 : i32
    %dma_wait3A_1125 = arith.constant 0 : i32
    %dma_wait3A_1126 = tpu.memref_slice %arg2[%select_n3A_827, %dma_wait3A_1124, %dma_wait3A_1125] : memref<2048x8x2048xf32, #tpu.memory_space<hbm>> -> memref<8x8x128xf32, #tpu.memory_space<hbm>>
    %dma_wait3A_1127 = arith.constant 0 : i32
    %dma_wait3A_1128 = arith.constant 0 : i32
    %dma_wait3A_1129 = tpu.memref_slice %arg2[%select_n3A_827, %dma_wait3A_1127, %dma_wait3A_1128] : memref<2048x8x2048xf32, #tpu.memory_space<hbm>> -> memref<8x8x128xf32, #tpu.memory_space<hbm>>
    tpu.wait_dma2 semaphore(%arg20 : memref<!tpu.dma_semaphore, #tpu.memory_space<semaphore_mem>>) src(%dma_wait3A_1129 : memref<8x8x128xf32, #tpu.memory_space<hbm>>) dst(%arg8 : memref<8x8x128xf32, #tpu.memory_space<vmem>>)
    %dma_wait3A_1130 = arith.constant 0 : i32
    %dma_wait3A_1131 = arith.constant 0 : i32
    %dma_wait3A_1132 = tpu.memref_slice %arg3[%select_n3A_853, %dma_wait3A_1130, %dma_wait3A_1131] : memref<2048x8x3xf32, #tpu.memory_space<hbm>> -> memref<8x8x3xf32, #tpu.memory_space<hbm>>
    %dma_wait3A_1133 = arith.constant 0 : i32
    %dma_wait3A_1134 = arith.constant 0 : i32
    %dma_wait3A_1135 = tpu.memref_slice %arg3[%select_n3A_853, %dma_wait3A_1133, %dma_wait3A_1134] : memref<2048x8x3xf32, #tpu.memory_space<hbm>> -> memref<8x8x3xf32, #tpu.memory_space<hbm>>
    tpu.wait_dma2 semaphore(%arg24 : memref<!tpu.dma_semaphore, #tpu.memory_space<semaphore_mem>>) src(%dma_wait3A_1135 : memref<8x8x3xf32, #tpu.memory_space<hbm>>) dst(%arg12 : memref<8x8x3xf32, #tpu.memory_space<vmem>>)
    %dma_wait3A_1136 = arith.constant 0 : i32
    %dma_wait3A_1137 = arith.constant 0 : i32
    %dma_wait3A_1138 = tpu.memref_slice %arg4[%select_n3A_795, %dma_wait3A_1136, %dma_wait3A_1137] : memref<2048x8x3xf32, #tpu.memory_space<hbm>> -> memref<8x8x3xf32, #tpu.memory_space<hbm>>
    %dma_wait3A_1139 = arith.constant 0 : i32
    %dma_wait3A_1140 = arith.constant 0 : i32
    %dma_wait3A_1141 = tpu.memref_slice %arg4[%select_n3A_795, %dma_wait3A_1139, %dma_wait3A_1140] : memref<2048x8x3xf32, #tpu.memory_space<hbm>> -> memref<8x8x3xf32, #tpu.memory_space<hbm>>
    tpu.wait_dma2 semaphore(%arg28 : memref<!tpu.dma_semaphore, #tpu.memory_space<semaphore_mem>>) src(%arg16 : memref<8x8x3xf32, #tpu.memory_space<vmem>>) dst(%dma_wait3A_1141 : memref<8x8x3xf32, #tpu.memory_space<hbm>>)
    %gather3A_1142 = tpu.vector_load_idx %arg8[%shift_right_logical3A_199, %and3A_211, %broadcast_in_dim3A_227] : memref<8x8x128xf32, #tpu.memory_space<vmem>>[vector<16xi32>, vector<16xi32>, vector<16xi32>], vector<16xf32>,
    %gather3A_1143 = tpu.vector_load_idx %arg12[%shift_right_logical3A_199, %and3A_211, %broadcast_in_dim3A_221] : memref<8x8x3xf32, #tpu.memory_space<vmem>>[vector<16xi32>, vector<16xi32>, vector<16xi32>], vector<16xf32>,
    %add3A_1144 = arith.addf %gather3A_1142, %gather3A_1143 : vector<16xf32>
    tpu.vector_store_idx %arg16[%shift_right_logical3A_199, %and3A_211, %broadcast_in_dim3A_221], %add3A_1144 : memref<8x8x3xf32, #tpu.memory_space<vmem>>[vector<16xi32>, vector<16xi32>, vector<16xi32>], vector<16xf32>,
    %gather3A_1145 = tpu.vector_load_idx %arg8[%shift_right_logical3A_199, %and3A_211, %broadcast_in_dim3A_223] : memref<8x8x128xf32, #tpu.memory_space<vmem>>[vector<16xi32>, vector<16xi32>, vector<16xi32>], vector<16xf32>,
    %gather3A_1146 = tpu.vector_load_idx %arg12[%shift_right_logical3A_199, %and3A_211, %broadcast_in_dim3A_223] : memref<8x8x3xf32, #tpu.memory_space<vmem>>[vector<16xi32>, vector<16xi32>, vector<16xi32>], vector<16xf32>,
    %add3A_1147 = arith.addf %gather3A_1145, %gather3A_1146 : vector<16xf32>
    tpu.vector_store_idx %arg16[%shift_right_logical3A_199, %and3A_211, %broadcast_in_dim3A_223], %add3A_1147 : memref<8x8x3xf32, #tpu.memory_space<vmem>>[vector<16xi32>, vector<16xi32>, vector<16xi32>], vector<16xf32>,
    %gather3A_1148 = tpu.vector_load_idx %arg8[%shift_right_logical3A_199, %and3A_211, %broadcast_in_dim3A_225] : memref<8x8x128xf32, #tpu.memory_space<vmem>>[vector<16xi32>, vector<16xi32>, vector<16xi32>], vector<16xf32>,
    %gather3A_1149 = tpu.vector_load_idx %arg12[%shift_right_logical3A_199, %and3A_211, %broadcast_in_dim3A_225] : memref<8x8x3xf32, #tpu.memory_space<vmem>>[vector<16xi32>, vector<16xi32>, vector<16xi32>], vector<16xf32>,
    %add3A_1150 = arith.addf %gather3A_1148, %gather3A_1149 : vector<16xf32>
    tpu.vector_store_idx %arg16[%shift_right_logical3A_199, %and3A_211, %broadcast_in_dim3A_225], %add3A_1150 : memref<8x8x3xf32, #tpu.memory_space<vmem>>[vector<16xi32>, vector<16xi32>, vector<16xi32>], vector<16xf32>,
    %gather3A_1151 = tpu.vector_load_idx %arg8[%shift_right_logical3A_202, %and3A_214, %broadcast_in_dim3A_227] : memref<8x8x128xf32, #tpu.memory_space<vmem>>[vector<16xi32>, vector<16xi32>, vector<16xi32>], vector<16xf32>,
    %gather3A_1152 = tpu.vector_load_idx %arg12[%shift_right_logical3A_202, %and3A_214, %broadcast_in_dim3A_221] : memref<8x8x3xf32, #tpu.memory_space<vmem>>[vector<16xi32>, vector<16xi32>, vector<16xi32>], vector<16xf32>,
    %add3A_1153 = arith.addf %gather3A_1151, %gather3A_1152 : vector<16xf32>
    tpu.vector_store_idx %arg16[%shift_right_logical3A_202, %and3A_214, %broadcast_in_dim3A_221], %add3A_1153 : memref<8x8x3xf32, #tpu.memory_space<vmem>>[vector<16xi32>, vector<16xi32>, vector<16xi32>], vector<16xf32>,
    %gather3A_1154 = tpu.vector_load_idx %arg8[%shift_right_logical3A_202, %and3A_214, %broadcast_in_dim3A_223] : memref<8x8x128xf32, #tpu.memory_space<vmem>>[vector<16xi32>, vector<16xi32>, vector<16xi32>], vector<16xf32>,
    %gather3A_1155 = tpu.vector_load_idx %arg12[%shift_right_logical3A_202, %and3A_214, %broadcast_in_dim3A_223] : memref<8x8x3xf32, #tpu.memory_space<vmem>>[vector<16xi32>, vector<16xi32>, vector<16xi32>], vector<16xf32>,
    %add3A_1156 = arith.addf %gather3A_1154, %gather3A_1155 : vector<16xf32>
    tpu.vector_store_idx %arg16[%shift_right_logical3A_202, %and3A_214, %broadcast_in_dim3A_223], %add3A_1156 : memref<8x8x3xf32, #tpu.memory_space<vmem>>[vector<16xi32>, vector<16xi32>, vector<16xi32>], vector<16xf32>,
    %gather3A_1157 = tpu.vector_load_idx %arg8[%shift_right_logical3A_202, %and3A_214, %broadcast_in_dim3A_225] : memref<8x8x128xf32, #tpu.memory_space<vmem>>[vector<16xi32>, vector<16xi32>, vector<16xi32>], vector<16xf32>,
    %gather3A_1158 = tpu.vector_load_idx %arg12[%shift_right_logical3A_202, %and3A_214, %broadcast_in_dim3A_225] : memref<8x8x3xf32, #tpu.memory_space<vmem>>[vector<16xi32>, vector<16xi32>, vector<16xi32>], vector<16xf32>,
    %add3A_1159 = arith.addf %gather3A_1157, %gather3A_1158 : vector<16xf32>
    tpu.vector_store_idx %arg16[%shift_right_logical3A_202, %and3A_214, %broadcast_in_dim3A_225], %add3A_1159 : memref<8x8x3xf32, #tpu.memory_space<vmem>>[vector<16xi32>, vector<16xi32>, vector<16xi32>], vector<16xf32>,
    %gather3A_1160 = tpu.vector_load_idx %arg8[%shift_right_logical3A_205, %and3A_217, %broadcast_in_dim3A_227] : memref<8x8x128xf32, #tpu.memory_space<vmem>>[vector<16xi32>, vector<16xi32>, vector<16xi32>], vector<16xf32>,
    %gather3A_1161 = tpu.vector_load_idx %arg12[%shift_right_logical3A_205, %and3A_217, %broadcast_in_dim3A_221] : memref<8x8x3xf32, #tpu.memory_space<vmem>>[vector<16xi32>, vector<16xi32>, vector<16xi32>], vector<16xf32>,
    %add3A_1162 = arith.addf %gather3A_1160, %gather3A_1161 : vector<16xf32>
    tpu.vector_store_idx %arg16[%shift_right_logical3A_205, %and3A_217, %broadcast_in_dim3A_221], %add3A_1162 : memref<8x8x3xf32, #tpu.memory_space<vmem>>[vector<16xi32>, vector<16xi32>, vector<16xi32>], vector<16xf32>,
    %gather3A_1163 = tpu.vector_load_idx %arg8[%shift_right_logical3A_205, %and3A_217, %broadcast_in_dim3A_223] : memref<8x8x128xf32, #tpu.memory_space<vmem>>[vector<16xi32>, vector<16xi32>, vector<16xi32>], vector<16xf32>,
    %gather3A_1164 = tpu.vector_load_idx %arg12[%shift_right_logical3A_205, %and3A_217, %broadcast_in_dim3A_223] : memref<8x8x3xf32, #tpu.memory_space<vmem>>[vector<16xi32>, vector<16xi32>, vector<16xi32>], vector<16xf32>,
    %add3A_1165 = arith.addf %gather3A_1163, %gather3A_1164 : vector<16xf32>
    tpu.vector_store_idx %arg16[%shift_right_logical3A_205, %and3A_217, %broadcast_in_dim3A_223], %add3A_1165 : memref<8x8x3xf32, #tpu.memory_space<vmem>>[vector<16xi32>, vector<16xi32>, vector<16xi32>], vector<16xf32>,
    %gather3A_1166 = tpu.vector_load_idx %arg8[%shift_right_logical3A_205, %and3A_217, %broadcast_in_dim3A_225] : memref<8x8x128xf32, #tpu.memory_space<vmem>>[vector<16xi32>, vector<16xi32>, vector<16xi32>], vector<16xf32>,
    %gather3A_1167 = tpu.vector_load_idx %arg12[%shift_right_logical3A_205, %and3A_217, %broadcast_in_dim3A_225] : memref<8x8x3xf32, #tpu.memory_space<vmem>>[vector<16xi32>, vector<16xi32>, vector<16xi32>], vector<16xf32>,
    %add3A_1168 = arith.addf %gather3A_1166, %gather3A_1167 : vector<16xf32>
    tpu.vector_store_idx %arg16[%shift_right_logical3A_205, %and3A_217, %broadcast_in_dim3A_225], %add3A_1168 : memref<8x8x3xf32, #tpu.memory_space<vmem>>[vector<16xi32>, vector<16xi32>, vector<16xi32>], vector<16xf32>,
    %gather3A_1169 = tpu.vector_load_idx %arg8[%shift_right_logical3A_208, %and3A_220, %broadcast_in_dim3A_227] : memref<8x8x128xf32, #tpu.memory_space<vmem>>[vector<16xi32>, vector<16xi32>, vector<16xi32>], vector<16xf32>,
    %gather3A_1170 = tpu.vector_load_idx %arg12[%shift_right_logical3A_208, %and3A_220, %broadcast_in_dim3A_221] : memref<8x8x3xf32, #tpu.memory_space<vmem>>[vector<16xi32>, vector<16xi32>, vector<16xi32>], vector<16xf32>,
    %add3A_1171 = arith.addf %gather3A_1169, %gather3A_1170 : vector<16xf32>
    tpu.vector_store_idx %arg16[%shift_right_logical3A_208, %and3A_220, %broadcast_in_dim3A_221], %add3A_1171 : memref<8x8x3xf32, #tpu.memory_space<vmem>>[vector<16xi32>, vector<16xi32>, vector<16xi32>], vector<16xf32>,
    %gather3A_1172 = tpu.vector_load_idx %arg8[%shift_right_logical3A_208, %and3A_220, %broadcast_in_dim3A_223] : memref<8x8x128xf32, #tpu.memory_space<vmem>>[vector<16xi32>, vector<16xi32>, vector<16xi32>], vector<16xf32>,
    %gather3A_1173 = tpu.vector_load_idx %arg12[%shift_right_logical3A_208, %and3A_220, %broadcast_in_dim3A_223] : memref<8x8x3xf32, #tpu.memory_space<vmem>>[vector<16xi32>, vector<16xi32>, vector<16xi32>], vector<16xf32>,
    %add3A_1174 = arith.addf %gather3A_1172, %gather3A_1173 : vector<16xf32>
    tpu.vector_store_idx %arg16[%shift_right_logical3A_208, %and3A_220, %broadcast_in_dim3A_223], %add3A_1174 : memref<8x8x3xf32, #tpu.memory_space<vmem>>[vector<16xi32>, vector<16xi32>, vector<16xi32>], vector<16xf32>,
    %gather3A_1175 = tpu.vector_load_idx %arg8[%shift_right_logical3A_208, %and3A_220, %broadcast_in_dim3A_225] : memref<8x8x128xf32, #tpu.memory_space<vmem>>[vector<16xi32>, vector<16xi32>, vector<16xi32>], vector<16xf32>,
    %gather3A_1176 = tpu.vector_load_idx %arg12[%shift_right_logical3A_208, %and3A_220, %broadcast_in_dim3A_225] : memref<8x8x3xf32, #tpu.memory_space<vmem>>[vector<16xi32>, vector<16xi32>, vector<16xi32>], vector<16xf32>,
    %add3A_1177 = arith.addf %gather3A_1175, %gather3A_1176 : vector<16xf32>
    tpu.vector_store_idx %arg16[%shift_right_logical3A_208, %and3A_220, %broadcast_in_dim3A_225], %add3A_1177 : memref<8x8x3xf32, #tpu.memory_space<vmem>>[vector<16xi32>, vector<16xi32>, vector<16xi32>], vector<16xf32>,
    %add3A_1178 = arith.constant 448 : i32
    %add3A_1179 = arith.addi %mul3A_2, %add3A_1178 : i32
    %jit3A_1180 = arith.constant 8 : i32
    %div3A_1181 = arith.divsi %add3A_1179, %jit3A_1180 : i32
    %sign3A_1182 = arith.constant 0 : i32
    %sign3A_1183 = arith.cmpi sgt, %add3A_1179, %sign3A_1182 : i32
    %sign3A_1184 = arith.extui %sign3A_1183 : i1 to i32
    %sign3A_1185 = arith.constant 0 : i32
    %sign3A_1186 = arith.cmpi slt, %add3A_1179, %sign3A_1185 : i32
    %sign3A_1187 = arith.extui %sign3A_1186 : i1 to i32
    %sign3A_1188 = arith.subi %sign3A_1184, %sign3A_1187 : i32
    %sign3A_1189 = arith.constant 0 : i32
    %sign3A_1190 = arith.cmpi sgt, %jit3A_1180, %sign3A_1189 : i32
    %sign3A_1191 = arith.extui %sign3A_1190 : i1 to i32
    %sign3A_1192 = arith.constant 0 : i32
    %sign3A_1193 = arith.cmpi slt, %jit3A_1180, %sign3A_1192 : i32
    %sign3A_1194 = arith.extui %sign3A_1193 : i1 to i32
    %sign3A_1195 = arith.subi %sign3A_1191, %sign3A_1194 : i32
    %ne3A_1196 = arith.cmpi ne, %sign3A_1188, %sign3A_1195 : i32
    %rem3A_1197 = arith.remsi %add3A_1179, %jit3A_1180 : i32
    %ne3A_1198 = arith.constant 0 : i32
    %ne3A_1199 = arith.cmpi ne, %rem3A_1197, %ne3A_1198 : i32
    %and3A_1200 = arith.andi %ne3A_1196, %ne3A_1199 : i1
    %sub3A_1201 = arith.constant 1 : i32
    %sub3A_1202 = arith.subi %div3A_1181, %sub3A_1201 : i32
    %select_n3A_1203 = arith.select %and3A_1200, %sub3A_1202, %div3A_1181 : i32
    %dma_start3A_1204 = arith.constant 0 : i32
    %dma_start3A_1205 = arith.constant 0 : i32
    %dma_start3A_1206 = tpu.memref_slice %arg4[%select_n3A_1203, %dma_start3A_1204, %dma_start3A_1205] : memref<2048x8x3xf32, #tpu.memory_space<hbm>> -> memref<8x8x3xf32, #tpu.memory_space<hbm>>
    %dma_start3A_1207 = arith.constant 0 : i32
    %dma_start3A_1208 = arith.constant 0 : i32
    %dma_start3A_1209 = tpu.memref_slice %arg4[%select_n3A_1203, %dma_start3A_1207, %dma_start3A_1208] : memref<2048x8x3xf32, #tpu.memory_space<hbm>> -> memref<8x8x3xf32, #tpu.memory_space<hbm>>
    tpu.enqueue_dma source(%arg16 : memref<8x8x3xf32, #tpu.memory_space<vmem>>) target(%dma_start3A_1209 : memref<8x8x3xf32, #tpu.memory_space<hbm>>) target_semaphore(%arg28 : memref<!tpu.dma_semaphore, #tpu.memory_space<semaphore_mem>>)
    %dma_wait3A_1210 = arith.constant 0 : i32
    %dma_wait3A_1211 = arith.constant 0 : i32
    %dma_wait3A_1212 = tpu.memref_slice %arg4[%select_n3A_945, %dma_wait3A_1210, %dma_wait3A_1211] : memref<2048x8x3xf32, #tpu.memory_space<hbm>> -> memref<8x8x3xf32, #tpu.memory_space<hbm>>
    %dma_wait3A_1213 = arith.constant 0 : i32
    %dma_wait3A_1214 = arith.constant 0 : i32
    %dma_wait3A_1215 = tpu.memref_slice %arg4[%select_n3A_945, %dma_wait3A_1213, %dma_wait3A_1214] : memref<2048x8x3xf32, #tpu.memory_space<hbm>> -> memref<8x8x3xf32, #tpu.memory_space<hbm>>
    tpu.wait_dma2 semaphore(%arg25 : memref<!tpu.dma_semaphore, #tpu.memory_space<semaphore_mem>>) src(%arg13 : memref<8x8x3xf32, #tpu.memory_space<vmem>>) dst(%dma_wait3A_1215 : memref<8x8x3xf32, #tpu.memory_space<hbm>>)
    %dma_wait3A_1216 = arith.constant 0 : i32
    %dma_wait3A_1217 = arith.constant 0 : i32
    %dma_wait3A_1218 = tpu.memref_slice %arg4[%select_n3A_1031, %dma_wait3A_1216, %dma_wait3A_1217] : memref<2048x8x3xf32, #tpu.memory_space<hbm>> -> memref<8x8x3xf32, #tpu.memory_space<hbm>>
    %dma_wait3A_1219 = arith.constant 0 : i32
    %dma_wait3A_1220 = arith.constant 0 : i32
    %dma_wait3A_1221 = tpu.memref_slice %arg4[%select_n3A_1031, %dma_wait3A_1219, %dma_wait3A_1220] : memref<2048x8x3xf32, #tpu.memory_space<hbm>> -> memref<8x8x3xf32, #tpu.memory_space<hbm>>
    tpu.wait_dma2 semaphore(%arg26 : memref<!tpu.dma_semaphore, #tpu.memory_space<semaphore_mem>>) src(%arg14 : memref<8x8x3xf32, #tpu.memory_space<vmem>>) dst(%dma_wait3A_1221 : memref<8x8x3xf32, #tpu.memory_space<hbm>>)
    %dma_wait3A_1222 = arith.constant 0 : i32
    %dma_wait3A_1223 = arith.constant 0 : i32
    %dma_wait3A_1224 = tpu.memref_slice %arg4[%select_n3A_1117, %dma_wait3A_1222, %dma_wait3A_1223] : memref<2048x8x3xf32, #tpu.memory_space<hbm>> -> memref<8x8x3xf32, #tpu.memory_space<hbm>>
    %dma_wait3A_1225 = arith.constant 0 : i32
    %dma_wait3A_1226 = arith.constant 0 : i32
    %dma_wait3A_1227 = tpu.memref_slice %arg4[%select_n3A_1117, %dma_wait3A_1225, %dma_wait3A_1226] : memref<2048x8x3xf32, #tpu.memory_space<hbm>> -> memref<8x8x3xf32, #tpu.memory_space<hbm>>
    tpu.wait_dma2 semaphore(%arg27 : memref<!tpu.dma_semaphore, #tpu.memory_space<semaphore_mem>>) src(%arg15 : memref<8x8x3xf32, #tpu.memory_space<vmem>>) dst(%dma_wait3A_1227 : memref<8x8x3xf32, #tpu.memory_space<hbm>>)
    %dma_wait3A_1228 = arith.constant 0 : i32
    %dma_wait3A_1229 = arith.constant 0 : i32
    %dma_wait3A_1230 = tpu.memref_slice %arg4[%select_n3A_1203, %dma_wait3A_1228, %dma_wait3A_1229] : memref<2048x8x3xf32, #tpu.memory_space<hbm>> -> memref<8x8x3xf32, #tpu.memory_space<hbm>>
    %dma_wait3A_1231 = arith.constant 0 : i32
    %dma_wait3A_1232 = arith.constant 0 : i32
    %dma_wait3A_1233 = tpu.memref_slice %arg4[%select_n3A_1203, %dma_wait3A_1231, %dma_wait3A_1232] : memref<2048x8x3xf32, #tpu.memory_space<hbm>> -> memref<8x8x3xf32, #tpu.memory_space<hbm>>
    tpu.wait_dma2 semaphore(%arg28 : memref<!tpu.dma_semaphore, #tpu.memory_space<semaphore_mem>>) src(%arg16 : memref<8x8x3xf32, #tpu.memory_space<vmem>>) dst(%dma_wait3A_1233 : memref<8x8x3xf32, #tpu.memory_space<hbm>>)
    return
  }
}

</mosaic_0001>

<sc_bundles>
// kernel: kernel.3.cloned.1.call-start
scs
__scs_entry_jumppad:
0x0: {  	(pc) =	sbr.rel $0x88, $3  }
0x1: {  	(tag) =	ssettag $0x0;
	lr =	simm.s32 $0x1  }
0x2: {  	[smem:$0x3F9F] =	sst lr;
	_ =	strace $0xD0000000  }
0x3: {  	_ = 	snop  }
0x4: {  	_ = 	snop  }
0x5: {  	_ = 	snop  }
0x6: {  	_ = 	snop  }
0x7: {  	_ = 	snop  }
__scs_overlays_trampoline_lowered:
0x8: {  	[smem:$0x3FAE] =	sst s0  }
0x9: {  	[smem:$0x3FAF] =	sst s1  }
0xa: {  	[smem:$0x3FB0] =	sst s2  }
0xb: {  	[smem:$0x3FB1] =	sst s3  }
0xc: {  	[smem:$0x3FB2] =	sst s4  }
0xd: {  	[smem:$0x3FB3] =	sst s5  }
0xe: {  	[smem:$0x3FB4] =	sst s6  }
0xf: {  	[smem:$0x3FB5] =	sst s7  }
0x10: {  	[smem:$0x3FB6] =	sst s8  }
0x11: {  	[smem:$0x3FB7] =	sst s9;
	s0 =	simm.s32 @!p0 $0x0  }
0x12: {  	s1 =	sld [smem:$0x3F9D];
	s0 =	simm.s32 @p0 $0x1  }
0x13: {  	[smem:$0x3FB8] =	sst s0;
	s0 =	simm.s32 @!p1 $0x0  }
0x14: {  	s2 =	sld [smem:$0x3F9C];
	s0 =	simm.s32 @p1 $0x1  }
0x15: {  	[smem:$0x3FB9] =	sst s0;
	s0 =	simm.s32 @!p2 $0x0  }
0x16: {  	s3 =	sld [smem:$0x3FDB];
	s0 =	simm.s32 @p2 $0x1  }
0x17: {  	s4 =	simm.s32 $0x1BF5;
	[smem:$0x3FBB] =	sst s0  }
0x18: {  	s0 =	sld [smem:$0x3F9E];
	_ =	swait.ge [sflag:s4], $0x0  }
0x19: {  	s7 =	sld [smem:$0x3F9F]  }
0x1a: {  	s8 =	sadd.s32 $0xFFFFE003, lr  }
0x1b: {  	s9 =	sadd.s32 $0xFFFFFEF7, lr;
	s5 =	simm.s32 $0xFFFFFFFF;
	p2 =	slt.u32 s8, $0xFFFFF086  }
0x1c: {  	p1 =	slt.u32 s9, $0xF7A;
	s5 =	simm.s32 @!p2 $0x0  }
0x1d: {  	s5 =	simm.s32 @p1 $0x1;
	p0 =	seq.s32 s7, s2  }
0x1e: {  	s7 =	smul.u32 @!p0 $0xF7A, s2;
	p2 =	seq.s32 @!p0 s5, $0x0  }
0x1f: {  	s9 =	smul.u32 $0xF7A, s1;
	s8 =	simm.s32 @!p0 $0x1BF5;
	p2 =	por !p2, p0  }
0x20: {  	[sflag:s8] =	ssyncset.s32 @!p0 $0xFFFFF086;
	s6 =	sadd.s32 @!p0 s3, s7;
	s7 =	simm.s32 @!p0 $0x108  }
0x21: {  	s3 =	sadd.s32 s3, s9;
	s6 =	sadd.s32 @!p0 $0x88, s6;
	s7 =	simm.s32 @p2 $0x1082  }
0x22: {  	[simem:s7], [sflag:s8] =	dma.local @!p0 [hbm:s6], $0xF7A  }
0x23: {  	s9 =	sor.u32 $0xD0000000, s2;
	s6 =	simm.s32 $0x108;
	_ =	swait.ge @!p0 [sflag:s8], $0x0  }
0x24: {  	s3 =	sadd.s32 $0x88, s3;
	s6 =	simm.s32 @!p1 $0x1082;
	[sflag:s4] =	ssyncset.s32 $0xFFFFF086  }
0x25: {  	[simem:s6], [sflag:s4] =	dma.local [hbm:s3], $0xF7A  }
0x26: {  	[smem:$0x3F9F] =	sst s1;
	(tag) =	ssettag s2;
	_ =	strace s9  }
0x27: {  	s1 =	sld [smem:$0x3FAF]  }
0x28: {  	s2 =	sld [smem:$0x3FB0]  }
0x29: {  	s4 =	sld [smem:$0x3FB2]  }
0x2a: {  	p0 =	seq.s32 s5, $0x0;
	s5 =	sld [smem:$0x3FB3]  }
0x2b: {  	s6 =	sld [smem:$0x3FB4]  }
0x2c: {  	s7 =	sld [smem:$0x3FB5]  }
0x2d: {  	s3 =	simm.s32 $0x108;
	s8 =	sld [smem:$0x3FB6]  }
0x2e: {  	s3 =	simm.s32 @!p0 $0x1082;
	s9 =	sld [smem:$0x3FB7]  }
0x2f: {  	lr =	sadd.s32 s0, s3;
	s0 =	sld [smem:$0x3FAE]  }
0x30: {  	s3 =	sld [smem:$0x3FB1]  }
0x31: {  	[smem:$0x3FBA] =	sst s10  }
0x32: {  	s10 =	sld [smem:$0x3FB8];
	_ =	sdelay $0x3  }
0x33: {  	p0 =	seq.s32 s10, $0x1;
	s10 =	sld [smem:$0x3FBA];
	_ =	sdelay $0x3  }
0x34: {  	[smem:$0x3FBA] =	sst s10  }
0x35: {  	s10 =	sld [smem:$0x3FB9];
	_ =	sdelay $0x3  }
0x36: {  	p1 =	seq.s32 s10, $0x1;
	s10 =	sld [smem:$0x3FBA];
	_ =	sdelay $0x3  }
0x37: {  	[smem:$0x3FBA] =	sst s10  }
0x38: {  	s10 =	sld [smem:$0x3FBB]  }
0x39: {  	_ = 	snop;
	(pc) =	sbr.ind lr, $3  }
0x3a: {  	_ = 	snop  }
0x3b: {  	_ = 	snop  }
0x3c: {  	p2 =	seq.s32 s10, $0x1;
	s10 =	sld [smem:$0x3FBA]  }
0x3d: {  	_ =	shalt  }
0x3e: {  	_ =	shalt  }
0x3f: {  	_ =	shalt  }
0x40: {  	_ =	shalt  }
0x41: {  	_ =	shalt  }
0x42: {  	_ =	shalt  }
0x43: {  	_ =	shalt  }
0x44: {  	_ =	shalt  }
0x45: {  	_ =	shalt  }
0x46: {  	_ =	shalt  }
0x47: {  	_ =	shalt  }
0x48: {  	_ =	shalt  }
0x49: {  	_ =	shalt  }
0x4a: {  	_ =	shalt  }
0x4b: {  	_ =	shalt  }
0x4c: {  	_ =	shalt  }
0x4d: {  	_ =	shalt  }
0x4e: {  	_ =	shalt  }
0x4f: {  	_ =	shalt  }
0x50: {  	_ =	shalt  }
0x51: {  	_ =	shalt  }
0x52: {  	_ =	shalt  }
0x53: {  	_ =	shalt  }
0x54: {  	_ =	shalt  }
0x55: {  	_ =	shalt  }
0x56: {  	_ =	shalt  }
0x57: {  	_ =	shalt  }
0x58: {  	_ =	shalt  }
0x59: {  	_ =	shalt  }
0x5a: {  	_ =	shalt  }
0x5b: {  	_ =	shalt  }
0x5c: {  	_ =	shalt  }
0x5d: {  	_ =	shalt  }
0x5e: {  	_ =	shalt  }
0x5f: {  	_ =	shalt  }
0x60: {  	_ =	shalt  }
0x61: {  	_ =	shalt  }
0x62: {  	_ =	shalt  }
0x63: {  	_ =	shalt  }
0x64: {  	_ =	shalt  }
0x65: {  	_ =	shalt  }
0x66: {  	_ =	shalt  }
0x67: {  	_ =	shalt  }
0x68: {  	_ =	shalt  }
0x69: {  	_ =	shalt  }
0x6a: {  	_ =	shalt  }
0x6b: {  	_ =	shalt  }
0x6c: {  	_ =	shalt  }
0x6d: {  	_ =	shalt  }
0x6e: {  	_ =	shalt  }
0x6f: {  	_ =	shalt  }
0x70: {  	_ =	shalt  }
0x71: {  	_ =	shalt  }
0x72: {  	_ =	shalt  }
0x73: {  	_ =	shalt  }
0x74: {  	_ =	shalt  }
0x75: {  	_ =	shalt  }
0x76: {  	_ =	shalt  }
0x77: {  	_ =	shalt  }
0x78: {  	_ =	shalt  }
0x79: {  	_ =	shalt  }
0x7a: {  	_ =	shalt  }
0x7b: {  	_ =	shalt  }
0x7c: {  	_ =	shalt  }
0x7d: {  	_ =	shalt  }
0x7e: {  	_ =	shalt  }
0x7f: {  	_ =	shalt  }
0x80: {  	_ =	shalt  }
0x81: {  	_ =	shalt  }
0x82: {  	_ =	shalt  }
0x83: {  	_ =	shalt  }
0x84: {  	_ =	shalt  }
0x85: {  	_ =	shalt  }
0x86: {  	_ =	shalt  }
0x87: {  	_ =	shalt  }
.Lfunc_end0:
.L_simem_size_0:
called_computation_lowered:
.L_overlay_start_0:
0x88: {  	s2 =	sld [smem:$0x3FD9]  }
0x89: {  	s3 =	sld [smem:$0x3FFE];
	_ =	sdelay $0x1  }
0x8a: {  	s1 =	srdreg.scid  }
0x8b: {  	s0 =	sand.u32 $0x1, s1  }
0x8c: {  	s17 =	sshll.u32 s0, $0xA;
	s2 =	sadd.s32 s3, s2  }
0x8d: {  	s2 =	sadd.s32 s2, s17  }
0x8e: {  	[smem:$0x3FC6] =	sst s2  }
0x8f: {  	_ = 	snop  }
0x90: {  	s2 =	sld [smem:$0x3FC9];
	(tm) =	ssettm $0x1  }
0x91: {  	s18 =	sld [smem:$0x3FFB];
	_ =	sdelay $0x3  }
0x92: {  	_ =	strace s18  }
0x93: {  	s3 =	sld [smem:$0x3FFC];
	_ =	sdelay $0x3  }
0x94: {  	_ =	strace s3  }
0x95: {  	s3 =	sld [smem:$0x3FFD];
	_ =	sdelay $0x3  }
0x96: {  	_ =	strace s3  }
0x97: {  	_ =	strace $0x8FFFFFFF  }
0x98: {  	s19 =	sld [smem:$0x3FDB];
	_ =	sdelay $0x1  }
0x99: {  	s4 =	simm.s32 $_scs_section_size  }
0x9a: {  	s5 =	simm.s32 $_size__tile_overlayer_lowered;
	s6 =	simm.s32 $_tile_overlayer_lowered  }
0x9b: {  	s22 =	simm.s32 $0x1BFF;
	s21 =	sshll.u32 s6, $0x1;
	s3 =	sadd.s32 s4, s19  }
0x9c: {  	s7 =	simm.s32 $0x0;
	s20 =	sshll.u32 s5, $0x1;
	s5 =	sadd.s32 s21, s3  }
0x9d: {  	[timem:s7], [sflag:s22] =	dma.local [hbm:s5], s20  }
0x9e: {  	_ =	swait.ge [sflag:s22], s20  }
0x9f: {  	s4 =	ssub.s32 $0x0, s20;
	[sflag:s22] =	ssyncset.done $0x0  }
0xa0: {  	[sflag:s22] =	ssyncadd.s32 s4;
	_ =	sdelay $0x1  }
0xa1: {  	s23 =	simm.s32 $0x1B8B  }
0xa2: {  	_ =	swait.ge [sflag:s23], $0x1  }
0xa3: {  	[sflag:s23] =	ssyncset.done $0x0  }
0xa4: {  	s25 =	simm.s32 $0x1B8E;
	s24 =	sld [smem:$0x3FFE];
	[sflag:s23] =	ssyncadd.s32 $0xFFFFFFFF  }
0xa5: {  	s26 =	simm.s32 $execute0_lowered;
	[smem:$0x3FD2] =	sst s25  }
0xa6: {  	s5 =	sshll.u32 s26, $0x1;
	_ =	strace $0x80000046;
	[dreg:$0x1] =	wrdreg $0xFFFFFFFF  }
0xa7: {  	s28 =	simm.s32 $_size_execute0_lowered;
	s3 =	sadd.s32 s3, s5;
	[dreg:$0x0] =	wrdreg $0x0  }
0xa8: {  	s5 =	sshll.u32 s28, $0x1;
	[dreg:$0x2] =	wrdreg s3  }
0xa9: {  	[dreg:$0x3] =	wrdreg s5  }
0xaa: {  	[dreg:$0x4] =	wrdreg $0xC0  }
0xab: {  	_ =	task [dreg:s7], $0x5FFFF  }
0xac: {  	[dreg:$0x1] =	wrdreg $0xFFFFFFFF  }
0xad: {  	[dreg:$0x0] =	wrdreg $0x60  }
0xae: {  	[dreg:$0x2] =	wrdreg s2  }
0xaf: {  	[dreg:$0x3] =	wrdreg s24  }
0xb0: {  	[dreg:$0x4] =	wrdreg $0x9  }
0xb1: {  	_ =	task.clear_ibuf [dreg:s7], $0x5FFFF;
	_ =	strace $0x90000046  }
0xb2: {  	s29 =	simm.s32 $0x9;
	_ =	strace $0x80000048  }
0xb3: {  	_ =	swait.ge [sflag:s29], $0x1  }
0xb4: {  	[sflag:s29] =	ssyncadd.s32 $0xFFFFFFFF  }
0xb5: {  	_ =	strace $0x90000048  }
0xb6: {  	_ =	sfence  }
0xb7: {  	s30 =	sld [smem:$0x0];
	_ =	sdelay $0x2  }
0xb8: {  	s31 =	sshll.u32 s1, $0xD;
	s1 =	sshrl.u32 s1, $0x2  }
0xb9: {  	s3 =	sand.u32 $0x4000, s31;
	s1 =	sadd.s32 s1, s30  }
0xba: {  	s0 =	sor.u32 s3, s0;
	s1 =	sshll.u32 s1, $0x11  }
0xbb: {  	s0 =	sor.u32 s1, s0  }
0xbc: {  	s0 =	sadd.s32 $0x8F2B, s0  }
0xbd: {  	[sflag:s0] =	ssyncadd.remote.s32 $0x1  }
0xbe: {  	_ =	sfence.sel $0xFFFF  }
0xbf: {  	[dreg:$0x0] =	wrdreg $0xFFFFFFFF;
	(pc) =	sbr.abs _section_cstart, $3  }
0xc0: {  	[dreg:$0x1] =	wrdreg $0xFFFFFFFF  }
0xc1: {  	_ =	task.clear_ibuf [dreg:s7], $0x2FFFF;
	_ =	strace $0x9FFFFFFF  }
0xc2: {  	(tm) =	ssettm $0x7FFFFFFF  }
0xc3: {  	_ =	shalt  }
tec
execute0_lowered:
.L_overlay_start_1:
0x0: {  	(tag) =	ssettag $0x1  }
0x1: {  	s0 =	rddreg [dreg:$0x0]  }
0x2: {  	s4 =	rddreg [dreg:$0x1]  }
0x3: {  	s2 =	simm.s32 $0x0;
	s3 =	srdreg.scid;
	s1 =	stileid.u32  }
0x4: {  	s28 =	simm.s32 $0x16000;
	s29 =	simm.s32 $0x9;
	s30 =	simm.s32 $0xA  }
0x5: {  	s31 =	simm.s32 $0xB;
	[smem:$0x7FF] =	sst s2;
	s5 =	sand.u32 $0x1, s3  }
0x6: {  	s8 =	sshll.u32 s1, $0x9;
	s3 =	sadd.s32 $0x400, s4;
	s7 =	sshll.u32 s5, $0xD  }
0x7: {  	s6 =	sadd.s32 $0x40400, s4;
	_ =	strace $0x80000047;
	s7 =	sor.u32 s8, s7  }
0x8: {  	s4 =	ssub.s32 $0x2, s5;
	s11 =	sshll.u32 s7, $0x8;
	s8 =	sshrl.u32 s7, $0x3  }
0x9: {  	s7 =	sshll.u32 s7, $0x4;
	s5 =	sadd.s32 s0, s11;
	s9 =	sor.u32 $0x8, s8  }
0xa: {  	s12 =	sadd.s32 s3, s7;
	s15 =	sor.u32 $0x10, s8;
	s11 =	sshrl.u32 s4, $0x1  }
0xb: {  	s20 =	sor.u32 $0x20, s8;
	s21 =	sadd.s32 s6, s7;
	[dreg:$0x3] =	wrdreg s5  }
0xc: {  	s25 =	sor.u32 $0x28, s8;
	s10 =	sshll.u32 s9, $0xB;
	[dreg:$0x4] =	wrdreg s12  }
0xd: {  	s9 =	sshll.u32 s9, $0x7;
	s16 =	sshll.u32 s15, $0xB;
	s12 =	sor.u32 $0x18, s8  }
0xe: {  	s22 =	sshll.u32 s20, $0xB;
	[dreg:$0xb] =	wrdreg s21;
	s7 =	sshll.u32 s20, $0x7  }
0xf: {  	s1 =	sshll.u32 s25, $0xB;
	s11 =	ssub.s32 s4, s11;
	s13 =	sadd.s32 s0, s10  }
0x10: {  	s14 =	sadd.s32 s3, s9;
	s5 =	sadd.s32 s0, s16;
	[dreg:$0x5] =	wrdreg s13  }
0x11: {  	s10 =	sshll.u32 s15, $0x7;
	s23 =	sadd.s32 s0, s22;
	[dreg:$0x6] =	wrdreg s14  }
0x12: {  	s24 =	sadd.s32 s3, s7;
	s26 =	sadd.s32 s6, s9;
	[dreg:$0x7] =	wrdreg s5  }
0x13: {  	s15 =	sshll.u32 s25, $0x7;
	s9 =	simm.s32 $0x4000;
	[dreg:$0xc] =	wrdreg s23  }
0x14: {  	s17 =	sadd.s32 s3, s10;
	s13 =	sshll.u32 s12, $0xB;
	[dreg:$0xd] =	wrdreg s24  }
0x15: {  	s12 =	sshll.u32 s12, $0x7;
	[dreg:$0xe] =	wrdreg s26;
	s14 =	sadd.s32 s0, s1  }
0x16: {  	s16 =	sadd.s32 s3, s15;
	s26 =	sadd.s32 s6, s7;
	s4 =	sadd.s32 s6, s15  }
0x17: {  	s7 =	smax.u32 s11, $0x1;
	s11 =	simm.s32 $0x2000;
	[dreg:$0x8] =	wrdreg s17  }
0x18: {  	s15 =	simm.s32 $0xE000;
	s18 =	sadd.s32 s0, s13;
	[dreg:$0xf] =	wrdreg s14  }
0x19: {  	s19 =	sadd.s32 s3, s12;
	s17 =	sor.u32 $0x30, s8;
	[dreg:$0x10] =	wrdreg s16  }
0x1a: {  	s8 =	sor.u32 $0x38, s8;
	s23 =	sadd.s32 s6, s12;
	[dreg:$0x17] =	wrdreg s26  }
0x1b: {  	s12 =	simm.s32 $0xA000;
	s13 =	simm.s32 $0xC000;
	s14 =	simm.s32 $0x6000  }
0x1c: {  	s16 =	simm.s32 $0x1;
	s26 =	simm.s32 $0x8;
	[dreg:$0x9] =	wrdreg s18  }
0x1d: {  	[dreg:$0xa] =	wrdreg s19;
	s18 =	sadd.s32 s6, s10;
	s19 =	sshll.u32 s17, $0xB  }
0x1e: {  	s21 =	sshll.u32 s17, $0x7;
	s24 =	sshll.u32 s8, $0xB;
	[dreg:$0x14] =	wrdreg s23  }
0x1f: {  	v0 =	vlaneseq.u32;
	s8 =	sshll.u32 s8, $0x7;
	s10 =	simm.s32 $0x8000;
	s17 =	simm.s32 $0x5  }
0x20: {  	v0 =	vmul.u32 $0x80, v0;
	s23 =	simm.s32 $0x7;
	[dreg:$0x11] =	wrdreg s18;
	s20 =	sadd.s32 s0, s19  }
0x21: {  	s22 =	sadd.s32 s3, s21;
	s0 =	sadd.s32 s0, s24;
	s25 =	sadd.s32 s3, s8  }
0x22: {  	v1 =	vor.u32 $0x3, v0;
	v2 =	vor.u32 $0x1, v0;
	v3 =	vor.u32 $0x2, v0;
	s5 =	sadd.s32 s6, s21;
	s6 =	sadd.s32 s6, s8;
	[dreg:$0x12] =	wrdreg s20  }
0x23: {  	v4 =	vor.u32 $0x803, v0;
	v5 =	vor.u32 $0x800, v0;
	v6 =	vor.u32 $0x801, v0;
	s8 =	simm.s32 $0x400;
	s18 =	simm.s32 $0x10000;
	[dreg:$0x13] =	wrdreg s22  }
0x24: {  	v7 =	vor.u32 $0x802, v0;
	v8 =	vor.u32 $0x1003, v0;
	v9 =	vor.u32 $0x1000, v0;
	s19 =	simm.s32 $0x2;
	s21 =	simm.s32 $0x12000;
	[dreg:$0x15] =	wrdreg s0  }
0x25: {  	v10 =	vor.u32 $0x1001, v0;
	v11 =	vor.u32 $0x1002, v0;
	v12 =	vor.u32 $0x1803, v0;
	s24 =	simm.s32 $0x14000;
	[dreg:$0x16] =	wrdreg s25;
	s20 =	simm.s32 $0x6  }
0x26: {  	v13 =	vor.u32 $0x1800, v0;
	v14 =	vor.u32 $0x1801, v0;
	v15 =	vor.u32 $0x1802, v0;
	s22 =	simm.s32 $0x3;
	s25 =	simm.s32 $0x4;
	s0 =	simm.s32 $0xC  }
.LBB2_1:
0x27: {  	s1 =	rddreg [dreg:$0x3]  }
0x28: {  	[tilespmem:s2], [sflag:$0x1] =	stream.strided.gather [hbm4b:s1+s8], $0x2000, s9, s8, $0x38;
	[tilespmem:$0x18000] =	vst v63  }
0x29: {  	s3 =	rddreg [dreg:$0x4]  }
0x2a: {  	[tilespmem:s10], [sflag:$0x5] =	stream.linear.gather [hbm4b:s3+s2], $0x2000, $0x38;
	[tilespmem:$0x18000] =	vst v63  }
0x2b: {  	s1 =	rddreg [dreg:$0x5]  }
0x2c: {  	[tilespmem:s11], [sflag:$0x2] =	stream.strided.gather [hbm4b:s1+s8], $0x2000, s9, s8, $0x38;
	[tilespmem:$0x18000] =	vst v63  }
0x2d: {  	s3 =	rddreg [dreg:$0x6]  }
0x2e: {  	[tilespmem:s12], [sflag:$0x6] =	stream.linear.gather [hbm4b:s3+s2], $0x2000, $0x38;
	[tilespmem:$0x18000] =	vst v63  }
0x2f: {  	s1 =	rddreg [dreg:$0x7]  }
0x30: {  	[tilespmem:s9], [sflag:$0x3] =	stream.strided.gather [hbm4b:s1+s8], $0x2000, s9, s8, $0x38;
	[tilespmem:$0x18000] =	vst v63  }
0x31: {  	s3 =	rddreg [dreg:$0x8]  }
0x32: {  	[tilespmem:s13], [sflag:$0x7] =	stream.linear.gather [hbm4b:s3+s2], $0x2000, $0x38;
	[tilespmem:$0x18000] =	vst v63  }
0x33: {  	s1 =	rddreg [dreg:$0x9]  }
0x34: {  	[tilespmem:s14], [sflag:$0x4] =	stream.strided.gather [hbm4b:s1+s8], $0x2000, s9, s8, $0x38;
	[tilespmem:$0x18000] =	vst v63  }
0x35: {  	s3 =	rddreg [dreg:$0xa]  }
0x36: {  	[tilespmem:s15], [sflag:$0x8] =	stream.linear.gather [hbm4b:s3+s2], $0x2000, $0x38;
	[tilespmem:$0x18000] =	vst v63  }
0x37: {  	_ =	swait.ge [sflag:s16], $0x2000  }
0x38: {  	[sflag:s16] =	ssyncset.done $0x0  }
0x39: {  	[sflag:s16] =	ssyncadd.s32 $0xFFFFE000  }
0x3a: {  	_ =	swait.ge [sflag:s17], $0x2000  }
0x3b: {  	[sflag:s17] =	ssyncset.done $0x0  }
0x3c: {  	[sflag:s17] =	ssyncadd.s32 $0xFFFFE000  }
0x3d: {  	v16 =	vld.idx.msk [tilespmem:v1+s2+$0x0], $0xffff  }
0x3e: {  	v17 =	vld.idx.msk [tilespmem:v0+s10+$0x0], $0xffff;
	_ =	sdelay $0x4  }
0x3f: {  	v16 =	vadd.f32 v17, v16;
	_ =	sdelay $0x1  }
0x40: {  	[tilespmem:v0+s18+$0x0] =	vst.idx.msk $0xffff, v16  }
0x41: {  	v16 =	vld.idx.msk [tilespmem:v2+s2+$0x0], $0xffff  }
0x42: {  	v17 =	vld.idx.msk [tilespmem:v2+s10+$0x0], $0xffff;
	_ =	sdelay $0x4  }
0x43: {  	v16 =	vadd.f32 v17, v16;
	_ =	sdelay $0x1  }
0x44: {  	[tilespmem:v2+s18+$0x0] =	vst.idx.msk $0xffff, v16  }
0x45: {  	v16 =	vld.idx.msk [tilespmem:v3+s2+$0x0], $0xffff  }
0x46: {  	v17 =	vld.idx.msk [tilespmem:v3+s10+$0x0], $0xffff;
	_ =	sdelay $0x4  }
0x47: {  	v16 =	vadd.f32 v17, v16;
	_ =	sdelay $0x1  }
0x48: {  	[tilespmem:v3+s18+$0x0] =	vst.idx.msk $0xffff, v16  }
0x49: {  	v16 =	vld.idx.msk [tilespmem:v4+s2+$0x0], $0xffff  }
0x4a: {  	v17 =	vld.idx.msk [tilespmem:v5+s10+$0x0], $0xffff;
	_ =	sdelay $0x4  }
0x4b: {  	v16 =	vadd.f32 v17, v16;
	_ =	sdelay $0x1  }
0x4c: {  	[tilespmem:v5+s18+$0x0] =	vst.idx.msk $0xffff, v16  }
0x4d: {  	v16 =	vld.idx.msk [tilespmem:v6+s2+$0x0], $0xffff  }
0x4e: {  	v17 =	vld.idx.msk [tilespmem:v6+s10+$0x0], $0xffff;
	_ =	sdelay $0x4  }
0x4f: {  	v16 =	vadd.f32 v17, v16;
	_ =	sdelay $0x1  }
0x50: {  	[tilespmem:v6+s18+$0x0] =	vst.idx.msk $0xffff, v16  }
0x51: {  	v16 =	vld.idx.msk [tilespmem:v7+s2+$0x0], $0xffff  }
0x52: {  	v17 =	vld.idx.msk [tilespmem:v7+s10+$0x0], $0xffff;
	_ =	sdelay $0x4  }
0x53: {  	v16 =	vadd.f32 v17, v16;
	_ =	sdelay $0x1  }
0x54: {  	[tilespmem:v7+s18+$0x0] =	vst.idx.msk $0xffff, v16  }
0x55: {  	v16 =	vld.idx.msk [tilespmem:v8+s2+$0x0], $0xffff  }
0x56: {  	v17 =	vld.idx.msk [tilespmem:v9+s10+$0x0], $0xffff;
	_ =	sdelay $0x4  }
0x57: {  	v16 =	vadd.f32 v17, v16;
	_ =	sdelay $0x1  }
0x58: {  	[tilespmem:v9+s18+$0x0] =	vst.idx.msk $0xffff, v16  }
0x59: {  	v16 =	vld.idx.msk [tilespmem:v10+s2+$0x0], $0xffff  }
0x5a: {  	v17 =	vld.idx.msk [tilespmem:v10+s10+$0x0], $0xffff;
	_ =	sdelay $0x4  }
0x5b: {  	v16 =	vadd.f32 v17, v16;
	_ =	sdelay $0x1  }
0x5c: {  	[tilespmem:v10+s18+$0x0] =	vst.idx.msk $0xffff, v16  }
0x5d: {  	v16 =	vld.idx.msk [tilespmem:v11+s2+$0x0], $0xffff  }
0x5e: {  	v17 =	vld.idx.msk [tilespmem:v11+s10+$0x0], $0xffff;
	_ =	sdelay $0x4  }
0x5f: {  	v16 =	vadd.f32 v17, v16;
	_ =	sdelay $0x1  }
0x60: {  	[tilespmem:v11+s18+$0x0] =	vst.idx.msk $0xffff, v16  }
0x61: {  	v16 =	vld.idx.msk [tilespmem:v12+s2+$0x0], $0xffff  }
0x62: {  	v17 =	vld.idx.msk [tilespmem:v13+s10+$0x0], $0xffff;
	_ =	sdelay $0x4  }
0x63: {  	v16 =	vadd.f32 v17, v16;
	_ =	sdelay $0x1  }
0x64: {  	[tilespmem:v13+s18+$0x0] =	vst.idx.msk $0xffff, v16  }
0x65: {  	v16 =	vld.idx.msk [tilespmem:v14+s2+$0x0], $0xffff  }
0x66: {  	v17 =	vld.idx.msk [tilespmem:v14+s10+$0x0], $0xffff;
	_ =	sdelay $0x4  }
0x67: {  	v16 =	vadd.f32 v17, v16;
	_ =	sdelay $0x1  }
0x68: {  	[tilespmem:v14+s18+$0x0] =	vst.idx.msk $0xffff, v16  }
0x69: {  	v16 =	vld.idx.msk [tilespmem:v15+s2+$0x0], $0xffff  }
0x6a: {  	v17 =	vld.idx.msk [tilespmem:v15+s10+$0x0], $0xffff;
	_ =	sdelay $0x4  }
0x6b: {  	v16 =	vadd.f32 v17, v16;
	_ =	sdelay $0x1  }
0x6c: {  	s1 =	rddreg [dreg:$0xb];
	[tilespmem:v15+s18+$0x0] =	vst.idx.msk $0xffff, v16  }
0x6d: {  	[hbm4b:s1+s2] =	stream.linear.scatter [tilespmem:s18], [sflag:$0x9], $0x2000, $0x38;
	[tilespmem:$0x18000] =	vst v63  }
0x6e: {  	s3 =	rddreg [dreg:$0xc]  }
0x6f: {  	[tilespmem:s2], [sflag:$0x1] =	stream.strided.gather [hbm4b:s3+s8], $0x2000, s9, s8, $0x38;
	[tilespmem:$0x18000] =	vst v63  }
0x70: {  	s1 =	rddreg [dreg:$0xd]  }
0x71: {  	[tilespmem:s10], [sflag:$0x5] =	stream.linear.gather [hbm4b:s1+s2], $0x2000, $0x38;
	[tilespmem:$0x18000] =	vst v63  }
0x72: {  	_ =	swait.ge [sflag:s19], $0x2000  }
0x73: {  	[sflag:s19] =	ssyncset.done $0x0  }
0x74: {  	[sflag:s19] =	ssyncadd.s32 $0xFFFFE000  }
0x75: {  	_ =	swait.ge [sflag:s20], $0x2000  }
0x76: {  	[sflag:s20] =	ssyncset.done $0x0  }
0x77: {  	[sflag:s20] =	ssyncadd.s32 $0xFFFFE000  }
0x78: {  	v16 =	vld.idx.msk [tilespmem:v1+s11+$0x0], $0xffff  }
0x79: {  	v17 =	vld.idx.msk [tilespmem:v0+s12+$0x0], $0xffff;
	_ =	sdelay $0x4  }
0x7a: {  	v16 =	vadd.f32 v17, v16;
	_ =	sdelay $0x1  }
0x7b: {  	[tilespmem:v0+s21+$0x0] =	vst.idx.msk $0xffff, v16  }
0x7c: {  	v16 =	vld.idx.msk [tilespmem:v2+s11+$0x0], $0xffff  }
0x7d: {  	v17 =	vld.idx.msk [tilespmem:v2+s12+$0x0], $0xffff;
	_ =	sdelay $0x4  }
0x7e: {  	v16 =	vadd.f32 v17, v16;
	_ =	sdelay $0x1  }
0x7f: {  	[tilespmem:v2+s21+$0x0] =	vst.idx.msk $0xffff, v16  }
0x80: {  	v16 =	vld.idx.msk [tilespmem:v3+s11+$0x0], $0xffff  }
0x81: {  	v17 =	vld.idx.msk [tilespmem:v3+s12+$0x0], $0xffff;
	_ =	sdelay $0x4  }
0x82: {  	v16 =	vadd.f32 v17, v16;
	_ =	sdelay $0x1  }
0x83: {  	[tilespmem:v3+s21+$0x0] =	vst.idx.msk $0xffff, v16  }
0x84: {  	v16 =	vld.idx.msk [tilespmem:v4+s11+$0x0], $0xffff  }
0x85: {  	v17 =	vld.idx.msk [tilespmem:v5+s12+$0x0], $0xffff;
	_ =	sdelay $0x4  }
0x86: {  	v16 =	vadd.f32 v17, v16;
	_ =	sdelay $0x1  }
0x87: {  	[tilespmem:v5+s21+$0x0] =	vst.idx.msk $0xffff, v16  }
0x88: {  	v16 =	vld.idx.msk [tilespmem:v6+s11+$0x0], $0xffff  }
0x89: {  	v17 =	vld.idx.msk [tilespmem:v6+s12+$0x0], $0xffff;
	_ =	sdelay $0x4  }
0x8a: {  	v16 =	vadd.f32 v17, v16;
	_ =	sdelay $0x1  }
0x8b: {  	[tilespmem:v6+s21+$0x0] =	vst.idx.msk $0xffff, v16  }
0x8c: {  	v16 =	vld.idx.msk [tilespmem:v7+s11+$0x0], $0xffff  }
0x8d: {  	v17 =	vld.idx.msk [tilespmem:v7+s12+$0x0], $0xffff;
	_ =	sdelay $0x4  }
0x8e: {  	v16 =	vadd.f32 v17, v16;
	_ =	sdelay $0x1  }
0x8f: {  	[tilespmem:v7+s21+$0x0] =	vst.idx.msk $0xffff, v16  }
0x90: {  	v16 =	vld.idx.msk [tilespmem:v8+s11+$0x0], $0xffff  }
0x91: {  	v17 =	vld.idx.msk [tilespmem:v9+s12+$0x0], $0xffff;
	_ =	sdelay $0x4  }
0x92: {  	v16 =	vadd.f32 v17, v16;
	_ =	sdelay $0x1  }
0x93: {  	[tilespmem:v9+s21+$0x0] =	vst.idx.msk $0xffff, v16  }
0x94: {  	v16 =	vld.idx.msk [tilespmem:v10+s11+$0x0], $0xffff  }
0x95: {  	v17 =	vld.idx.msk [tilespmem:v10+s12+$0x0], $0xffff;
	_ =	sdelay $0x4  }
0x96: {  	v16 =	vadd.f32 v17, v16;
	_ =	sdelay $0x1  }
0x97: {  	[tilespmem:v10+s21+$0x0] =	vst.idx.msk $0xffff, v16  }
0x98: {  	v16 =	vld.idx.msk [tilespmem:v11+s11+$0x0], $0xffff  }
0x99: {  	v17 =	vld.idx.msk [tilespmem:v11+s12+$0x0], $0xffff;
	_ =	sdelay $0x4  }
0x9a: {  	v16 =	vadd.f32 v17, v16;
	_ =	sdelay $0x1  }
0x9b: {  	[tilespmem:v11+s21+$0x0] =	vst.idx.msk $0xffff, v16  }
0x9c: {  	v16 =	vld.idx.msk [tilespmem:v12+s11+$0x0], $0xffff  }
0x9d: {  	v17 =	vld.idx.msk [tilespmem:v13+s12+$0x0], $0xffff;
	_ =	sdelay $0x4  }
0x9e: {  	v16 =	vadd.f32 v17, v16;
	_ =	sdelay $0x1  }
0x9f: {  	[tilespmem:v13+s21+$0x0] =	vst.idx.msk $0xffff, v16  }
0xa0: {  	v16 =	vld.idx.msk [tilespmem:v14+s11+$0x0], $0xffff  }
0xa1: {  	v17 =	vld.idx.msk [tilespmem:v14+s12+$0x0], $0xffff;
	_ =	sdelay $0x4  }
0xa2: {  	v16 =	vadd.f32 v17, v16;
	_ =	sdelay $0x1  }
0xa3: {  	[tilespmem:v14+s21+$0x0] =	vst.idx.msk $0xffff, v16  }
0xa4: {  	v16 =	vld.idx.msk [tilespmem:v15+s11+$0x0], $0xffff  }
0xa5: {  	v17 =	vld.idx.msk [tilespmem:v15+s12+$0x0], $0xffff;
	_ =	sdelay $0x4  }
0xa6: {  	v16 =	vadd.f32 v17, v16;
	_ =	sdelay $0x1  }
0xa7: {  	s1 =	rddreg [dreg:$0xe];
	[tilespmem:v15+s21+$0x0] =	vst.idx.msk $0xffff, v16  }
0xa8: {  	[hbm4b:s1+s2] =	stream.linear.scatter [tilespmem:s21], [sflag:$0xA], $0x2000, $0x38;
	[tilespmem:$0x18000] =	vst v63  }
0xa9: {  	s3 =	rddreg [dreg:$0xf]  }
0xaa: {  	[tilespmem:s11], [sflag:$0x2] =	stream.strided.gather [hbm4b:s3+s8], $0x2000, s9, s8, $0x38;
	[tilespmem:$0x18000] =	vst v63  }
0xab: {  	s1 =	rddreg [dreg:$0x10]  }
0xac: {  	[tilespmem:s12], [sflag:$0x6] =	stream.linear.gather [hbm4b:s1+s2], $0x2000, $0x38;
	[tilespmem:$0x18000] =	vst v63  }
0xad: {  	_ =	swait.ge [sflag:s22], $0x2000  }
0xae: {  	[sflag:s22] =	ssyncset.done $0x0  }
0xaf: {  	[sflag:s22] =	ssyncadd.s32 $0xFFFFE000  }
0xb0: {  	_ =	swait.ge [sflag:s23], $0x2000  }
0xb1: {  	[sflag:s23] =	ssyncset.done $0x0  }
0xb2: {  	[sflag:s23] =	ssyncadd.s32 $0xFFFFE000  }
0xb3: {  	v16 =	vld.idx.msk [tilespmem:v1+s9+$0x0], $0xffff  }
0xb4: {  	v17 =	vld.idx.msk [tilespmem:v0+s13+$0x0], $0xffff;
	_ =	sdelay $0x4  }
0xb5: {  	v16 =	vadd.f32 v17, v16;
	_ =	sdelay $0x1  }
0xb6: {  	[tilespmem:v0+s24+$0x0] =	vst.idx.msk $0xffff, v16  }
0xb7: {  	v16 =	vld.idx.msk [tilespmem:v2+s9+$0x0], $0xffff  }
0xb8: {  	v17 =	vld.idx.msk [tilespmem:v2+s13+$0x0], $0xffff;
	_ =	sdelay $0x4  }
0xb9: {  	v16 =	vadd.f32 v17, v16;
	_ =	sdelay $0x1  }
0xba: {  	[tilespmem:v2+s24+$0x0] =	vst.idx.msk $0xffff, v16  }
0xbb: {  	v16 =	vld.idx.msk [tilespmem:v3+s9+$0x0], $0xffff  }
0xbc: {  	v17 =	vld.idx.msk [tilespmem:v3+s13+$0x0], $0xffff;
	_ =	sdelay $0x4  }
0xbd: {  	v16 =	vadd.f32 v17, v16;
	_ =	sdelay $0x1  }
0xbe: {  	[tilespmem:v3+s24+$0x0] =	vst.idx.msk $0xffff, v16  }
0xbf: {  	v16 =	vld.idx.msk [tilespmem:v4+s9+$0x0], $0xffff  }
0xc0: {  	v17 =	vld.idx.msk [tilespmem:v5+s13+$0x0], $0xffff;
	_ =	sdelay $0x4  }
0xc1: {  	v16 =	vadd.f32 v17, v16;
	_ =	sdelay $0x1  }
0xc2: {  	[tilespmem:v5+s24+$0x0] =	vst.idx.msk $0xffff, v16  }
0xc3: {  	v16 =	vld.idx.msk [tilespmem:v6+s9+$0x0], $0xffff  }
0xc4: {  	v17 =	vld.idx.msk [tilespmem:v6+s13+$0x0], $0xffff;
	_ =	sdelay $0x4  }
0xc5: {  	v16 =	vadd.f32 v17, v16;
	_ =	sdelay $0x1  }
0xc6: {  	[tilespmem:v6+s24+$0x0] =	vst.idx.msk $0xffff, v16  }
0xc7: {  	v16 =	vld.idx.msk [tilespmem:v7+s9+$0x0], $0xffff  }
0xc8: {  	v17 =	vld.idx.msk [tilespmem:v7+s13+$0x0], $0xffff;
	_ =	sdelay $0x4  }
0xc9: {  	v16 =	vadd.f32 v17, v16;
	_ =	sdelay $0x1  }
0xca: {  	[tilespmem:v7+s24+$0x0] =	vst.idx.msk $0xffff, v16  }
0xcb: {  	v16 =	vld.idx.msk [tilespmem:v8+s9+$0x0], $0xffff  }
0xcc: {  	v17 =	vld.idx.msk [tilespmem:v9+s13+$0x0], $0xffff;
	_ =	sdelay $0x4  }
0xcd: {  	v16 =	vadd.f32 v17, v16;
	_ =	sdelay $0x1  }
0xce: {  	[tilespmem:v9+s24+$0x0] =	vst.idx.msk $0xffff, v16  }
0xcf: {  	v16 =	vld.idx.msk [tilespmem:v10+s9+$0x0], $0xffff  }
0xd0: {  	v17 =	vld.idx.msk [tilespmem:v10+s13+$0x0], $0xffff;
	_ =	sdelay $0x4  }
0xd1: {  	v16 =	vadd.f32 v17, v16;
	_ =	sdelay $0x1  }
0xd2: {  	[tilespmem:v10+s24+$0x0] =	vst.idx.msk $0xffff, v16  }
0xd3: {  	v16 =	vld.idx.msk [tilespmem:v11+s9+$0x0], $0xffff  }
0xd4: {  	v17 =	vld.idx.msk [tilespmem:v11+s13+$0x0], $0xffff;
	_ =	sdelay $0x4  }
0xd5: {  	v16 =	vadd.f32 v17, v16;
	_ =	sdelay $0x1  }
0xd6: {  	[tilespmem:v11+s24+$0x0] =	vst.idx.msk $0xffff, v16  }
0xd7: {  	v16 =	vld.idx.msk [tilespmem:v12+s9+$0x0], $0xffff  }
0xd8: {  	v17 =	vld.idx.msk [tilespmem:v13+s13+$0x0], $0xffff;
	_ =	sdelay $0x4  }
0xd9: {  	v16 =	vadd.f32 v17, v16;
	_ =	sdelay $0x1  }
0xda: {  	[tilespmem:v13+s24+$0x0] =	vst.idx.msk $0xffff, v16  }
0xdb: {  	v16 =	vld.idx.msk [tilespmem:v14+s9+$0x0], $0xffff  }
0xdc: {  	v17 =	vld.idx.msk [tilespmem:v14+s13+$0x0], $0xffff;
	_ =	sdelay $0x4  }
0xdd: {  	v16 =	vadd.f32 v17, v16;
	_ =	sdelay $0x1  }
0xde: {  	[tilespmem:v14+s24+$0x0] =	vst.idx.msk $0xffff, v16  }
0xdf: {  	v16 =	vld.idx.msk [tilespmem:v15+s9+$0x0], $0xffff  }
0xe0: {  	v17 =	vld.idx.msk [tilespmem:v15+s13+$0x0], $0xffff;
	_ =	sdelay $0x4  }
0xe1: {  	v16 =	vadd.f32 v17, v16;
	_ =	sdelay $0x1  }
0xe2: {  	s1 =	rddreg [dreg:$0x11];
	[tilespmem:v15+s24+$0x0] =	vst.idx.msk $0xffff, v16  }
0xe3: {  	[hbm4b:s1+s2] =	stream.linear.scatter [tilespmem:s24], [sflag:$0xB], $0x2000, $0x38;
	[tilespmem:$0x18000] =	vst v63  }
0xe4: {  	s3 =	rddreg [dreg:$0x12]  }
0xe5: {  	[tilespmem:s9], [sflag:$0x3] =	stream.strided.gather [hbm4b:s3+s8], $0x2000, s9, s8, $0x38;
	[tilespmem:$0x18000] =	vst v63  }
0xe6: {  	s1 =	rddreg [dreg:$0x13]  }
0xe7: {  	[tilespmem:s13], [sflag:$0x7] =	stream.linear.gather [hbm4b:s1+s2], $0x2000, $0x38;
	[tilespmem:$0x18000] =	vst v63  }
0xe8: {  	_ =	swait.ge [sflag:s25], $0x2000  }
0xe9: {  	[sflag:s25] =	ssyncset.done $0x0  }
0xea: {  	[sflag:s25] =	ssyncadd.s32 $0xFFFFE000  }
0xeb: {  	_ =	swait.ge [sflag:s26], $0x2000  }
0xec: {  	[sflag:s26] =	ssyncset.done $0x0  }
0xed: {  	[sflag:s26] =	ssyncadd.s32 $0xFFFFE000  }
0xee: {  	v16 =	vld.idx.msk [tilespmem:v1+s14+$0x0], $0xffff  }
0xef: {  	v17 =	vld.idx.msk [tilespmem:v0+s15+$0x0], $0xffff;
	_ =	sdelay $0x4  }
0xf0: {  	v16 =	vadd.f32 v17, v16;
	_ =	sdelay $0x1  }
0xf1: {  	[tilespmem:v0+s28+$0x0] =	vst.idx.msk $0xffff, v16  }
0xf2: {  	v16 =	vld.idx.msk [tilespmem:v2+s14+$0x0], $0xffff  }
0xf3: {  	v17 =	vld.idx.msk [tilespmem:v2+s15+$0x0], $0xffff;
	_ =	sdelay $0x4  }
0xf4: {  	v16 =	vadd.f32 v17, v16;
	_ =	sdelay $0x1  }
0xf5: {  	[tilespmem:v2+s28+$0x0] =	vst.idx.msk $0xffff, v16  }
0xf6: {  	v16 =	vld.idx.msk [tilespmem:v3+s14+$0x0], $0xffff  }
0xf7: {  	v17 =	vld.idx.msk [tilespmem:v3+s15+$0x0], $0xffff;
	_ =	sdelay $0x4  }
0xf8: {  	v16 =	vadd.f32 v17, v16;
	_ =	sdelay $0x1  }
0xf9: {  	[tilespmem:v3+s28+$0x0] =	vst.idx.msk $0xffff, v16  }
0xfa: {  	v16 =	vld.idx.msk [tilespmem:v4+s14+$0x0], $0xffff  }
0xfb: {  	v17 =	vld.idx.msk [tilespmem:v5+s15+$0x0], $0xffff;
	_ =	sdelay $0x4  }
0xfc: {  	v16 =	vadd.f32 v17, v16;
	_ =	sdelay $0x1  }
0xfd: {  	[tilespmem:v5+s28+$0x0] =	vst.idx.msk $0xffff, v16  }
0xfe: {  	v16 =	vld.idx.msk [tilespmem:v6+s14+$0x0], $0xffff  }
0xff: {  	v17 =	vld.idx.msk [tilespmem:v6+s15+$0x0], $0xffff;
	_ =	sdelay $0x4  }
0x100: {  	v16 =	vadd.f32 v17, v16;
	_ =	sdelay $0x1  }
0x101: {  	[tilespmem:v6+s28+$0x0] =	vst.idx.msk $0xffff, v16  }
0x102: {  	v16 =	vld.idx.msk [tilespmem:v7+s14+$0x0], $0xffff  }
0x103: {  	v17 =	vld.idx.msk [tilespmem:v7+s15+$0x0], $0xffff;
	_ =	sdelay $0x4  }
0x104: {  	v16 =	vadd.f32 v17, v16;
	_ =	sdelay $0x1  }
0x105: {  	[tilespmem:v7+s28+$0x0] =	vst.idx.msk $0xffff, v16  }
0x106: {  	v16 =	vld.idx.msk [tilespmem:v8+s14+$0x0], $0xffff  }
0x107: {  	v17 =	vld.idx.msk [tilespmem:v9+s15+$0x0], $0xffff;
	_ =	sdelay $0x4  }
0x108: {  	v16 =	vadd.f32 v17, v16;
	_ =	sdelay $0x1  }
0x109: {  	[tilespmem:v9+s28+$0x0] =	vst.idx.msk $0xffff, v16  }
0x10a: {  	v16 =	vld.idx.msk [tilespmem:v10+s14+$0x0], $0xffff  }
0x10b: {  	v17 =	vld.idx.msk [tilespmem:v10+s15+$0x0], $0xffff;
	_ =	sdelay $0x4  }
0x10c: {  	v16 =	vadd.f32 v17, v16;
	_ =	sdelay $0x1  }
0x10d: {  	[tilespmem:v10+s28+$0x0] =	vst.idx.msk $0xffff, v16  }
0x10e: {  	v16 =	vld.idx.msk [tilespmem:v11+s14+$0x0], $0xffff  }
0x10f: {  	v17 =	vld.idx.msk [tilespmem:v11+s15+$0x0], $0xffff;
	_ =	sdelay $0x4  }
0x110: {  	v16 =	vadd.f32 v17, v16;
	_ =	sdelay $0x1  }
0x111: {  	[tilespmem:v11+s28+$0x0] =	vst.idx.msk $0xffff, v16  }
0x112: {  	v16 =	vld.idx.msk [tilespmem:v12+s14+$0x0], $0xffff  }
0x113: {  	v17 =	vld.idx.msk [tilespmem:v13+s15+$0x0], $0xffff;
	_ =	sdelay $0x4  }
0x114: {  	v16 =	vadd.f32 v17, v16;
	_ =	sdelay $0x1  }
0x115: {  	[tilespmem:v13+s28+$0x0] =	vst.idx.msk $0xffff, v16  }
0x116: {  	v16 =	vld.idx.msk [tilespmem:v14+s14+$0x0], $0xffff  }
0x117: {  	v17 =	vld.idx.msk [tilespmem:v14+s15+$0x0], $0xffff;
	_ =	sdelay $0x4  }
0x118: {  	v16 =	vadd.f32 v17, v16;
	_ =	sdelay $0x1  }
0x119: {  	[tilespmem:v14+s28+$0x0] =	vst.idx.msk $0xffff, v16  }
0x11a: {  	v16 =	vld.idx.msk [tilespmem:v15+s14+$0x0], $0xffff  }
0x11b: {  	v17 =	vld.idx.msk [tilespmem:v15+s15+$0x0], $0xffff;
	_ =	sdelay $0x4  }
0x11c: {  	v16 =	vadd.f32 v17, v16;
	_ =	sdelay $0x1  }
0x11d: {  	s1 =	rddreg [dreg:$0x14];
	[tilespmem:v15+s28+$0x0] =	vst.idx.msk $0xffff, v16  }
0x11e: {  	[hbm4b:s1+s2] =	stream.linear.scatter [tilespmem:s28], [sflag:$0xC], $0x2000, $0x38;
	[tilespmem:$0x18000] =	vst v63  }
0x11f: {  	s3 =	rddreg [dreg:$0x15]  }
0x120: {  	[tilespmem:s14], [sflag:$0x4] =	stream.strided.gather [hbm4b:s3+s8], $0x2000, s9, s8, $0x38;
	[tilespmem:$0x18000] =	vst v63  }
0x121: {  	s1 =	rddreg [dreg:$0x16]  }
0x122: {  	[tilespmem:s15], [sflag:$0x8] =	stream.linear.gather [hbm4b:s1+s2], $0x2000, $0x38;
	[tilespmem:$0x18000] =	vst v63  }
0x123: {  	_ =	swait.ge [sflag:s16], $0x2000  }
0x124: {  	[sflag:s16] =	ssyncset.done $0x0  }
0x125: {  	[sflag:s16] =	ssyncadd.s32 $0xFFFFE000  }
0x126: {  	_ =	swait.ge [sflag:s17], $0x2000  }
0x127: {  	[sflag:s17] =	ssyncset.done $0x0  }
0x128: {  	[sflag:s17] =	ssyncadd.s32 $0xFFFFE000  }
0x129: {  	_ =	swait.ge [sflag:s29], $0x2000  }
0x12a: {  	[sflag:s29] =	ssyncset.done $0x0  }
0x12b: {  	[sflag:s29] =	ssyncadd.s32 $0xFFFFE000  }
0x12c: {  	v16 =	vld.idx.msk [tilespmem:v1+s2+$0x0], $0xffff  }
0x12d: {  	v17 =	vld.idx.msk [tilespmem:v0+s10+$0x0], $0xffff;
	_ =	sdelay $0x4  }
0x12e: {  	v16 =	vadd.f32 v17, v16;
	_ =	sdelay $0x1  }
0x12f: {  	[tilespmem:v0+s18+$0x0] =	vst.idx.msk $0xffff, v16  }
0x130: {  	v16 =	vld.idx.msk [tilespmem:v2+s2+$0x0], $0xffff  }
0x131: {  	v17 =	vld.idx.msk [tilespmem:v2+s10+$0x0], $0xffff;
	_ =	sdelay $0x4  }
0x132: {  	v16 =	vadd.f32 v17, v16;
	_ =	sdelay $0x1  }
0x133: {  	[tilespmem:v2+s18+$0x0] =	vst.idx.msk $0xffff, v16  }
0x134: {  	v16 =	vld.idx.msk [tilespmem:v3+s2+$0x0], $0xffff  }
0x135: {  	v17 =	vld.idx.msk [tilespmem:v3+s10+$0x0], $0xffff;
	_ =	sdelay $0x4  }
0x136: {  	v16 =	vadd.f32 v17, v16;
	_ =	sdelay $0x1  }
0x137: {  	[tilespmem:v3+s18+$0x0] =	vst.idx.msk $0xffff, v16  }
0x138: {  	v16 =	vld.idx.msk [tilespmem:v4+s2+$0x0], $0xffff  }
0x139: {  	v17 =	vld.idx.msk [tilespmem:v5+s10+$0x0], $0xffff;
	_ =	sdelay $0x4  }
0x13a: {  	v16 =	vadd.f32 v17, v16;
	_ =	sdelay $0x1  }
0x13b: {  	[tilespmem:v5+s18+$0x0] =	vst.idx.msk $0xffff, v16  }
0x13c: {  	v16 =	vld.idx.msk [tilespmem:v6+s2+$0x0], $0xffff  }
0x13d: {  	v17 =	vld.idx.msk [tilespmem:v6+s10+$0x0], $0xffff;
	_ =	sdelay $0x4  }
0x13e: {  	v16 =	vadd.f32 v17, v16;
	_ =	sdelay $0x1  }
0x13f: {  	[tilespmem:v6+s18+$0x0] =	vst.idx.msk $0xffff, v16  }
0x140: {  	v16 =	vld.idx.msk [tilespmem:v7+s2+$0x0], $0xffff  }
0x141: {  	v17 =	vld.idx.msk [tilespmem:v7+s10+$0x0], $0xffff;
	_ =	sdelay $0x4  }
0x142: {  	v16 =	vadd.f32 v17, v16;
	_ =	sdelay $0x1  }
0x143: {  	[tilespmem:v7+s18+$0x0] =	vst.idx.msk $0xffff, v16  }
0x144: {  	v16 =	vld.idx.msk [tilespmem:v8+s2+$0x0], $0xffff  }
0x145: {  	v17 =	vld.idx.msk [tilespmem:v9+s10+$0x0], $0xffff;
	_ =	sdelay $0x4  }
0x146: {  	v16 =	vadd.f32 v17, v16;
	_ =	sdelay $0x1  }
0x147: {  	[tilespmem:v9+s18+$0x0] =	vst.idx.msk $0xffff, v16  }
0x148: {  	v16 =	vld.idx.msk [tilespmem:v10+s2+$0x0], $0xffff  }
0x149: {  	v17 =	vld.idx.msk [tilespmem:v10+s10+$0x0], $0xffff;
	_ =	sdelay $0x4  }
0x14a: {  	v16 =	vadd.f32 v17, v16;
	_ =	sdelay $0x1  }
0x14b: {  	[tilespmem:v10+s18+$0x0] =	vst.idx.msk $0xffff, v16  }
0x14c: {  	v16 =	vld.idx.msk [tilespmem:v11+s2+$0x0], $0xffff  }
0x14d: {  	v17 =	vld.idx.msk [tilespmem:v11+s10+$0x0], $0xffff;
	_ =	sdelay $0x4  }
0x14e: {  	v16 =	vadd.f32 v17, v16;
	_ =	sdelay $0x1  }
0x14f: {  	[tilespmem:v11+s18+$0x0] =	vst.idx.msk $0xffff, v16  }
0x150: {  	v16 =	vld.idx.msk [tilespmem:v12+s2+$0x0], $0xffff  }
0x151: {  	v17 =	vld.idx.msk [tilespmem:v13+s10+$0x0], $0xffff;
	_ =	sdelay $0x4  }
0x152: {  	v16 =	vadd.f32 v17, v16;
	_ =	sdelay $0x1  }
0x153: {  	[tilespmem:v13+s18+$0x0] =	vst.idx.msk $0xffff, v16  }
0x154: {  	v16 =	vld.idx.msk [tilespmem:v14+s2+$0x0], $0xffff  }
0x155: {  	v17 =	vld.idx.msk [tilespmem:v14+s10+$0x0], $0xffff;
	_ =	sdelay $0x4  }
0x156: {  	v16 =	vadd.f32 v17, v16;
	_ =	sdelay $0x1  }
0x157: {  	[tilespmem:v14+s18+$0x0] =	vst.idx.msk $0xffff, v16  }
0x158: {  	v16 =	vld.idx.msk [tilespmem:v15+s2+$0x0], $0xffff  }
0x159: {  	v17 =	vld.idx.msk [tilespmem:v15+s10+$0x0], $0xffff;
	_ =	sdelay $0x4  }
0x15a: {  	v16 =	vadd.f32 v17, v16;
	_ =	sdelay $0x1  }
0x15b: {  	s3 =	rddreg [dreg:$0x17];
	[tilespmem:v15+s18+$0x0] =	vst.idx.msk $0xffff, v16  }
0x15c: {  	[hbm4b:s3+s2] =	stream.linear.scatter [tilespmem:s18], [sflag:$0x9], $0x2000, $0x38;
	[tilespmem:$0x18000] =	vst v63  }
0x15d: {  	_ =	swait.ge [sflag:s19], $0x2000  }
0x15e: {  	[sflag:s19] =	ssyncset.done $0x0  }
0x15f: {  	[sflag:s19] =	ssyncadd.s32 $0xFFFFE000  }
0x160: {  	_ =	swait.ge [sflag:s20], $0x2000  }
0x161: {  	[sflag:s20] =	ssyncset.done $0x0  }
0x162: {  	[sflag:s20] =	ssyncadd.s32 $0xFFFFE000  }
0x163: {  	_ =	swait.ge [sflag:s30], $0x2000  }
0x164: {  	[sflag:s30] =	ssyncset.done $0x0  }
0x165: {  	[sflag:s30] =	ssyncadd.s32 $0xFFFFE000  }
0x166: {  	v16 =	vld.idx.msk [tilespmem:v1+s11+$0x0], $0xffff  }
0x167: {  	v17 =	vld.idx.msk [tilespmem:v0+s12+$0x0], $0xffff;
	_ =	sdelay $0x4  }
0x168: {  	v16 =	vadd.f32 v17, v16;
	_ =	sdelay $0x1  }
0x169: {  	[tilespmem:v0+s21+$0x0] =	vst.idx.msk $0xffff, v16  }
0x16a: {  	v16 =	vld.idx.msk [tilespmem:v2+s11+$0x0], $0xffff  }
0x16b: {  	v17 =	vld.idx.msk [tilespmem:v2+s12+$0x0], $0xffff;
	_ =	sdelay $0x4  }
0x16c: {  	v16 =	vadd.f32 v17, v16;
	_ =	sdelay $0x1  }
0x16d: {  	[tilespmem:v2+s21+$0x0] =	vst.idx.msk $0xffff, v16  }
0x16e: {  	v16 =	vld.idx.msk [tilespmem:v3+s11+$0x0], $0xffff  }
0x16f: {  	v17 =	vld.idx.msk [tilespmem:v3+s12+$0x0], $0xffff;
	_ =	sdelay $0x4  }
0x170: {  	v16 =	vadd.f32 v17, v16;
	_ =	sdelay $0x1  }
0x171: {  	[tilespmem:v3+s21+$0x0] =	vst.idx.msk $0xffff, v16  }
0x172: {  	v16 =	vld.idx.msk [tilespmem:v4+s11+$0x0], $0xffff  }
0x173: {  	v17 =	vld.idx.msk [tilespmem:v5+s12+$0x0], $0xffff;
	_ =	sdelay $0x4  }
0x174: {  	v16 =	vadd.f32 v17, v16;
	_ =	sdelay $0x1  }
0x175: {  	[tilespmem:v5+s21+$0x0] =	vst.idx.msk $0xffff, v16  }
0x176: {  	v16 =	vld.idx.msk [tilespmem:v6+s11+$0x0], $0xffff  }
0x177: {  	v17 =	vld.idx.msk [tilespmem:v6+s12+$0x0], $0xffff;
	_ =	sdelay $0x4  }
0x178: {  	v16 =	vadd.f32 v17, v16;
	_ =	sdelay $0x1  }
0x179: {  	[tilespmem:v6+s21+$0x0] =	vst.idx.msk $0xffff, v16  }
0x17a: {  	v16 =	vld.idx.msk [tilespmem:v7+s11+$0x0], $0xffff  }
0x17b: {  	v17 =	vld.idx.msk [tilespmem:v7+s12+$0x0], $0xffff;
	_ =	sdelay $0x4  }
0x17c: {  	v16 =	vadd.f32 v17, v16;
	_ =	sdelay $0x1  }
0x17d: {  	[tilespmem:v7+s21+$0x0] =	vst.idx.msk $0xffff, v16  }
0x17e: {  	v16 =	vld.idx.msk [tilespmem:v8+s11+$0x0], $0xffff  }
0x17f: {  	v17 =	vld.idx.msk [tilespmem:v9+s12+$0x0], $0xffff;
	_ =	sdelay $0x4  }
0x180: {  	v16 =	vadd.f32 v17, v16;
	_ =	sdelay $0x1  }
0x181: {  	[tilespmem:v9+s21+$0x0] =	vst.idx.msk $0xffff, v16  }
0x182: {  	v16 =	vld.idx.msk [tilespmem:v10+s11+$0x0], $0xffff  }
0x183: {  	v17 =	vld.idx.msk [tilespmem:v10+s12+$0x0], $0xffff;
	_ =	sdelay $0x4  }
0x184: {  	v16 =	vadd.f32 v17, v16;
	_ =	sdelay $0x1  }
0x185: {  	[tilespmem:v10+s21+$0x0] =	vst.idx.msk $0xffff, v16  }
0x186: {  	v16 =	vld.idx.msk [tilespmem:v11+s11+$0x0], $0xffff  }
0x187: {  	v17 =	vld.idx.msk [tilespmem:v11+s12+$0x0], $0xffff;
	_ =	sdelay $0x4  }
0x188: {  	v16 =	vadd.f32 v17, v16;
	_ =	sdelay $0x1  }
0x189: {  	[tilespmem:v11+s21+$0x0] =	vst.idx.msk $0xffff, v16  }
0x18a: {  	v16 =	vld.idx.msk [tilespmem:v12+s11+$0x0], $0xffff  }
0x18b: {  	v17 =	vld.idx.msk [tilespmem:v13+s12+$0x0], $0xffff;
	_ =	sdelay $0x4  }
0x18c: {  	v16 =	vadd.f32 v17, v16;
	_ =	sdelay $0x1  }
0x18d: {  	[tilespmem:v13+s21+$0x0] =	vst.idx.msk $0xffff, v16  }
0x18e: {  	v16 =	vld.idx.msk [tilespmem:v14+s11+$0x0], $0xffff  }
0x18f: {  	v17 =	vld.idx.msk [tilespmem:v14+s12+$0x0], $0xffff;
	_ =	sdelay $0x4  }
0x190: {  	v16 =	vadd.f32 v17, v16;
	_ =	sdelay $0x1  }
0x191: {  	[tilespmem:v14+s21+$0x0] =	vst.idx.msk $0xffff, v16  }
0x192: {  	v16 =	vld.idx.msk [tilespmem:v15+s11+$0x0], $0xffff  }
0x193: {  	v17 =	vld.idx.msk [tilespmem:v15+s12+$0x0], $0xffff;
	_ =	sdelay $0x4  }
0x194: {  	v16 =	vadd.f32 v17, v16;
	_ =	sdelay $0x1  }
0x195: {  	[tilespmem:v15+s21+$0x0] =	vst.idx.msk $0xffff, v16  }
0x196: {  	[hbm4b:s4+s2] =	stream.linear.scatter [tilespmem:s21], [sflag:$0xA], $0x2000, $0x38;
	[tilespmem:$0x18000] =	vst v63  }
0x197: {  	_ =	swait.ge [sflag:s22], $0x2000  }
0x198: {  	[sflag:s22] =	ssyncset.done $0x0  }
0x199: {  	[sflag:s22] =	ssyncadd.s32 $0xFFFFE000  }
0x19a: {  	_ =	swait.ge [sflag:s23], $0x2000  }
0x19b: {  	[sflag:s23] =	ssyncset.done $0x0  }
0x19c: {  	[sflag:s23] =	ssyncadd.s32 $0xFFFFE000  }
0x19d: {  	_ =	swait.ge [sflag:s31], $0x2000  }
0x19e: {  	[sflag:s31] =	ssyncset.done $0x0  }
0x19f: {  	[sflag:s31] =	ssyncadd.s32 $0xFFFFE000  }
0x1a0: {  	v16 =	vld.idx.msk [tilespmem:v1+s9+$0x0], $0xffff  }
0x1a1: {  	v17 =	vld.idx.msk [tilespmem:v0+s13+$0x0], $0xffff;
	_ =	sdelay $0x4  }
0x1a2: {  	v16 =	vadd.f32 v17, v16;
	_ =	sdelay $0x1  }
0x1a3: {  	[tilespmem:v0+s24+$0x0] =	vst.idx.msk $0xffff, v16  }
0x1a4: {  	v16 =	vld.idx.msk [tilespmem:v2+s9+$0x0], $0xffff  }
0x1a5: {  	v17 =	vld.idx.msk [tilespmem:v2+s13+$0x0], $0xffff;
	_ =	sdelay $0x4  }
0x1a6: {  	v16 =	vadd.f32 v17, v16;
	_ =	sdelay $0x1  }
0x1a7: {  	[tilespmem:v2+s24+$0x0] =	vst.idx.msk $0xffff, v16  }
0x1a8: {  	v16 =	vld.idx.msk [tilespmem:v3+s9+$0x0], $0xffff  }
0x1a9: {  	v17 =	vld.idx.msk [tilespmem:v3+s13+$0x0], $0xffff;
	_ =	sdelay $0x4  }
0x1aa: {  	v16 =	vadd.f32 v17, v16;
	_ =	sdelay $0x1  }
0x1ab: {  	[tilespmem:v3+s24+$0x0] =	vst.idx.msk $0xffff, v16  }
0x1ac: {  	v16 =	vld.idx.msk [tilespmem:v4+s9+$0x0], $0xffff  }
0x1ad: {  	v17 =	vld.idx.msk [tilespmem:v5+s13+$0x0], $0xffff;
	_ =	sdelay $0x4  }
0x1ae: {  	v16 =	vadd.f32 v17, v16;
	_ =	sdelay $0x1  }
0x1af: {  	[tilespmem:v5+s24+$0x0] =	vst.idx.msk $0xffff, v16  }
0x1b0: {  	v16 =	vld.idx.msk [tilespmem:v6+s9+$0x0], $0xffff  }
0x1b1: {  	v17 =	vld.idx.msk [tilespmem:v6+s13+$0x0], $0xffff;
	_ =	sdelay $0x4  }
0x1b2: {  	v16 =	vadd.f32 v17, v16;
	_ =	sdelay $0x1  }
0x1b3: {  	[tilespmem:v6+s24+$0x0] =	vst.idx.msk $0xffff, v16  }
0x1b4: {  	v16 =	vld.idx.msk [tilespmem:v7+s9+$0x0], $0xffff  }
0x1b5: {  	v17 =	vld.idx.msk [tilespmem:v7+s13+$0x0], $0xffff;
	_ =	sdelay $0x4  }
0x1b6: {  	v16 =	vadd.f32 v17, v16;
	_ =	sdelay $0x1  }
0x1b7: {  	[tilespmem:v7+s24+$0x0] =	vst.idx.msk $0xffff, v16  }
0x1b8: {  	v16 =	vld.idx.msk [tilespmem:v8+s9+$0x0], $0xffff  }
0x1b9: {  	v17 =	vld.idx.msk [tilespmem:v9+s13+$0x0], $0xffff;
	_ =	sdelay $0x4  }
0x1ba: {  	v16 =	vadd.f32 v17, v16;
	_ =	sdelay $0x1  }
0x1bb: {  	[tilespmem:v9+s24+$0x0] =	vst.idx.msk $0xffff, v16  }
0x1bc: {  	v16 =	vld.idx.msk [tilespmem:v10+s9+$0x0], $0xffff  }
0x1bd: {  	v17 =	vld.idx.msk [tilespmem:v10+s13+$0x0], $0xffff;
	_ =	sdelay $0x4  }
0x1be: {  	v16 =	vadd.f32 v17, v16;
	_ =	sdelay $0x1  }
0x1bf: {  	[tilespmem:v10+s24+$0x0] =	vst.idx.msk $0xffff, v16  }
0x1c0: {  	v16 =	vld.idx.msk [tilespmem:v11+s9+$0x0], $0xffff  }
0x1c1: {  	v17 =	vld.idx.msk [tilespmem:v11+s13+$0x0], $0xffff;
	_ =	sdelay $0x4  }
0x1c2: {  	v16 =	vadd.f32 v17, v16;
	_ =	sdelay $0x1  }
0x1c3: {  	[tilespmem:v11+s24+$0x0] =	vst.idx.msk $0xffff, v16  }
0x1c4: {  	v16 =	vld.idx.msk [tilespmem:v12+s9+$0x0], $0xffff  }
0x1c5: {  	v17 =	vld.idx.msk [tilespmem:v13+s13+$0x0], $0xffff;
	_ =	sdelay $0x4  }
0x1c6: {  	v16 =	vadd.f32 v17, v16;
	_ =	sdelay $0x1  }
0x1c7: {  	[tilespmem:v13+s24+$0x0] =	vst.idx.msk $0xffff, v16  }
0x1c8: {  	v16 =	vld.idx.msk [tilespmem:v14+s9+$0x0], $0xffff  }
0x1c9: {  	v17 =	vld.idx.msk [tilespmem:v14+s13+$0x0], $0xffff;
	_ =	sdelay $0x4  }
0x1ca: {  	v16 =	vadd.f32 v17, v16;
	_ =	sdelay $0x1  }
0x1cb: {  	[tilespmem:v14+s24+$0x0] =	vst.idx.msk $0xffff, v16  }
0x1cc: {  	v16 =	vld.idx.msk [tilespmem:v15+s9+$0x0], $0xffff  }
0x1cd: {  	v17 =	vld.idx.msk [tilespmem:v15+s13+$0x0], $0xffff;
	_ =	sdelay $0x4  }
0x1ce: {  	v16 =	vadd.f32 v17, v16;
	_ =	sdelay $0x1  }
0x1cf: {  	[tilespmem:v15+s24+$0x0] =	vst.idx.msk $0xffff, v16  }
0x1d0: {  	[hbm4b:s5+s2] =	stream.linear.scatter [tilespmem:s24], [sflag:$0xB], $0x2000, $0x38;
	[tilespmem:$0x18000] =	vst v63  }
0x1d1: {  	_ =	swait.ge [sflag:s25], $0x2000  }
0x1d2: {  	[sflag:s25] =	ssyncset.done $0x0  }
0x1d3: {  	[sflag:s25] =	ssyncadd.s32 $0xFFFFE000  }
0x1d4: {  	_ =	swait.ge [sflag:s26], $0x2000  }
0x1d5: {  	[sflag:s26] =	ssyncset.done $0x0  }
0x1d6: {  	[sflag:s26] =	ssyncadd.s32 $0xFFFFE000  }
0x1d7: {  	_ =	swait.ge [sflag:s0], $0x2000  }
0x1d8: {  	[sflag:s0] =	ssyncset.done $0x0  }
0x1d9: {  	[sflag:s0] =	ssyncadd.s32 $0xFFFFE000  }
0x1da: {  	v16 =	vld.idx.msk [tilespmem:v1+s14+$0x0], $0xffff  }
0x1db: {  	v17 =	vld.idx.msk [tilespmem:v0+s15+$0x0], $0xffff;
	_ =	sdelay $0x4  }
0x1dc: {  	v16 =	vadd.f32 v17, v16;
	_ =	sdelay $0x1  }
0x1dd: {  	[tilespmem:v0+s28+$0x0] =	vst.idx.msk $0xffff, v16  }
0x1de: {  	v16 =	vld.idx.msk [tilespmem:v2+s14+$0x0], $0xffff  }
0x1df: {  	v17 =	vld.idx.msk [tilespmem:v2+s15+$0x0], $0xffff;
	_ =	sdelay $0x4  }
0x1e0: {  	v16 =	vadd.f32 v17, v16;
	_ =	sdelay $0x1  }
0x1e1: {  	[tilespmem:v2+s28+$0x0] =	vst.idx.msk $0xffff, v16  }
0x1e2: {  	v16 =	vld.idx.msk [tilespmem:v3+s14+$0x0], $0xffff  }
0x1e3: {  	v17 =	vld.idx.msk [tilespmem:v3+s15+$0x0], $0xffff;
	_ =	sdelay $0x4  }
0x1e4: {  	v16 =	vadd.f32 v17, v16;
	_ =	sdelay $0x1  }
0x1e5: {  	[tilespmem:v3+s28+$0x0] =	vst.idx.msk $0xffff, v16  }
0x1e6: {  	v16 =	vld.idx.msk [tilespmem:v4+s14+$0x0], $0xffff  }
0x1e7: {  	v17 =	vld.idx.msk [tilespmem:v5+s15+$0x0], $0xffff;
	_ =	sdelay $0x4  }
0x1e8: {  	v16 =	vadd.f32 v17, v16;
	_ =	sdelay $0x1  }
0x1e9: {  	[tilespmem:v5+s28+$0x0] =	vst.idx.msk $0xffff, v16  }
0x1ea: {  	v16 =	vld.idx.msk [tilespmem:v6+s14+$0x0], $0xffff  }
0x1eb: {  	v17 =	vld.idx.msk [tilespmem:v6+s15+$0x0], $0xffff;
	_ =	sdelay $0x4  }
0x1ec: {  	v16 =	vadd.f32 v17, v16;
	_ =	sdelay $0x1  }
0x1ed: {  	[tilespmem:v6+s28+$0x0] =	vst.idx.msk $0xffff, v16  }
0x1ee: {  	v16 =	vld.idx.msk [tilespmem:v7+s14+$0x0], $0xffff  }
0x1ef: {  	v17 =	vld.idx.msk [tilespmem:v7+s15+$0x0], $0xffff;
	_ =	sdelay $0x4  }
0x1f0: {  	v16 =	vadd.f32 v17, v16;
	_ =	sdelay $0x1  }
0x1f1: {  	[tilespmem:v7+s28+$0x0] =	vst.idx.msk $0xffff, v16  }
0x1f2: {  	v16 =	vld.idx.msk [tilespmem:v8+s14+$0x0], $0xffff  }
0x1f3: {  	v17 =	vld.idx.msk [tilespmem:v9+s15+$0x0], $0xffff;
	_ =	sdelay $0x4  }
0x1f4: {  	v16 =	vadd.f32 v17, v16;
	_ =	sdelay $0x1  }
0x1f5: {  	[tilespmem:v9+s28+$0x0] =	vst.idx.msk $0xffff, v16  }
0x1f6: {  	v16 =	vld.idx.msk [tilespmem:v10+s14+$0x0], $0xffff  }
0x1f7: {  	v17 =	vld.idx.msk [tilespmem:v10+s15+$0x0], $0xffff;
	_ =	sdelay $0x4  }
0x1f8: {  	v16 =	vadd.f32 v17, v16;
	_ =	sdelay $0x1  }
0x1f9: {  	[tilespmem:v10+s28+$0x0] =	vst.idx.msk $0xffff, v16  }
0x1fa: {  	v16 =	vld.idx.msk [tilespmem:v11+s14+$0x0], $0xffff  }
0x1fb: {  	v17 =	vld.idx.msk [tilespmem:v11+s15+$0x0], $0xffff;
	_ =	sdelay $0x4  }
0x1fc: {  	v16 =	vadd.f32 v17, v16;
	_ =	sdelay $0x1  }
0x1fd: {  	[tilespmem:v11+s28+$0x0] =	vst.idx.msk $0xffff, v16  }
0x1fe: {  	v16 =	vld.idx.msk [tilespmem:v12+s14+$0x0], $0xffff  }
0x1ff: {  	v17 =	vld.idx.msk [tilespmem:v13+s15+$0x0], $0xffff;
	_ =	sdelay $0x4  }
0x200: {  	v16 =	vadd.f32 v17, v16;
	_ =	sdelay $0x1  }
0x201: {  	[tilespmem:v13+s28+$0x0] =	vst.idx.msk $0xffff, v16  }
0x202: {  	v16 =	vld.idx.msk [tilespmem:v14+s14+$0x0], $0xffff  }
0x203: {  	v17 =	vld.idx.msk [tilespmem:v14+s15+$0x0], $0xffff;
	_ =	sdelay $0x4  }
0x204: {  	v16 =	vadd.f32 v17, v16;
	_ =	sdelay $0x1  }
0x205: {  	[tilespmem:v14+s28+$0x0] =	vst.idx.msk $0xffff, v16  }
0x206: {  	v16 =	vld.idx.msk [tilespmem:v15+s14+$0x0], $0xffff  }
0x207: {  	v17 =	vld.idx.msk [tilespmem:v15+s15+$0x0], $0xffff;
	_ =	sdelay $0x4  }
0x208: {  	v16 =	vadd.f32 v17, v16;
	_ =	sdelay $0x1  }
0x209: {  	[tilespmem:v15+s28+$0x0] =	vst.idx.msk $0xffff, v16  }
0x20a: {  	[hbm4b:s6+s2] =	stream.linear.scatter [tilespmem:s28], [sflag:$0xC], $0x2000, $0x38;
	[tilespmem:$0x18000] =	vst v63  }
0x20b: {  	_ =	swait.ge [sflag:s29], $0x2000  }
0x20c: {  	[sflag:s29] =	ssyncset.done $0x0  }
0x20d: {  	[sflag:s29] =	ssyncadd.s32 $0xFFFFE000  }
0x20e: {  	_ =	swait.ge [sflag:s30], $0x2000  }
0x20f: {  	[sflag:s30] =	ssyncset.done $0x0  }
0x210: {  	[sflag:s30] =	ssyncadd.s32 $0xFFFFE000  }
0x211: {  	p0 =	sne.s32 s7, $0x1;
	_ =	swait.ge [sflag:s31], $0x2000  }
.Ltmp0:
0x212: {  	[sflag:s31] =	ssyncset.done $0x0;
	(pc) =	sbr.rel @p0 .LBB2_1-.Ltmp0, $4  }
0x213: {  	[sflag:s31] =	ssyncadd.s32 $0xFFFFE000  }
0x214: {  	_ =	swait.ge [sflag:s0], $0x2000  }
0x215: {  	[sflag:s0] =	ssyncset.done $0x0  }
0x216: {  	s7 =	sadd.s32 $0xFFFFFFFF, s7;
	[sflag:s0] =	ssyncadd.s32 $0xFFFFE000  }
0x217: {  	_ =	sfence.sel $0x180000  }
0x218: {  	[bflag:$0x0] =	sbarrier.arrive $0xFFFF  }
0x219: {  	_ =	strace $0x90000047  }
0x21a: {  	s0 =	stileid.u32;
	[bflag:$0x2] =	sbarrier.arrive $0xFFFF  }
0x21b: {  	p0 =	sne.s32 s0, $0x0;
	s0 =	rddreg [dreg:$0x2]  }
0x21c: {  	s0 =	sadd.s32 @!p0 $0x100000, s0  }
0x21d: {  	[sflag:s0] =	ssyncadd.tile.s32 @!p0 $0x1;
	_ =	shalt  }
.Lfunc_end2:
_tile_overlayer_lowered:
.L_overlay_start_2:
0x21e: {  	(tag) =	ssettag $0x2  }
0x21f: {  	s0 =	rddreg [dreg:$0x0];
	s2 =	stileid.u32  }
0x220: {  	s1 =	rddreg [dreg:$0x1];
	p0 =	sne.s32 s2, $0x0  }
0x221: {  	s3 =	rddreg [dreg:$0x2];
	[bflag:$0x3] =	sbarrier.arrive $0xFFFF;
	s2 =	simm.s32 @!p0 $0x1C0D  }
0x222: {  	[timem:s3], [sflag:s2] =	dma.local @!p0 [hbm:s0], s1  }
0x223: {  	s0 =	simm.s32 @!p0 $0xD  }
0x224: {  	_ =	swait.ge @!p0 [sflag:s0], s1  }
0x225: {  	s1 =	ssub.s32 @!p0 $0x0, s1;
	[sflag:s0] =	ssyncset.done @!p0 $0x0  }
0x226: {  	[sflag:s0] =	ssyncadd.s32 @!p0 s1  }
0x227: {  	[bflag:$0x3] =	sbarrier.arrive $0xFFFF  }
0x228: {  	_ =	shalt  }

</sc_bundles>
